<compile_context>
chip_gen: v7x
topology: tpu7x:2x2x1
jax: 0.10.2.dev20260603
libtpu: 0.0.44.dev20260713+nightly
codegen_flags: <defaults>
</compile_context>

<pallas_src>
import functools

import jax
import jax.numpy as jnp
from jax import lax
from jax.experimental import pallas as pl
from jax.experimental.pallas import tpu as pltpu
from jax.experimental.pallas import tpu_sc as plsc

_NC, _NS = 2, 16
_N = 10000
_E = 160000
_NPAD = 10240
_RPS = _NPAD // _NS
_EPAD = 163840
_NSTR = 80
_DSTR = 40
_FC = 128
_BM = 2048
_G = 16
_HALF = _NPAD // 2
_HRPS = _HALF // _NS
_ACCR = _HALF + 128


def _sc_mesh():
    return plsc.VectorSubcoreMesh(
        core_axis_name="c", subcore_axis_name="s",
        num_cores=_NC, num_subcores=_NS)


@functools.partial(
    pl.kernel,
    out_type=(jax.ShapeDtypeStruct((_NPAD,), jnp.float32),
              jax.ShapeDtypeStruct((_NPAD,), jnp.float32)),
    mesh=_sc_mesh(),
    scratch_types=[
        pltpu.VMEM((_DSTR, 128), jnp.int32),
        pltpu.VMEM((128,), jnp.float32),
        pltpu.VMEM_SHARED((_NPAD,), jnp.float32),
        pltpu.SemaphoreType.DMA,
    ],
)
def _deg_kernel(dst_hbm, zeros_hbm, deg0_hbm, deg1_hbm, dst_v, ones_v, acc, sem):
    c = lax.axis_index("c")
    s = lax.axis_index("s")
    w = c * _NS + s
    pltpu.sync_copy(dst_hbm.at[w], dst_v)
    for i in range(8):
        ones_v[pl.ds(16 * i, 16)] = jnp.ones((16,), jnp.float32)
    pltpu.sync_copy(zeros_hbm, acc.at[pl.ds(s * _RPS, _RPS)])
    plsc.subcore_barrier()

    def blk(o, carry):
        def fire(i, carry2):
            pltpu.async_copy(ones_v, acc.at[dst_v.at[o * 8 + i]], sem, add=True)
            return carry2

        lax.fori_loop(0, 8, fire, 0)

        def drain(i, carry2):
            pltpu.make_async_copy(ones_v, acc.at[dst_v.at[0]], sem).wait()
            return carry2

        lax.fori_loop(0, 8, drain, 0)
        return carry

    lax.fori_loop(0, _DSTR // 8, blk, 0)
    plsc.subcore_barrier()

    @pl.when(c == 0)
    def _():
        pltpu.sync_copy(acc.at[pl.ds(s * _RPS, _RPS)],
                        deg0_hbm.at[pl.ds(s * _RPS, _RPS)])

    @pl.when(c == 1)
    def _():
        pltpu.sync_copy(acc.at[pl.ds(s * _RPS, _RPS)],
                        deg1_hbm.at[pl.ds(s * _RPS, _RPS)])


def _run_chunk(t, o, src_v, dst_v, bufs, acc, zeros_hbm, gsems, ssems, s,
               base, do_edges):
    pltpu.sync_copy(zeros_hbm, acc.at[pl.ds(s * _HRPS, _HRPS)])
    plsc.subcore_barrier()

    @pl.when(do_edges)
    def _():
        for j in range(3):
            pltpu.async_copy(t.at[src_v.at[j]], bufs[j], gsems[j])

        def body(i, carry):
            for b in range(4):
                j = 4 * i + b
                pltpu.make_async_copy(t.at[src_v.at[0]], bufs[b],
                                      gsems[b]).wait()
                pltpu.async_copy(bufs[b], acc.at[dst_v.at[j]], ssems[b],
                                 add=True)
                pb = (b - 1) % 4
                if b == 0:
                    @pl.when(i >= 1)
                    def _():
                        pltpu.make_async_copy(
                            bufs[pb], acc.at[dst_v.at[0]], ssems[pb]).wait()
                else:
                    pltpu.make_async_copy(
                        bufs[pb], acc.at[dst_v.at[0]], ssems[pb]).wait()
                gb = (b + 3) % 4
                if b == 0:
                    pltpu.async_copy(t.at[src_v.at[j + 3]], bufs[gb],
                                     gsems[gb])
                else:
                    @pl.when(i < _NSTR // 4 - 1)
                    def _():
                        pltpu.async_copy(t.at[src_v.at[j + 3]], bufs[gb],
                                         gsems[gb])
            return carry

        lax.fori_loop(0, _NSTR // 4, body, 0)
        pltpu.make_async_copy(bufs[3], acc.at[dst_v.at[0]], ssems[3]).wait()

    plsc.subcore_barrier()
    pltpu.sync_copy(acc.at[pl.ds(s * _HRPS, _HRPS)],
                    o.at[pl.ds(base + s * _HRPS, _HRPS)])
    plsc.subcore_barrier()


_AGG_SCRATCH = ([pltpu.VMEM((_NSTR, 128), jnp.int32),
                 pltpu.VMEM((_NSTR, 128), jnp.int32),
                 pltpu.VMEM((16,), jnp.int32)]
                + [pltpu.VMEM((128, _FC), jnp.float32) for _ in range(4)]
                + [pltpu.VMEM_SHARED((_ACCR, _FC), jnp.float32)]
                + [pltpu.SemaphoreType.DMA for _ in range(8)])


@functools.partial(
    pl.kernel,
    out_type=tuple(jax.ShapeDtypeStruct((_NPAD, _FC), jnp.float32)
                   for _ in range(4)),
    mesh=_sc_mesh(),
    scratch_types=_AGG_SCRATCH,
)
def _agg4(t0, t1, t2, t3, src_hbm, dst_hbm, act_hbm, zeros_hbm,
          o0, o1, o2, o3,
          src_v, dst_v, act_v, b0, b1, b2, b3, acc,
          g0, g1, g2, g3, s0, s1, s2, s3):
    tables = (t0, t1, t2, t3)
    out_refs = (o0, o1, o2, o3)
    bufs = (b0, b1, b2, b3)
    gsems = (g0, g1, g2, g3)
    ssems = (s0, s1, s2, s3)
    c = lax.axis_index("c")
    s = lax.axis_index("s")
    w = c * _NS + s
    base = c * _HALF
    pltpu.sync_copy(src_hbm.at[s], src_v)
    pltpu.sync_copy(dst_hbm.at[w], dst_v)
    pltpu.sync_copy(act_hbm, act_v)
    a = act_v[pl.ds(0, 16)][0]
    for k in range(4):
        do_edges = (a > 0) if k >= 2 else (a > -1)
        _run_chunk(tables[k], out_refs[k], src_v, dst_v, bufs,
                   acc, zeros_hbm, gsems, ssems, s, base, do_edges)


def _tc_scale(x_pad, deg0, deg1):
    grid = _NPAD // _BM

    def body(x_ref, d0_ref, d1_ref, dinv_ref, t0_ref, t1_ref):
        deg = d0_ref[...] + d1_ref[...] + 1.0
        dinv = lax.rsqrt(deg)
        dinv_ref[...] = dinv
        t = x_ref[...] * dinv
        t0_ref[...] = t[:, :_FC]
        t1_ref[...] = t[:, _FC:]

    return pl.pallas_call(
        body,
        grid=(grid,),
        in_specs=[pl.BlockSpec((_BM, 256), lambda i: (i, 0)),
                  pl.BlockSpec((_BM, 1), lambda i: (i, 0)),
                  pl.BlockSpec((_BM, 1), lambda i: (i, 0))],
        out_specs=[pl.BlockSpec((_BM, 1), lambda i: (i, 0))]
        + [pl.BlockSpec((_BM, _FC), lambda i: (i, 0))] * 2,
        out_shape=[jax.ShapeDtypeStruct((_NPAD, 1), jnp.float32)]
        + [jax.ShapeDtypeStruct((_NPAD, _FC), jnp.float32)] * 2,
    )(x_pad, deg0, deg1)


def _tc_layer(aggs, ts, dinv, W, br):
    grid = _NPAD // _BM

    def body(*refs):
        ar = refs[0:4]
        tr = refs[4:8]
        dr, wr, brr = refs[8], refs[9], refs[10]
        touts = refs[11:15]
        dv = dr[...]
        z = jnp.concatenate([a[...] + t[...] for a, t in zip(ar, tr)],
                            axis=1) * dv
        h = lax.dot_general(z, wr[...], (((1,), (0,)), ((), ())),
                            preferred_element_type=jnp.float32)
        tn = jnp.maximum(h + brr[...], 0.0) * dv
        for k in range(4):
            touts[k][...] = tn[:, _FC * k:_FC * (k + 1)]

    cspec = pl.BlockSpec((_BM, _FC), lambda i: (i, 0))
    return pl.pallas_call(
        body,
        grid=(grid,),
        in_specs=[cspec] * 8 + [
            pl.BlockSpec((_BM, 1), lambda i: (i, 0)),
            pl.BlockSpec((512, 512), lambda i: (0, 0)),
            pl.BlockSpec((1, 512), lambda i: (0, 0))],
        out_specs=[cspec] * 4,
        out_shape=[jax.ShapeDtypeStruct((_NPAD, _FC), jnp.float32)
                   for _ in range(4)],
    )(*aggs, *ts, dinv, W, br)


def _tc_head(h2s, dinv, batch_p, fcW, fcbr):
    grid = _NPAD // _BM

    def body(*refs):
        hr = refs[0:4]
        dr, bat, fwr, fbr = refs[4], refs[5], refs[6], refs[7]
        out, sums, cnts = refs[8], refs[9], refs[10]
        i = pl.program_id(0)

        @pl.when(i == 0)
        def _():
            sums[...] = jnp.zeros_like(sums)
            cnts[...] = jnp.zeros_like(cnts)

        h = jnp.concatenate([hc[...] for hc in hr], axis=1) / dr[...]
        gids = lax.broadcasted_iota(jnp.int32, (1, _G), 1)
        mask = (bat[...] == gids).astype(jnp.float32)
        sums[...] += lax.dot_general(mask, h, (((0,), (0,)), ((), ())),
                                     preferred_element_type=jnp.float32)
        cnts[...] += lax.dot_general(
            mask, jnp.ones((_BM, 128), jnp.float32),
            (((0,), (0,)), ((), ())), preferred_element_type=jnp.float32)

        @pl.when(i == grid - 1)
        def _():
            pooled = sums[...] / jnp.maximum(cnts[...][:, :1], 1.0)
            logits = lax.dot_general(pooled, fwr[...],
                                     (((1,), (0,)), ((), ())),
                                     preferred_element_type=jnp.float32)
            logits = logits + fbr[...]
            m = jnp.max(logits, axis=1, keepdims=True)
            e = jnp.exp(logits - m)
            out[...] = (logits - m) - jnp.log(jnp.sum(e, axis=1,
                                                      keepdims=True))

    cspec = pl.BlockSpec((_BM, _FC), lambda i: (i, 0))
    return pl.pallas_call(
        body,
        grid=(grid,),
        in_specs=[cspec] * 4 + [
            pl.BlockSpec((_BM, 1), lambda i: (i, 0)),
            pl.BlockSpec((_BM, 1), lambda i: (i, 0)),
            pl.BlockSpec((512, 64), lambda i: (0, 0)),
            pl.BlockSpec((1, 64), lambda i: (0, 0))],
        out_specs=pl.BlockSpec((_G, 64), lambda i: (0, 0)),
        out_shape=jax.ShapeDtypeStruct((_G, 64), jnp.float32),
        scratch_shapes=[pltpu.VMEM((_G, 512), jnp.float32),
                        pltpu.VMEM((_G, 128), jnp.float32)],
    )(*h2s, dinv, batch_p, fcW, fcbr)


def kernel(x, edge_index, batch, W1, b1, W2, b2, fc_W, fc_b):
    src = edge_index[0]
    dst = edge_index[1]
    pe = _EPAD - _E
    aux = jnp.arange(pe, dtype=jnp.int32)
    src_p = jnp.concatenate([src, aux % _N])
    dst_p = jnp.concatenate([dst, _N + (aux % 16)])
    src_r = src_p.reshape(_NS, _NSTR, 128)
    dst_r32 = dst_p.reshape(_NC * _NS, _DSTR, 128)
    dummy = _HALF + (jnp.arange(_EPAD, dtype=jnp.int32) % 128)
    dst_lo = jnp.where(dst_p < _HALF, dst_p, dummy)
    dst_hi = jnp.where((dst_p >= _HALF) & (dst_p < _N), dst_p - _HALF, dummy)
    dst_r = jnp.stack([dst_lo.reshape(_NS, _NSTR, 128),
                       dst_hi.reshape(_NS, _NSTR, 128)]
                      ).reshape(_NC * _NS, _NSTR, 128)
    zeros1 = jnp.zeros((_RPS,), jnp.float32)
    zeros2 = jnp.zeros((_HRPS, _FC), jnp.float32)
    x_pad = jnp.pad(x, ((0, _NPAD - _N), (0, 0)))
    batch_p = jnp.concatenate(
        [batch, jnp.full((_NPAD - _N,), _G, jnp.int32)]).reshape(_NPAD, 1)

    deg0, deg1 = _deg_kernel(dst_r32, zeros1)
    dinv, t10, t11 = _tc_scale(x_pad, deg0.reshape(_NPAD, 1),
                               deg1.reshape(_NPAD, 1))
    tz = jnp.zeros((_NPAD, _FC), jnp.float32)
    Wstack = jnp.stack([jnp.pad(W1, ((0, 256), (0, 0))), W2])
    bstack = jnp.stack([b1.reshape(1, 512), b2.reshape(1, 512)])

    acts = jnp.array([[0] * 16, [1] * 16], dtype=jnp.int32)

    def layer(ts, wb):
        W, br, act = wb
        aggs = _agg4(*ts, src_r, dst_r, act, zeros2)
        outs = _tc_layer(aggs, ts, dinv, W, br)
        return tuple(outs), None

    t3, _ = lax.scan(layer, (t10, t11, tz, tz), (Wstack, bstack, acts))
    return _tc_head(t3, dinv, batch_p, fc_W, fc_b.reshape(1, 64))

# --- scband reference (transcript-rebuilt; emitter-appended) ---
"""Pipeline reference for scband-gnnclassifier-12180527252142 (READ-ONLY COPY).

The authoritative reference and input builder live on the scoring server;
editing this copy changes nothing except your own understanding.
"""

import jax, jax.numpy as jnp
import numpy as np

N = 10000
E = 160000
F_IN = 256
H = 512
C = 64
G = 16


def setup_inputs(seed: int = 0) -> dict:
    key = jax.random.key(seed)
    ks = jax.random.split(key, 9)
    x = jax.random.normal(ks[0], (N, F_IN), dtype=jnp.float32)
    edge_index = jax.random.randint(ks[1], (2, E), 0, N, dtype=jnp.int32)
    batch = jnp.sort(jax.random.randint(ks[2], (N,), 0, G, dtype=jnp.int32))
    W1 = jax.random.normal(ks[3], (F_IN, H), dtype=jnp.float32) * (1.0 / np.sqrt(F_IN))
    b1 = jnp.zeros((H,), dtype=jnp.float32)
    W2 = jax.random.normal(ks[4], (H, H), dtype=jnp.float32) * (1.0 / np.sqrt(H))
    b2 = jnp.zeros((H,), dtype=jnp.float32)
    fc_W = jax.random.normal(ks[5], (H, C), dtype=jnp.float32) * (1.0 / np.sqrt(H))
    fc_b = jnp.zeros((C,), dtype=jnp.float32)
    return {"x": x, "edge_index": edge_index, "batch": batch,
            "W1": W1, "b1": b1, "W2": W2, "b2": b2, "fc_W": fc_W, "fc_b": fc_b}


def _gcn_conv(x, src, dst, W, b):
    n = x.shape[0]
    sl = jnp.arange(n, dtype=src.dtype)
    s = jnp.concatenate([src, sl])
    d = jnp.concatenate([dst, sl])
    deg = jax.ops.segment_sum(jnp.ones_like(s, dtype=x.dtype), d, num_segments=n)
    dinv = jnp.where(deg > 0, jax.lax.rsqrt(deg), 0.0)
    xw = x @ W
    norm = dinv[s] * dinv[d]
    msg = xw[s] * norm[:, None]
    out = jax.ops.segment_sum(msg, d, num_segments=n) + b
    return out


def reference(x, edge_index, batch, W1, b1, W2, b2, fc_W, fc_b):
    src = edge_index[0]
    dst = edge_index[1]
    h = _gcn_conv(x, src, dst, W1, b1)
    h = jax.nn.relu(h)
    # dropout p=0.5 is identity in eval mode
    h = _gcn_conv(h, src, dst, W2, b2)
    h = jax.nn.relu(h)
    # global mean pool over graph ids
    sums = jax.ops.segment_sum(h, batch, num_segments=G)
    cnts = jax.ops.segment_sum(jnp.ones((h.shape[0],), dtype=h.dtype), batch, num_segments=G)
    pooled = sums / jnp.maximum(cnts, 1.0)[:, None]
    logits = pooled @ fc_W + fc_b
    return jax.nn.log_softmax(logits, axis=1)

if __name__ == "__main__":
    import jax
    _d = setup_inputs()
    print(jax.jit(kernel)(*tuple(_d.values())))

</pallas_src>

<mosaic_0001>
#map = affine_map<(d0, d1) -> (0, 0, 0)>
#map1 = affine_map<(d0, d1) -> (0)>
module attributes {stable_mosaic.version = 14 : i64} {
  func.func @_deg_kernel(%arg0: i32, %arg1: i32, %arg2: memref<32x40x128xi32, #tpu.memory_space<hbm>>, %arg3: memref<640xf32, #tpu.memory_space<hbm>>, %arg4: memref<10240xf32, #tpu.memory_space<hbm>>, %arg5: memref<10240xf32, #tpu.memory_space<hbm>>, %arg6: memref<40x128xi32, #tpu.memory_space<vmem>>, %arg7: memref<128xf32, #tpu.memory_space<vmem>>, %arg8: memref<10240xf32, #tpu.memory_space<vmem_shared>>, %arg9: memref<!tpu.dma_semaphore, #tpu.memory_space<semaphore_mem>>) attributes {dimension_semantics = [#tpu.dimension_semantics<core_parallel>, #tpu.dimension_semantics<subcore_parallel>], iteration_bounds = array<i64: 2, 16>, scalar_prefetch = 0 : i64, scratch_operands = 4 : i64, tpu.core_type = #tpu.core_type<sc_vector_subcore>, window_params = [{transform_indices = #map}, {transform_indices = #map1}, {transform_indices = #map1}, {transform_indices = #map1}]} {
    %mul3A = arith.constant 16 : i32
    %mul3A_0 = arith.muli %arg0, %mul3A : i32
    %add3A = arith.addi %mul3A_0, %arg1 : i32
    "tpu.region"() ({
      %run_scoped3A = tpu.sem_alloc : memref<!tpu.dma_semaphore, #tpu.memory_space<semaphore_mem>>
      %dma_start3A = arith.constant 0 : i32
      %dma_start3A_62 = arith.constant 0 : i32
      %dma_start3A_63 = tpu.memref_slice %arg2[%add3A, %dma_start3A, %dma_start3A_62] : memref<32x40x128xi32, #tpu.memory_space<hbm>> -> memref<1x40x128xi32, #tpu.memory_space<hbm>>
      %dma_start3A_64 = tpu.memref_squeeze %dma_start3A_63 : memref<1x40x128xi32, #tpu.memory_space<hbm>> -> memref<40x128xi32, #tpu.memory_space<hbm>>
      %dma_start3A_65 = arith.constant 0 : i32
      %dma_start3A_66 = arith.constant 0 : i32
      %dma_start3A_67 = tpu.memref_slice %arg2[%add3A, %dma_start3A_65, %dma_start3A_66] : memref<32x40x128xi32, #tpu.memory_space<hbm>> -> memref<1x40x128xi32, #tpu.memory_space<hbm>>
      %dma_start3A_68 = tpu.memref_squeeze %dma_start3A_67 : memref<1x40x128xi32, #tpu.memory_space<hbm>> -> memref<40x128xi32, #tpu.memory_space<hbm>>
      tpu.enqueue_dma source(%dma_start3A_68 : memref<40x128xi32, #tpu.memory_space<hbm>>) target(%arg6 : memref<40x128xi32, #tpu.memory_space<vmem>>) target_semaphore(%run_scoped3A : memref<!tpu.dma_semaphore, #tpu.memory_space<semaphore_mem>>)
      %dma_wait3A = arith.constant 0 : i32
      %dma_wait3A_69 = arith.constant 0 : i32
      %dma_wait3A_70 = tpu.memref_slice %arg2[%add3A, %dma_wait3A, %dma_wait3A_69] : memref<32x40x128xi32, #tpu.memory_space<hbm>> -> memref<1x40x128xi32, #tpu.memory_space<hbm>>
      %dma_wait3A_71 = tpu.memref_squeeze %dma_wait3A_70 : memref<1x40x128xi32, #tpu.memory_space<hbm>> -> memref<40x128xi32, #tpu.memory_space<hbm>>
      %dma_wait3A_72 = arith.constant 0 : i32
      %dma_wait3A_73 = arith.constant 0 : i32
      %dma_wait3A_74 = tpu.memref_slice %arg2[%add3A, %dma_wait3A_72, %dma_wait3A_73] : memref<32x40x128xi32, #tpu.memory_space<hbm>> -> memref<1x40x128xi32, #tpu.memory_space<hbm>>
      %dma_wait3A_75 = tpu.memref_squeeze %dma_wait3A_74 : memref<1x40x128xi32, #tpu.memory_space<hbm>> -> memref<40x128xi32, #tpu.memory_space<hbm>>
      tpu.wait_dma2 semaphore(%run_scoped3A : memref<!tpu.dma_semaphore, #tpu.memory_space<semaphore_mem>>) src(%dma_wait3A_75 : memref<40x128xi32, #tpu.memory_space<hbm>>) dst(%arg6 : memref<40x128xi32, #tpu.memory_space<vmem>>)
      tpu.yield
    }) : () -> ()
    %broadcast_in_dim3A = arith.constant 1.000000e+00 : f32
    %broadcast_in_dim3A_1 = vector.broadcast %broadcast_in_dim3A : f32 to vector<16xf32>
    %swap3A = arith.constant 0 : index
    %swap3A_2 = tpu.vector_load %arg7[%swap3A] {strides = array<i32>} : memref<128xf32, #tpu.memory_space<vmem>>, vector<16xf32>,
    %swap3A_3 = vector.shape_cast %swap3A_2 : vector<16xf32> to vector<16xf32>
    %swap3A_4 = vector.shape_cast %broadcast_in_dim3A_1 : vector<16xf32> to vector<16xf32>
    tpu.vector_store %arg7[%swap3A], %swap3A_4 {strides = array<i32>} : memref<128xf32, #tpu.memory_space<vmem>>, vector<16xf32>,
    %broadcast_in_dim3A_5 = arith.constant 1.000000e+00 : f32
    %broadcast_in_dim3A_6 = vector.broadcast %broadcast_in_dim3A_5 : f32 to vector<16xf32>
    %swap3A_7 = arith.constant 16 : index
    %swap3A_8 = tpu.vector_load %arg7[%swap3A_7] {strides = array<i32>} : memref<128xf32, #tpu.memory_space<vmem>>, vector<16xf32>,
    %swap3A_9 = vector.shape_cast %swap3A_8 : vector<16xf32> to vector<16xf32>
    %swap3A_10 = vector.shape_cast %broadcast_in_dim3A_6 : vector<16xf32> to vector<16xf32>
    tpu.vector_store %arg7[%swap3A_7], %swap3A_10 {strides = array<i32>} : memref<128xf32, #tpu.memory_space<vmem>>, vector<16xf32>,
    %broadcast_in_dim3A_11 = arith.constant 1.000000e+00 : f32
    %broadcast_in_dim3A_12 = vector.broadcast %broadcast_in_dim3A_11 : f32 to vector<16xf32>
    %swap3A_13 = arith.constant 32 : index
    %swap3A_14 = tpu.vector_load %arg7[%swap3A_13] {strides = array<i32>} : memref<128xf32, #tpu.memory_space<vmem>>, vector<16xf32>,
    %swap3A_15 = vector.shape_cast %swap3A_14 : vector<16xf32> to vector<16xf32>
    %swap3A_16 = vector.shape_cast %broadcast_in_dim3A_12 : vector<16xf32> to vector<16xf32>
    tpu.vector_store %arg7[%swap3A_13], %swap3A_16 {strides = array<i32>} : memref<128xf32, #tpu.memory_space<vmem>>, vector<16xf32>,
    %broadcast_in_dim3A_17 = arith.constant 1.000000e+00 : f32
    %broadcast_in_dim3A_18 = vector.broadcast %broadcast_in_dim3A_17 : f32 to vector<16xf32>
    %swap3A_19 = arith.constant 48 : index
    %swap3A_20 = tpu.vector_load %arg7[%swap3A_19] {strides = array<i32>} : memref<128xf32, #tpu.memory_space<vmem>>, vector<16xf32>,
    %swap3A_21 = vector.shape_cast %swap3A_20 : vector<16xf32> to vector<16xf32>
    %swap3A_22 = vector.shape_cast %broadcast_in_dim3A_18 : vector<16xf32> to vector<16xf32>
    tpu.vector_store %arg7[%swap3A_19], %swap3A_22 {strides = array<i32>} : memref<128xf32, #tpu.memory_space<vmem>>, vector<16xf32>,
    %broadcast_in_dim3A_23 = arith.constant 1.000000e+00 : f32
    %broadcast_in_dim3A_24 = vector.broadcast %broadcast_in_dim3A_23 : f32 to vector<16xf32>
    %swap3A_25 = arith.constant 64 : index
    %swap3A_26 = tpu.vector_load %arg7[%swap3A_25] {strides = array<i32>} : memref<128xf32, #tpu.memory_space<vmem>>, vector<16xf32>,
    %swap3A_27 = vector.shape_cast %swap3A_26 : vector<16xf32> to vector<16xf32>
    %swap3A_28 = vector.shape_cast %broadcast_in_dim3A_24 : vector<16xf32> to vector<16xf32>
    tpu.vector_store %arg7[%swap3A_25], %swap3A_28 {strides = array<i32>} : memref<128xf32, #tpu.memory_space<vmem>>, vector<16xf32>,
    %broadcast_in_dim3A_29 = arith.constant 1.000000e+00 : f32
    %broadcast_in_dim3A_30 = vector.broadcast %broadcast_in_dim3A_29 : f32 to vector<16xf32>
    %swap3A_31 = arith.constant 80 : index
    %swap3A_32 = tpu.vector_load %arg7[%swap3A_31] {strides = array<i32>} : memref<128xf32, #tpu.memory_space<vmem>>, vector<16xf32>,
    %swap3A_33 = vector.shape_cast %swap3A_32 : vector<16xf32> to vector<16xf32>
    %swap3A_34 = vector.shape_cast %broadcast_in_dim3A_30 : vector<16xf32> to vector<16xf32>
    tpu.vector_store %arg7[%swap3A_31], %swap3A_34 {strides = array<i32>} : memref<128xf32, #tpu.memory_space<vmem>>, vector<16xf32>,
    %broadcast_in_dim3A_35 = arith.constant 1.000000e+00 : f32
    %broadcast_in_dim3A_36 = vector.broadcast %broadcast_in_dim3A_35 : f32 to vector<16xf32>
    %swap3A_37 = arith.constant 96 : index
    %swap3A_38 = tpu.vector_load %arg7[%swap3A_37] {strides = array<i32>} : memref<128xf32, #tpu.memory_space<vmem>>, vector<16xf32>,
    %swap3A_39 = vector.shape_cast %swap3A_38 : vector<16xf32> to vector<16xf32>
    %swap3A_40 = vector.shape_cast %broadcast_in_dim3A_36 : vector<16xf32> to vector<16xf32>
    tpu.vector_store %arg7[%swap3A_37], %swap3A_40 {strides = array<i32>} : memref<128xf32, #tpu.memory_space<vmem>>, vector<16xf32>,
    %broadcast_in_dim3A_41 = arith.constant 1.000000e+00 : f32
    %broadcast_in_dim3A_42 = vector.broadcast %broadcast_in_dim3A_41 : f32 to vector<16xf32>
    %swap3A_43 = arith.constant 112 : index
    %swap3A_44 = tpu.vector_load %arg7[%swap3A_43] {strides = array<i32>} : memref<128xf32, #tpu.memory_space<vmem>>, vector<16xf32>,
    %swap3A_45 = vector.shape_cast %swap3A_44 : vector<16xf32> to vector<16xf32>
    %swap3A_46 = vector.shape_cast %broadcast_in_dim3A_42 : vector<16xf32> to vector<16xf32>
    tpu.vector_store %arg7[%swap3A_43], %swap3A_46 {strides = array<i32>} : memref<128xf32, #tpu.memory_space<vmem>>, vector<16xf32>,
    %mul3A_47 = arith.constant 640 : i32
    %mul3A_48 = arith.muli %arg1, %mul3A_47 : i32
    "tpu.region"() ({
      %run_scoped3A = tpu.sem_alloc : memref<!tpu.dma_semaphore, #tpu.memory_space<semaphore_mem>>
      %dma_start3A = tpu.memref_slice %arg8[%mul3A_48] : memref<10240xf32, #tpu.memory_space<vmem_shared>> -> memref<640xf32, #tpu.memory_space<vmem_shared>>
      tpu.enqueue_dma source(%arg3 : memref<640xf32, #tpu.memory_space<hbm>>) target(%dma_start3A : memref<640xf32, #tpu.memory_space<vmem_shared>>) target_semaphore(%run_scoped3A : memref<!tpu.dma_semaphore, #tpu.memory_space<semaphore_mem>>)
      %dma_wait3A = tpu.memref_slice %arg8[%mul3A_48] : memref<10240xf32, #tpu.memory_space<vmem_shared>> -> memref<640xf32, #tpu.memory_space<vmem_shared>>
      tpu.wait_dma2 semaphore(%run_scoped3A : memref<!tpu.dma_semaphore, #tpu.memory_space<semaphore_mem>>) src(%arg3 : memref<640xf32, #tpu.memory_space<hbm>>) dst(%dma_wait3A : memref<640xf32, #tpu.memory_space<vmem_shared>>)
      tpu.yield
    }) : () -> ()
    %barrier3A = arith.constant 0 : index
    tpu.barrier barrier_id(%barrier3A)
    %scan3A = arith.constant 0 : i32
    %scan3A_49 = arith.constant 0 : i32
    %scan3A_50 = arith.constant 5 : i32
    %scan3A_51 = arith.addi %scan3A_49, %scan3A_50 : i32
    %scan3A_52 = arith.constant 1 : i32
    scf.for %scan3A_62 = %scan3A_49 to %scan3A_51 step %scan3A_52  : i32 {
      %scan3A_63 = arith.constant 0 : i32
      %scan3A_64 = arith.constant 0 : i32
      %scan3A_65 = arith.constant 8 : i32
      %scan3A_66 = arith.addi %scan3A_64, %scan3A_65 : i32
      %scan3A_67 = arith.constant 1 : i32
      scf.for %scan3A_75 = %scan3A_64 to %scan3A_66 step %scan3A_67  : i32 {
        %mul3A_76 = arith.constant 8 : i32
        %mul3A_77 = arith.muli %scan3A_62, %mul3A_76 : i32
        %add3A_78 = arith.addi %mul3A_77, %scan3A_75 : i32
        %dma_start3A = arith.constant 0 : i32
        %dma_start3A_79 = tpu.memref_slice %arg6[%add3A_78, %dma_start3A] : memref<40x128xi32, #tpu.memory_space<vmem>> -> memref<1x128xi32, #tpu.memory_space<vmem>>
        %dma_start3A_80 = tpu.memref_squeeze %dma_start3A_79 : memref<1x128xi32, #tpu.memory_space<vmem>> -> memref<128xi32, #tpu.memory_space<vmem>>
        %dma_start3A_81 = arith.constant 0 : i32
        %dma_start3A_82 = tpu.memref_slice %arg8[%dma_start3A_81] : memref<10240xf32, #tpu.memory_space<vmem_shared>> -> memref<10240xf32, #tpu.memory_space<vmem_shared>>
        tpu.enqueue_indirect_dma source(%arg7 : memref<128xf32, #tpu.memory_space<vmem>>) target(%dma_start3A_82 : memref<10240xf32, #tpu.memory_space<vmem_shared>>) offsets(%dma_start3A_80 : memref<128xi32, #tpu.memory_space<vmem>>) semaphore(%arg9 : memref<!tpu.dma_semaphore, #tpu.memory_space<semaphore_mem>>) {add = true}
      }
      %scan3A_68 = arith.constant 8 : i32
      %scan3A_69 = arith.constant 0 : i32
      %scan3A_70 = arith.constant 0 : i32
      %scan3A_71 = arith.constant 8 : i32
      %scan3A_72 = arith.addi %scan3A_70, %scan3A_71 : i32
      %scan3A_73 = arith.constant 1 : i32
      scf.for %scan3A_75 = %scan3A_70 to %scan3A_72 step %scan3A_73  : i32 {
        %dma_wait3A = arith.constant 0 : i32
        %dma_wait3A_76 = arith.constant 0 : i32
        %dma_wait3A_77 = tpu.memref_slice %arg6[%dma_wait3A, %dma_wait3A_76] : memref<40x128xi32, #tpu.memory_space<vmem>> -> memref<1x128xi32, #tpu.memory_space<vmem>>
        %dma_wait3A_78 = tpu.memref_squeeze %dma_wait3A_77 : memref<1x128xi32, #tpu.memory_space<vmem>> -> memref<128xi32, #tpu.memory_space<vmem>>
        %dma_wait3A_79 = arith.constant 0 : i32
        %dma_wait3A_80 = tpu.memref_slice %arg8[%dma_wait3A_79] : memref<10240xf32, #tpu.memory_space<vmem_shared>> -> memref<10240xf32, #tpu.memory_space<vmem_shared>>
        tpu.wait_indirect_dma semaphore(%arg9 : memref<!tpu.dma_semaphore, #tpu.memory_space<semaphore_mem>>) src(%arg7 : memref<128xf32, #tpu.memory_space<vmem>>) dst(%dma_wait3A_80 : memref<10240xf32, #tpu.memory_space<vmem_shared>>)
      }
      %scan3A_74 = arith.constant 8 : i32
    }
    %scan3A_53 = arith.constant 5 : i32
    %barrier3A_54 = arith.constant 0 : index
    tpu.barrier barrier_id(%barrier3A_54)
    %eq3A = arith.constant 0 : i32
    %eq3A_55 = arith.cmpi eq, %arg0, %eq3A : i32
    %convert_element_type3A = arith.extui %eq3A_55 : i1 to i32
    %cond3A = arith.constant 0 : i32
    %cond3A_56 = arith.cmpi ne, %convert_element_type3A, %cond3A : i32
    scf.if %cond3A_56 {
      %mul3A_62 = arith.constant 640 : i32
      %mul3A_63 = arith.muli %arg1, %mul3A_62 : i32
      %mul3A_64 = arith.constant 640 : i32
      %mul3A_65 = arith.muli %arg1, %mul3A_64 : i32
      "tpu.region"() ({
        %run_scoped3A = tpu.sem_alloc : memref<!tpu.dma_semaphore, #tpu.memory_space<semaphore_mem>>
        %dma_start3A = tpu.memref_slice %arg4[%mul3A_65] : memref<10240xf32, #tpu.memory_space<hbm>> -> memref<640xf32, #tpu.memory_space<hbm>>
        %dma_start3A_66 = tpu.memref_slice %arg8[%mul3A_63] : memref<10240xf32, #tpu.memory_space<vmem_shared>> -> memref<640xf32, #tpu.memory_space<vmem_shared>>
        tpu.enqueue_dma source(%dma_start3A_66 : memref<640xf32, #tpu.memory_space<vmem_shared>>) target(%dma_start3A : memref<640xf32, #tpu.memory_space<hbm>>) target_semaphore(%run_scoped3A : memref<!tpu.dma_semaphore, #tpu.memory_space<semaphore_mem>>)
        %dma_wait3A = tpu.memref_slice %arg4[%mul3A_65] : memref<10240xf32, #tpu.memory_space<hbm>> -> memref<640xf32, #tpu.memory_space<hbm>>
        %dma_wait3A_67 = tpu.memref_slice %arg8[%mul3A_63] : memref<10240xf32, #tpu.memory_space<vmem_shared>> -> memref<640xf32, #tpu.memory_space<vmem_shared>>
        tpu.wait_dma2 semaphore(%run_scoped3A : memref<!tpu.dma_semaphore, #tpu.memory_space<semaphore_mem>>) src(%dma_wait3A_67 : memref<640xf32, #tpu.memory_space<vmem_shared>>) dst(%dma_wait3A : memref<640xf32, #tpu.memory_space<hbm>>)
        tpu.yield
      }) : () -> ()
    } else {
    }
    %eq3A_57 = arith.constant 1 : i32
    %eq3A_58 = arith.cmpi eq, %arg0, %eq3A_57 : i32
    %convert_element_type3A_59 = arith.extui %eq3A_58 : i1 to i32
    %cond3A_60 = arith.constant 0 : i32
    %cond3A_61 = arith.cmpi ne, %convert_element_type3A_59, %cond3A_60 : i32
    scf.if %cond3A_61 {
      %mul3A_62 = arith.constant 640 : i32
      %mul3A_63 = arith.muli %arg1, %mul3A_62 : i32
      %mul3A_64 = arith.constant 640 : i32
      %mul3A_65 = arith.muli %arg1, %mul3A_64 : i32
      "tpu.region"() ({
        %run_scoped3A = tpu.sem_alloc : memref<!tpu.dma_semaphore, #tpu.memory_space<semaphore_mem>>
        %dma_start3A = tpu.memref_slice %arg5[%mul3A_65] : memref<10240xf32, #tpu.memory_space<hbm>> -> memref<640xf32, #tpu.memory_space<hbm>>
        %dma_start3A_66 = tpu.memref_slice %arg8[%mul3A_63] : memref<10240xf32, #tpu.memory_space<vmem_shared>> -> memref<640xf32, #tpu.memory_space<vmem_shared>>
        tpu.enqueue_dma source(%dma_start3A_66 : memref<640xf32, #tpu.memory_space<vmem_shared>>) target(%dma_start3A : memref<640xf32, #tpu.memory_space<hbm>>) target_semaphore(%run_scoped3A : memref<!tpu.dma_semaphore, #tpu.memory_space<semaphore_mem>>)
        %dma_wait3A = tpu.memref_slice %arg5[%mul3A_65] : memref<10240xf32, #tpu.memory_space<hbm>> -> memref<640xf32, #tpu.memory_space<hbm>>
        %dma_wait3A_67 = tpu.memref_slice %arg8[%mul3A_63] : memref<10240xf32, #tpu.memory_space<vmem_shared>> -> memref<640xf32, #tpu.memory_space<vmem_shared>>
        tpu.wait_dma2 semaphore(%run_scoped3A : memref<!tpu.dma_semaphore, #tpu.memory_space<semaphore_mem>>) src(%dma_wait3A_67 : memref<640xf32, #tpu.memory_space<vmem_shared>>) dst(%dma_wait3A : memref<640xf32, #tpu.memory_space<hbm>>)
        tpu.yield
      }) : () -> ()
    } else {
    }
    return
  }
}

#map = affine_map<(d0, d1) -> (0, 0)>
#map1 = affine_map<(d0, d1) -> (0, 0, 0)>
#map2 = affine_map<(d0, d1) -> (0)>
module attributes {stable_mosaic.version = 14 : i64} {
  func.func @_agg4(%arg0: i32, %arg1: i32, %arg2: memref<10240x128xf32, #tpu.memory_space<hbm>>, %arg3: memref<10240x128xf32, #tpu.memory_space<hbm>>, %arg4: memref<10240x128xf32, #tpu.memory_space<hbm>>, %arg5: memref<10240x128xf32, #tpu.memory_space<hbm>>, %arg6: memref<16x80x128xi32, #tpu.memory_space<hbm>>, %arg7: memref<32x80x128xi32, #tpu.memory_space<hbm>>, %arg8: memref<16xi32, #tpu.memory_space<hbm>>, %arg9: memref<320x128xf32, #tpu.memory_space<hbm>>, %arg10: memref<10240x128xf32, #tpu.memory_space<hbm>>, %arg11: memref<10240x128xf32, #tpu.memory_space<hbm>>, %arg12: memref<10240x128xf32, #tpu.memory_space<hbm>>, %arg13: memref<10240x128xf32, #tpu.memory_space<hbm>>, %arg14: memref<80x128xi32, #tpu.memory_space<vmem>>, %arg15: memref<80x128xi32, #tpu.memory_space<vmem>>, %arg16: memref<16xi32, #tpu.memory_space<vmem>>, %arg17: memref<128x128xf32, #tpu.memory_space<vmem>>, %arg18: memref<128x128xf32, #tpu.memory_space<vmem>>, %arg19: memref<128x128xf32, #tpu.memory_space<vmem>>, %arg20: memref<128x128xf32, #tpu.memory_space<vmem>>, %arg21: memref<5248x128xf32, #tpu.memory_space<vmem_shared>>, %arg22: memref<!tpu.dma_semaphore, #tpu.memory_space<semaphore_mem>>, %arg23: memref<!tpu.dma_semaphore, #tpu.memory_space<semaphore_mem>>, %arg24: memref<!tpu.dma_semaphore, #tpu.memory_space<semaphore_mem>>, %arg25: memref<!tpu.dma_semaphore, #tpu.memory_space<semaphore_mem>>, %arg26: memref<!tpu.dma_semaphore, #tpu.memory_space<semaphore_mem>>, %arg27: memref<!tpu.dma_semaphore, #tpu.memory_space<semaphore_mem>>, %arg28: memref<!tpu.dma_semaphore, #tpu.memory_space<semaphore_mem>>, %arg29: memref<!tpu.dma_semaphore, #tpu.memory_space<semaphore_mem>>) attributes {dimension_semantics = [#tpu.dimension_semantics<core_parallel>, #tpu.dimension_semantics<subcore_parallel>], iteration_bounds = array<i64: 2, 16>, scalar_prefetch = 0 : i64, scratch_operands = 16 : i64, tpu.core_type = #tpu.core_type<sc_vector_subcore>, window_params = [{transform_indices = #map}, {transform_indices = #map}, {transform_indices = #map}, {transform_indices = #map}, {transform_indices = #map1}, {transform_indices = #map1}, {transform_indices = #map2}, {transform_indices = #map}, {transform_indices = #map}, {transform_indices = #map}, {transform_indices = #map}, {transform_indices = #map}]} {
    %mul3A = arith.constant 16 : i32
    %mul3A_0 = arith.muli %arg0, %mul3A : i32
    %add3A = arith.addi %mul3A_0, %arg1 : i32
    %mul3A_1 = arith.constant 5120 : i32
    %mul3A_2 = arith.muli %arg0, %mul3A_1 : i32
    "tpu.region"() ({
      %run_scoped3A = tpu.sem_alloc : memref<!tpu.dma_semaphore, #tpu.memory_space<semaphore_mem>>
      %dma_start3A = arith.constant 0 : i32
      %dma_start3A_61 = arith.constant 0 : i32
      %dma_start3A_62 = tpu.memref_slice %arg6[%arg1, %dma_start3A, %dma_start3A_61] : memref<16x80x128xi32, #tpu.memory_space<hbm>> -> memref<1x80x128xi32, #tpu.memory_space<hbm>>
      %dma_start3A_63 = tpu.memref_squeeze %dma_start3A_62 : memref<1x80x128xi32, #tpu.memory_space<hbm>> -> memref<80x128xi32, #tpu.memory_space<hbm>>
      %dma_start3A_64 = arith.constant 0 : i32
      %dma_start3A_65 = arith.constant 0 : i32
      %dma_start3A_66 = tpu.memref_slice %arg6[%arg1, %dma_start3A_64, %dma_start3A_65] : memref<16x80x128xi32, #tpu.memory_space<hbm>> -> memref<1x80x128xi32, #tpu.memory_space<hbm>>
      %dma_start3A_67 = tpu.memref_squeeze %dma_start3A_66 : memref<1x80x128xi32, #tpu.memory_space<hbm>> -> memref<80x128xi32, #tpu.memory_space<hbm>>
      tpu.enqueue_dma source(%dma_start3A_67 : memref<80x128xi32, #tpu.memory_space<hbm>>) target(%arg14 : memref<80x128xi32, #tpu.memory_space<vmem>>) target_semaphore(%run_scoped3A : memref<!tpu.dma_semaphore, #tpu.memory_space<semaphore_mem>>)
      %dma_wait3A = arith.constant 0 : i32
      %dma_wait3A_68 = arith.constant 0 : i32
      %dma_wait3A_69 = tpu.memref_slice %arg6[%arg1, %dma_wait3A, %dma_wait3A_68] : memref<16x80x128xi32, #tpu.memory_space<hbm>> -> memref<1x80x128xi32, #tpu.memory_space<hbm>>
      %dma_wait3A_70 = tpu.memref_squeeze %dma_wait3A_69 : memref<1x80x128xi32, #tpu.memory_space<hbm>> -> memref<80x128xi32, #tpu.memory_space<hbm>>
      %dma_wait3A_71 = arith.constant 0 : i32
      %dma_wait3A_72 = arith.constant 0 : i32
      %dma_wait3A_73 = tpu.memref_slice %arg6[%arg1, %dma_wait3A_71, %dma_wait3A_72] : memref<16x80x128xi32, #tpu.memory_space<hbm>> -> memref<1x80x128xi32, #tpu.memory_space<hbm>>
      %dma_wait3A_74 = tpu.memref_squeeze %dma_wait3A_73 : memref<1x80x128xi32, #tpu.memory_space<hbm>> -> memref<80x128xi32, #tpu.memory_space<hbm>>
      tpu.wait_dma2 semaphore(%run_scoped3A : memref<!tpu.dma_semaphore, #tpu.memory_space<semaphore_mem>>) src(%dma_wait3A_74 : memref<80x128xi32, #tpu.memory_space<hbm>>) dst(%arg14 : memref<80x128xi32, #tpu.memory_space<vmem>>)
      tpu.yield
    }) : () -> ()
    "tpu.region"() ({
      %run_scoped3A = tpu.sem_alloc : memref<!tpu.dma_semaphore, #tpu.memory_space<semaphore_mem>>
      %dma_start3A = arith.constant 0 : i32
      %dma_start3A_61 = arith.constant 0 : i32
      %dma_start3A_62 = tpu.memref_slice %arg7[%add3A, %dma_start3A, %dma_start3A_61] : memref<32x80x128xi32, #tpu.memory_space<hbm>> -> memref<1x80x128xi32, #tpu.memory_space<hbm>>
      %dma_start3A_63 = tpu.memref_squeeze %dma_start3A_62 : memref<1x80x128xi32, #tpu.memory_space<hbm>> -> memref<80x128xi32, #tpu.memory_space<hbm>>
      %dma_start3A_64 = arith.constant 0 : i32
      %dma_start3A_65 = arith.constant 0 : i32
      %dma_start3A_66 = tpu.memref_slice %arg7[%add3A, %dma_start3A_64, %dma_start3A_65] : memref<32x80x128xi32, #tpu.memory_space<hbm>> -> memref<1x80x128xi32, #tpu.memory_space<hbm>>
      %dma_start3A_67 = tpu.memref_squeeze %dma_start3A_66 : memref<1x80x128xi32, #tpu.memory_space<hbm>> -> memref<80x128xi32, #tpu.memory_space<hbm>>
      tpu.enqueue_dma source(%dma_start3A_67 : memref<80x128xi32, #tpu.memory_space<hbm>>) target(%arg15 : memref<80x128xi32, #tpu.memory_space<vmem>>) target_semaphore(%run_scoped3A : memref<!tpu.dma_semaphore, #tpu.memory_space<semaphore_mem>>)
      %dma_wait3A = arith.constant 0 : i32
      %dma_wait3A_68 = arith.constant 0 : i32
      %dma_wait3A_69 = tpu.memref_slice %arg7[%add3A, %dma_wait3A, %dma_wait3A_68] : memref<32x80x128xi32, #tpu.memory_space<hbm>> -> memref<1x80x128xi32, #tpu.memory_space<hbm>>
      %dma_wait3A_70 = tpu.memref_squeeze %dma_wait3A_69 : memref<1x80x128xi32, #tpu.memory_space<hbm>> -> memref<80x128xi32, #tpu.memory_space<hbm>>
      %dma_wait3A_71 = arith.constant 0 : i32
      %dma_wait3A_72 = arith.constant 0 : i32
      %dma_wait3A_73 = tpu.memref_slice %arg7[%add3A, %dma_wait3A_71, %dma_wait3A_72] : memref<32x80x128xi32, #tpu.memory_space<hbm>> -> memref<1x80x128xi32, #tpu.memory_space<hbm>>
      %dma_wait3A_74 = tpu.memref_squeeze %dma_wait3A_73 : memref<1x80x128xi32, #tpu.memory_space<hbm>> -> memref<80x128xi32, #tpu.memory_space<hbm>>
      tpu.wait_dma2 semaphore(%run_scoped3A : memref<!tpu.dma_semaphore, #tpu.memory_space<semaphore_mem>>) src(%dma_wait3A_74 : memref<80x128xi32, #tpu.memory_space<hbm>>) dst(%arg15 : memref<80x128xi32, #tpu.memory_space<vmem>>)
      tpu.yield
    }) : () -> ()
    "tpu.region"() ({
      %run_scoped3A = tpu.sem_alloc : memref<!tpu.dma_semaphore, #tpu.memory_space<semaphore_mem>>
      tpu.enqueue_dma source(%arg8 : memref<16xi32, #tpu.memory_space<hbm>>) target(%arg16 : memref<16xi32, #tpu.memory_space<vmem>>) target_semaphore(%run_scoped3A : memref<!tpu.dma_semaphore, #tpu.memory_space<semaphore_mem>>)
      tpu.wait_dma2 semaphore(%run_scoped3A : memref<!tpu.dma_semaphore, #tpu.memory_space<semaphore_mem>>) src(%arg8 : memref<16xi32, #tpu.memory_space<hbm>>) dst(%arg16 : memref<16xi32, #tpu.memory_space<vmem>>)
      tpu.yield
    }) : () -> ()
    %get3A = arith.constant 0 : index
    %get3A_3 = tpu.vector_load %arg16[%get3A] {strides = array<i32>} : memref<16xi32, #tpu.memory_space<vmem>>, vector<16xi32>,
    %get3A_4 = vector.shape_cast %get3A_3 : vector<16xi32> to vector<16xi32>
    %slice3A = vector.extract_strided_slice %get3A_4 {offsets = [0], sizes = [1], strides = [1]} : vector<16xi32> to vector<1xi32>
    %squeeze3A = vector.extract %slice3A[0] : i32 from vector<1xi32>
    %gt3A = arith.constant -1 : i32
    %gt3A_5 = arith.cmpi sgt, %squeeze3A, %gt3A : i32
    %mul3A_6 = arith.constant 320 : i32
    %mul3A_7 = arith.muli %arg1, %mul3A_6 : i32
    "tpu.region"() ({
      %run_scoped3A = tpu.sem_alloc : memref<!tpu.dma_semaphore, #tpu.memory_space<semaphore_mem>>
      %dma_start3A = arith.constant 0 : i32
      %dma_start3A_61 = tpu.memref_slice %arg21[%mul3A_7, %dma_start3A] : memref<5248x128xf32, #tpu.memory_space<vmem_shared>> -> memref<320x128xf32, #tpu.memory_space<vmem_shared>>
      tpu.enqueue_dma source(%arg9 : memref<320x128xf32, #tpu.memory_space<hbm>>) target(%dma_start3A_61 : memref<320x128xf32, #tpu.memory_space<vmem_shared>>) target_semaphore(%run_scoped3A : memref<!tpu.dma_semaphore, #tpu.memory_space<semaphore_mem>>)
      %dma_wait3A = arith.constant 0 : i32
      %dma_wait3A_62 = tpu.memref_slice %arg21[%mul3A_7, %dma_wait3A] : memref<5248x128xf32, #tpu.memory_space<vmem_shared>> -> memref<320x128xf32, #tpu.memory_space<vmem_shared>>
      tpu.wait_dma2 semaphore(%run_scoped3A : memref<!tpu.dma_semaphore, #tpu.memory_space<semaphore_mem>>) src(%arg9 : memref<320x128xf32, #tpu.memory_space<hbm>>) dst(%dma_wait3A_62 : memref<320x128xf32, #tpu.memory_space<vmem_shared>>)
      tpu.yield
    }) : () -> ()
    %barrier3A = arith.constant 0 : index
    tpu.barrier barrier_id(%barrier3A)
    %convert_element_type3A = arith.extui %gt3A_5 : i1 to i32
    %cond3A = arith.constant 0 : i32
    %cond3A_8 = arith.cmpi ne, %convert_element_type3A, %cond3A : i32
    scf.if %cond3A_8 {
      %dma_start3A = arith.constant 0 : i32
      %dma_start3A_61 = arith.constant 0 : i32
      %dma_start3A_62 = tpu.memref_slice %arg14[%dma_start3A, %dma_start3A_61] : memref<80x128xi32, #tpu.memory_space<vmem>> -> memref<1x128xi32, #tpu.memory_space<vmem>>
      %dma_start3A_63 = tpu.memref_squeeze %dma_start3A_62 : memref<1x128xi32, #tpu.memory_space<vmem>> -> memref<128xi32, #tpu.memory_space<vmem>>
      %dma_start3A_64 = arith.constant 0 : i32
      %dma_start3A_65 = arith.constant 0 : i32
      %dma_start3A_66 = tpu.memref_slice %arg2[%dma_start3A_64, %dma_start3A_65] : memref<10240x128xf32, #tpu.memory_space<hbm>> -> memref<10240x128xf32, #tpu.memory_space<hbm>>
      tpu.enqueue_indirect_dma source(%dma_start3A_66 : memref<10240x128xf32, #tpu.memory_space<hbm>>) target(%arg17 : memref<128x128xf32, #tpu.memory_space<vmem>>) offsets(%dma_start3A_63 : memref<128xi32, #tpu.memory_space<vmem>>) semaphore(%arg22 : memref<!tpu.dma_semaphore, #tpu.memory_space<semaphore_mem>>)
      %dma_start3A_67 = arith.constant 1 : i32
      %dma_start3A_68 = arith.constant 0 : i32
      %dma_start3A_69 = tpu.memref_slice %arg14[%dma_start3A_67, %dma_start3A_68] : memref<80x128xi32, #tpu.memory_space<vmem>> -> memref<1x128xi32, #tpu.memory_space<vmem>>
      %dma_start3A_70 = tpu.memref_squeeze %dma_start3A_69 : memref<1x128xi32, #tpu.memory_space<vmem>> -> memref<128xi32, #tpu.memory_space<vmem>>
      %dma_start3A_71 = arith.constant 0 : i32
      %dma_start3A_72 = arith.constant 0 : i32
      %dma_start3A_73 = tpu.memref_slice %arg2[%dma_start3A_71, %dma_start3A_72] : memref<10240x128xf32, #tpu.memory_space<hbm>> -> memref<10240x128xf32, #tpu.memory_space<hbm>>
      tpu.enqueue_indirect_dma source(%dma_start3A_73 : memref<10240x128xf32, #tpu.memory_space<hbm>>) target(%arg18 : memref<128x128xf32, #tpu.memory_space<vmem>>) offsets(%dma_start3A_70 : memref<128xi32, #tpu.memory_space<vmem>>) semaphore(%arg23 : memref<!tpu.dma_semaphore, #tpu.memory_space<semaphore_mem>>)
      %dma_start3A_74 = arith.constant 2 : i32
      %dma_start3A_75 = arith.constant 0 : i32
      %dma_start3A_76 = tpu.memref_slice %arg14[%dma_start3A_74, %dma_start3A_75] : memref<80x128xi32, #tpu.memory_space<vmem>> -> memref<1x128xi32, #tpu.memory_space<vmem>>
      %dma_start3A_77 = tpu.memref_squeeze %dma_start3A_76 : memref<1x128xi32, #tpu.memory_space<vmem>> -> memref<128xi32, #tpu.memory_space<vmem>>
      %dma_start3A_78 = arith.constant 0 : i32
      %dma_start3A_79 = arith.constant 0 : i32
      %dma_start3A_80 = tpu.memref_slice %arg2[%dma_start3A_78, %dma_start3A_79] : memref<10240x128xf32, #tpu.memory_space<hbm>> -> memref<10240x128xf32, #tpu.memory_space<hbm>>
      tpu.enqueue_indirect_dma source(%dma_start3A_80 : memref<10240x128xf32, #tpu.memory_space<hbm>>) target(%arg19 : memref<128x128xf32, #tpu.memory_space<vmem>>) offsets(%dma_start3A_77 : memref<128xi32, #tpu.memory_space<vmem>>) semaphore(%arg24 : memref<!tpu.dma_semaphore, #tpu.memory_space<semaphore_mem>>)
      %scan3A = arith.constant 0 : i32
      %scan3A_81 = arith.constant 0 : i32
      %scan3A_82 = arith.constant 20 : i32
      %scan3A_83 = arith.addi %scan3A_81, %scan3A_82 : i32
      %scan3A_84 = arith.constant 1 : i32
      scf.for %scan3A_92 = %scan3A_81 to %scan3A_83 step %scan3A_84  : i32 {
        %mul3A_93 = arith.constant 4 : i32
        %mul3A_94 = arith.muli %mul3A_93, %scan3A_92 : i32
        %add3A_95 = arith.constant 0 : i32
        %add3A_96 = arith.addi %mul3A_94, %add3A_95 : i32
        %dma_wait3A_97 = arith.constant 0 : i32
        %dma_wait3A_98 = arith.constant 0 : i32
        %dma_wait3A_99 = tpu.memref_slice %arg14[%dma_wait3A_97, %dma_wait3A_98] : memref<80x128xi32, #tpu.memory_space<vmem>> -> memref<1x128xi32, #tpu.memory_space<vmem>>
        %dma_wait3A_100 = tpu.memref_squeeze %dma_wait3A_99 : memref<1x128xi32, #tpu.memory_space<vmem>> -> memref<128xi32, #tpu.memory_space<vmem>>
        %dma_wait3A_101 = arith.constant 0 : i32
        %dma_wait3A_102 = arith.constant 0 : i32
        %dma_wait3A_103 = tpu.memref_slice %arg2[%dma_wait3A_101, %dma_wait3A_102] : memref<10240x128xf32, #tpu.memory_space<hbm>> -> memref<10240x128xf32, #tpu.memory_space<hbm>>
        tpu.wait_indirect_dma semaphore(%arg22 : memref<!tpu.dma_semaphore, #tpu.memory_space<semaphore_mem>>) src(%dma_wait3A_103 : memref<10240x128xf32, #tpu.memory_space<hbm>>) dst(%arg17 : memref<128x128xf32, #tpu.memory_space<vmem>>)
        %dma_start3A_104 = arith.constant 0 : i32
        %dma_start3A_105 = tpu.memref_slice %arg15[%add3A_96, %dma_start3A_104] : memref<80x128xi32, #tpu.memory_space<vmem>> -> memref<1x128xi32, #tpu.memory_space<vmem>>
        %dma_start3A_106 = tpu.memref_squeeze %dma_start3A_105 : memref<1x128xi32, #tpu.memory_space<vmem>> -> memref<128xi32, #tpu.memory_space<vmem>>
        %dma_start3A_107 = arith.constant 0 : i32
        %dma_start3A_108 = arith.constant 0 : i32
        %dma_start3A_109 = tpu.memref_slice %arg21[%dma_start3A_107, %dma_start3A_108] : memref<5248x128xf32, #tpu.memory_space<vmem_shared>> -> memref<5248x128xf32, #tpu.memory_space<vmem_shared>>
        tpu.enqueue_indirect_dma source(%arg17 : memref<128x128xf32, #tpu.memory_space<vmem>>) target(%dma_start3A_109 : memref<5248x128xf32, #tpu.memory_space<vmem_shared>>) offsets(%dma_start3A_106 : memref<128xi32, #tpu.memory_space<vmem>>) semaphore(%arg26 : memref<!tpu.dma_semaphore, #tpu.memory_space<semaphore_mem>>) {add = true}
        %ge3A = arith.constant 1 : i32
        %ge3A_110 = arith.cmpi sge, %scan3A_92, %ge3A : i32
        %convert_element_type3A_111 = arith.extui %ge3A_110 : i1 to i32
        %cond3A_112 = arith.constant 0 : i32
        %cond3A_113 = arith.cmpi ne, %convert_element_type3A_111, %cond3A_112 : i32
        scf.if %cond3A_113 {
          %dma_wait3A_208 = arith.constant 0 : i32
          %dma_wait3A_209 = arith.constant 0 : i32
          %dma_wait3A_210 = tpu.memref_slice %arg15[%dma_wait3A_208, %dma_wait3A_209] : memref<80x128xi32, #tpu.memory_space<vmem>> -> memref<1x128xi32, #tpu.memory_space<vmem>>
          %dma_wait3A_211 = tpu.memref_squeeze %dma_wait3A_210 : memref<1x128xi32, #tpu.memory_space<vmem>> -> memref<128xi32, #tpu.memory_space<vmem>>
          %dma_wait3A_212 = arith.constant 0 : i32
          %dma_wait3A_213 = arith.constant 0 : i32
          %dma_wait3A_214 = tpu.memref_slice %arg21[%dma_wait3A_212, %dma_wait3A_213] : memref<5248x128xf32, #tpu.memory_space<vmem_shared>> -> memref<5248x128xf32, #tpu.memory_space<vmem_shared>>
          tpu.wait_indirect_dma semaphore(%arg29 : memref<!tpu.dma_semaphore, #tpu.memory_space<semaphore_mem>>) src(%arg20 : memref<128x128xf32, #tpu.memory_space<vmem>>) dst(%dma_wait3A_214 : memref<5248x128xf32, #tpu.memory_space<vmem_shared>>)
        } else {
        }
        %add3A_114 = arith.constant 3 : i32
        %add3A_115 = arith.addi %add3A_96, %add3A_114 : i32
        %dma_start3A_116 = arith.constant 0 : i32
        %dma_start3A_117 = tpu.memref_slice %arg14[%add3A_115, %dma_start3A_116] : memref<80x128xi32, #tpu.memory_space<vmem>> -> memref<1x128xi32, #tpu.memory_space<vmem>>
        %dma_start3A_118 = tpu.memref_squeeze %dma_start3A_117 : memref<1x128xi32, #tpu.memory_space<vmem>> -> memref<128xi32, #tpu.memory_space<vmem>>
        %dma_start3A_119 = arith.constant 0 : i32
        %dma_start3A_120 = arith.constant 0 : i32
        %dma_start3A_121 = tpu.memref_slice %arg2[%dma_start3A_119, %dma_start3A_120] : memref<10240x128xf32, #tpu.memory_space<hbm>> -> memref<10240x128xf32, #tpu.memory_space<hbm>>
        tpu.enqueue_indirect_dma source(%dma_start3A_121 : memref<10240x128xf32, #tpu.memory_space<hbm>>) target(%arg20 : memref<128x128xf32, #tpu.memory_space<vmem>>) offsets(%dma_start3A_118 : memref<128xi32, #tpu.memory_space<vmem>>) semaphore(%arg25 : memref<!tpu.dma_semaphore, #tpu.memory_space<semaphore_mem>>)
        %mul3A_122 = arith.constant 4 : i32
        %mul3A_123 = arith.muli %mul3A_122, %scan3A_92 : i32
        %add3A_124 = arith.constant 1 : i32
        %add3A_125 = arith.addi %mul3A_123, %add3A_124 : i32
        %dma_wait3A_126 = arith.constant 0 : i32
        %dma_wait3A_127 = arith.constant 0 : i32
        %dma_wait3A_128 = tpu.memref_slice %arg14[%dma_wait3A_126, %dma_wait3A_127] : memref<80x128xi32, #tpu.memory_space<vmem>> -> memref<1x128xi32, #tpu.memory_space<vmem>>
        %dma_wait3A_129 = tpu.memref_squeeze %dma_wait3A_128 : memref<1x128xi32, #tpu.memory_space<vmem>> -> memref<128xi32, #tpu.memory_space<vmem>>
        %dma_wait3A_130 = arith.constant 0 : i32
        %dma_wait3A_131 = arith.constant 0 : i32
        %dma_wait3A_132 = tpu.memref_slice %arg2[%dma_wait3A_130, %dma_wait3A_131] : memref<10240x128xf32, #tpu.memory_space<hbm>> -> memref<10240x128xf32, #tpu.memory_space<hbm>>
        tpu.wait_indirect_dma semaphore(%arg23 : memref<!tpu.dma_semaphore, #tpu.memory_space<semaphore_mem>>) src(%dma_wait3A_132 : memref<10240x128xf32, #tpu.memory_space<hbm>>) dst(%arg18 : memref<128x128xf32, #tpu.memory_space<vmem>>)
        %dma_start3A_133 = arith.constant 0 : i32
        %dma_start3A_134 = tpu.memref_slice %arg15[%add3A_125, %dma_start3A_133] : memref<80x128xi32, #tpu.memory_space<vmem>> -> memref<1x128xi32, #tpu.memory_space<vmem>>
        %dma_start3A_135 = tpu.memref_squeeze %dma_start3A_134 : memref<1x128xi32, #tpu.memory_space<vmem>> -> memref<128xi32, #tpu.memory_space<vmem>>
        %dma_start3A_136 = arith.constant 0 : i32
        %dma_start3A_137 = arith.constant 0 : i32
        %dma_start3A_138 = tpu.memref_slice %arg21[%dma_start3A_136, %dma_start3A_137] : memref<5248x128xf32, #tpu.memory_space<vmem_shared>> -> memref<5248x128xf32, #tpu.memory_space<vmem_shared>>
        tpu.enqueue_indirect_dma source(%arg18 : memref<128x128xf32, #tpu.memory_space<vmem>>) target(%dma_start3A_138 : memref<5248x128xf32, #tpu.memory_space<vmem_shared>>) offsets(%dma_start3A_135 : memref<128xi32, #tpu.memory_space<vmem>>) semaphore(%arg27 : memref<!tpu.dma_semaphore, #tpu.memory_space<semaphore_mem>>) {add = true}
        %dma_wait3A_139 = arith.constant 0 : i32
        %dma_wait3A_140 = arith.constant 0 : i32
        %dma_wait3A_141 = tpu.memref_slice %arg15[%dma_wait3A_139, %dma_wait3A_140] : memref<80x128xi32, #tpu.memory_space<vmem>> -> memref<1x128xi32, #tpu.memory_space<vmem>>
        %dma_wait3A_142 = tpu.memref_squeeze %dma_wait3A_141 : memref<1x128xi32, #tpu.memory_space<vmem>> -> memref<128xi32, #tpu.memory_space<vmem>>
        %dma_wait3A_143 = arith.constant 0 : i32
        %dma_wait3A_144 = arith.constant 0 : i32
        %dma_wait3A_145 = tpu.memref_slice %arg21[%dma_wait3A_143, %dma_wait3A_144] : memref<5248x128xf32, #tpu.memory_space<vmem_shared>> -> memref<5248x128xf32, #tpu.memory_space<vmem_shared>>
        tpu.wait_indirect_dma semaphore(%arg26 : memref<!tpu.dma_semaphore, #tpu.memory_space<semaphore_mem>>) src(%arg17 : memref<128x128xf32, #tpu.memory_space<vmem>>) dst(%dma_wait3A_145 : memref<5248x128xf32, #tpu.memory_space<vmem_shared>>)
        %lt3A = arith.constant 19 : i32
        %lt3A_146 = arith.cmpi slt, %scan3A_92, %lt3A : i32
        %convert_element_type3A_147 = arith.extui %lt3A_146 : i1 to i32
        %cond3A_148 = arith.constant 0 : i32
        %cond3A_149 = arith.cmpi ne, %convert_element_type3A_147, %cond3A_148 : i32
        scf.if %cond3A_149 {
          %add3A_208 = arith.constant 3 : i32
          %add3A_209 = arith.addi %add3A_125, %add3A_208 : i32
          %dma_start3A_210 = arith.constant 0 : i32
          %dma_start3A_211 = tpu.memref_slice %arg14[%add3A_209, %dma_start3A_210] : memref<80x128xi32, #tpu.memory_space<vmem>> -> memref<1x128xi32, #tpu.memory_space<vmem>>
          %dma_start3A_212 = tpu.memref_squeeze %dma_start3A_211 : memref<1x128xi32, #tpu.memory_space<vmem>> -> memref<128xi32, #tpu.memory_space<vmem>>
          %dma_start3A_213 = arith.constant 0 : i32
          %dma_start3A_214 = arith.constant 0 : i32
          %dma_start3A_215 = tpu.memref_slice %arg2[%dma_start3A_213, %dma_start3A_214] : memref<10240x128xf32, #tpu.memory_space<hbm>> -> memref<10240x128xf32, #tpu.memory_space<hbm>>
          tpu.enqueue_indirect_dma source(%dma_start3A_215 : memref<10240x128xf32, #tpu.memory_space<hbm>>) target(%arg17 : memref<128x128xf32, #tpu.memory_space<vmem>>) offsets(%dma_start3A_212 : memref<128xi32, #tpu.memory_space<vmem>>) semaphore(%arg22 : memref<!tpu.dma_semaphore, #tpu.memory_space<semaphore_mem>>)
        } else {
        }
        %mul3A_150 = arith.constant 4 : i32
        %mul3A_151 = arith.muli %mul3A_150, %scan3A_92 : i32
        %add3A_152 = arith.constant 2 : i32
        %add3A_153 = arith.addi %mul3A_151, %add3A_152 : i32
        %dma_wait3A_154 = arith.constant 0 : i32
        %dma_wait3A_155 = arith.constant 0 : i32
        %dma_wait3A_156 = tpu.memref_slice %arg14[%dma_wait3A_154, %dma_wait3A_155] : memref<80x128xi32, #tpu.memory_space<vmem>> -> memref<1x128xi32, #tpu.memory_space<vmem>>
        %dma_wait3A_157 = tpu.memref_squeeze %dma_wait3A_156 : memref<1x128xi32, #tpu.memory_space<vmem>> -> memref<128xi32, #tpu.memory_space<vmem>>
        %dma_wait3A_158 = arith.constant 0 : i32
        %dma_wait3A_159 = arith.constant 0 : i32
        %dma_wait3A_160 = tpu.memref_slice %arg2[%dma_wait3A_158, %dma_wait3A_159] : memref<10240x128xf32, #tpu.memory_space<hbm>> -> memref<10240x128xf32, #tpu.memory_space<hbm>>
        tpu.wait_indirect_dma semaphore(%arg24 : memref<!tpu.dma_semaphore, #tpu.memory_space<semaphore_mem>>) src(%dma_wait3A_160 : memref<10240x128xf32, #tpu.memory_space<hbm>>) dst(%arg19 : memref<128x128xf32, #tpu.memory_space<vmem>>)
        %dma_start3A_161 = arith.constant 0 : i32
        %dma_start3A_162 = tpu.memref_slice %arg15[%add3A_153, %dma_start3A_161] : memref<80x128xi32, #tpu.memory_space<vmem>> -> memref<1x128xi32, #tpu.memory_space<vmem>>
        %dma_start3A_163 = tpu.memref_squeeze %dma_start3A_162 : memref<1x128xi32, #tpu.memory_space<vmem>> -> memref<128xi32, #tpu.memory_space<vmem>>
        %dma_start3A_164 = arith.constant 0 : i32
        %dma_start3A_165 = arith.constant 0 : i32
        %dma_start3A_166 = tpu.memref_slice %arg21[%dma_start3A_164, %dma_start3A_165] : memref<5248x128xf32, #tpu.memory_space<vmem_shared>> -> memref<5248x128xf32, #tpu.memory_space<vmem_shared>>
        tpu.enqueue_indirect_dma source(%arg19 : memref<128x128xf32, #tpu.memory_space<vmem>>) target(%dma_start3A_166 : memref<5248x128xf32, #tpu.memory_space<vmem_shared>>) offsets(%dma_start3A_163 : memref<128xi32, #tpu.memory_space<vmem>>) semaphore(%arg28 : memref<!tpu.dma_semaphore, #tpu.memory_space<semaphore_mem>>) {add = true}
        %dma_wait3A_167 = arith.constant 0 : i32
        %dma_wait3A_168 = arith.constant 0 : i32
        %dma_wait3A_169 = tpu.memref_slice %arg15[%dma_wait3A_167, %dma_wait3A_168] : memref<80x128xi32, #tpu.memory_space<vmem>> -> memref<1x128xi32, #tpu.memory_space<vmem>>
        %dma_wait3A_170 = tpu.memref_squeeze %dma_wait3A_169 : memref<1x128xi32, #tpu.memory_space<vmem>> -> memref<128xi32, #tpu.memory_space<vmem>>
        %dma_wait3A_171 = arith.constant 0 : i32
        %dma_wait3A_172 = arith.constant 0 : i32
        %dma_wait3A_173 = tpu.memref_slice %arg21[%dma_wait3A_171, %dma_wait3A_172] : memref<5248x128xf32, #tpu.memory_space<vmem_shared>> -> memref<5248x128xf32, #tpu.memory_space<vmem_shared>>
        tpu.wait_indirect_dma semaphore(%arg27 : memref<!tpu.dma_semaphore, #tpu.memory_space<semaphore_mem>>) src(%arg18 : memref<128x128xf32, #tpu.memory_space<vmem>>) dst(%dma_wait3A_173 : memref<5248x128xf32, #tpu.memory_space<vmem_shared>>)
        %lt3A_174 = arith.constant 19 : i32
        %lt3A_175 = arith.cmpi slt, %scan3A_92, %lt3A_174 : i32
        %convert_element_type3A_176 = arith.extui %lt3A_175 : i1 to i32
        %cond3A_177 = arith.constant 0 : i32
        %cond3A_178 = arith.cmpi ne, %convert_element_type3A_176, %cond3A_177 : i32
        scf.if %cond3A_178 {
          %add3A_208 = arith.constant 3 : i32
          %add3A_209 = arith.addi %add3A_153, %add3A_208 : i32
          %dma_start3A_210 = arith.constant 0 : i32
          %dma_start3A_211 = tpu.memref_slice %arg14[%add3A_209, %dma_start3A_210] : memref<80x128xi32, #tpu.memory_space<vmem>> -> memref<1x128xi32, #tpu.memory_space<vmem>>
          %dma_start3A_212 = tpu.memref_squeeze %dma_start3A_211 : memref<1x128xi32, #tpu.memory_space<vmem>> -> memref<128xi32, #tpu.memory_space<vmem>>
          %dma_start3A_213 = arith.constant 0 : i32
          %dma_start3A_214 = arith.constant 0 : i32
          %dma_start3A_215 = tpu.memref_slice %arg2[%dma_start3A_213, %dma_start3A_214] : memref<10240x128xf32, #tpu.memory_space<hbm>> -> memref<10240x128xf32, #tpu.memory_space<hbm>>
          tpu.enqueue_indirect_dma source(%dma_start3A_215 : memref<10240x128xf32, #tpu.memory_space<hbm>>) target(%arg18 : memref<128x128xf32, #tpu.memory_space<vmem>>) offsets(%dma_start3A_212 : memref<128xi32, #tpu.memory_space<vmem>>) semaphore(%arg23 : memref<!tpu.dma_semaphore, #tpu.memory_space<semaphore_mem>>)
        } else {
        }
        %mul3A_179 = arith.constant 4 : i32
        %mul3A_180 = arith.muli %mul3A_179, %scan3A_92 : i32
        %add3A_181 = arith.constant 3 : i32
        %add3A_182 = arith.addi %mul3A_180, %add3A_181 : i32
        %dma_wait3A_183 = arith.constant 0 : i32
        %dma_wait3A_184 = arith.constant 0 : i32
        %dma_wait3A_185 = tpu.memref_slice %arg14[%dma_wait3A_183, %dma_wait3A_184] : memref<80x128xi32, #tpu.memory_space<vmem>> -> memref<1x128xi32, #tpu.memory_space<vmem>>
        %dma_wait3A_186 = tpu.memref_squeeze %dma_wait3A_185 : memref<1x128xi32, #tpu.memory_space<vmem>> -> memref<128xi32, #tpu.memory_space<vmem>>
        %dma_wait3A_187 = arith.constant 0 : i32
        %dma_wait3A_188 = arith.constant 0 : i32
        %dma_wait3A_189 = tpu.memref_slice %arg2[%dma_wait3A_187, %dma_wait3A_188] : memref<10240x128xf32, #tpu.memory_space<hbm>> -> memref<10240x128xf32, #tpu.memory_space<hbm>>
        tpu.wait_indirect_dma semaphore(%arg25 : memref<!tpu.dma_semaphore, #tpu.memory_space<semaphore_mem>>) src(%dma_wait3A_189 : memref<10240x128xf32, #tpu.memory_space<hbm>>) dst(%arg20 : memref<128x128xf32, #tpu.memory_space<vmem>>)
        %dma_start3A_190 = arith.constant 0 : i32
        %dma_start3A_191 = tpu.memref_slice %arg15[%add3A_182, %dma_start3A_190] : memref<80x128xi32, #tpu.memory_space<vmem>> -> memref<1x128xi32, #tpu.memory_space<vmem>>
        %dma_start3A_192 = tpu.memref_squeeze %dma_start3A_191 : memref<1x128xi32, #tpu.memory_space<vmem>> -> memref<128xi32, #tpu.memory_space<vmem>>
        %dma_start3A_193 = arith.constant 0 : i32
        %dma_start3A_194 = arith.constant 0 : i32
        %dma_start3A_195 = tpu.memref_slice %arg21[%dma_start3A_193, %dma_start3A_194] : memref<5248x128xf32, #tpu.memory_space<vmem_shared>> -> memref<5248x128xf32, #tpu.memory_space<vmem_shared>>
        tpu.enqueue_indirect_dma source(%arg20 : memref<128x128xf32, #tpu.memory_space<vmem>>) target(%dma_start3A_195 : memref<5248x128xf32, #tpu.memory_space<vmem_shared>>) offsets(%dma_start3A_192 : memref<128xi32, #tpu.memory_space<vmem>>) semaphore(%arg29 : memref<!tpu.dma_semaphore, #tpu.memory_space<semaphore_mem>>) {add = true}
        %dma_wait3A_196 = arith.constant 0 : i32
        %dma_wait3A_197 = arith.constant 0 : i32
        %dma_wait3A_198 = tpu.memref_slice %arg15[%dma_wait3A_196, %dma_wait3A_197] : memref<80x128xi32, #tpu.memory_space<vmem>> -> memref<1x128xi32, #tpu.memory_space<vmem>>
        %dma_wait3A_199 = tpu.memref_squeeze %dma_wait3A_198 : memref<1x128xi32, #tpu.memory_space<vmem>> -> memref<128xi32, #tpu.memory_space<vmem>>
        %dma_wait3A_200 = arith.constant 0 : i32
        %dma_wait3A_201 = arith.constant 0 : i32
        %dma_wait3A_202 = tpu.memref_slice %arg21[%dma_wait3A_200, %dma_wait3A_201] : memref<5248x128xf32, #tpu.memory_space<vmem_shared>> -> memref<5248x128xf32, #tpu.memory_space<vmem_shared>>
        tpu.wait_indirect_dma semaphore(%arg28 : memref<!tpu.dma_semaphore, #tpu.memory_space<semaphore_mem>>) src(%arg19 : memref<128x128xf32, #tpu.memory_space<vmem>>) dst(%dma_wait3A_202 : memref<5248x128xf32, #tpu.memory_space<vmem_shared>>)
        %lt3A_203 = arith.constant 19 : i32
        %lt3A_204 = arith.cmpi slt, %scan3A_92, %lt3A_203 : i32
        %convert_element_type3A_205 = arith.extui %lt3A_204 : i1 to i32
        %cond3A_206 = arith.constant 0 : i32
        %cond3A_207 = arith.cmpi ne, %convert_element_type3A_205, %cond3A_206 : i32
        scf.if %cond3A_207 {
          %add3A_208 = arith.constant 3 : i32
          %add3A_209 = arith.addi %add3A_182, %add3A_208 : i32
          %dma_start3A_210 = arith.constant 0 : i32
          %dma_start3A_211 = tpu.memref_slice %arg14[%add3A_209, %dma_start3A_210] : memref<80x128xi32, #tpu.memory_space<vmem>> -> memref<1x128xi32, #tpu.memory_space<vmem>>
          %dma_start3A_212 = tpu.memref_squeeze %dma_start3A_211 : memref<1x128xi32, #tpu.memory_space<vmem>> -> memref<128xi32, #tpu.memory_space<vmem>>
          %dma_start3A_213 = arith.constant 0 : i32
          %dma_start3A_214 = arith.constant 0 : i32
          %dma_start3A_215 = tpu.memref_slice %arg2[%dma_start3A_213, %dma_start3A_214] : memref<10240x128xf32, #tpu.memory_space<hbm>> -> memref<10240x128xf32, #tpu.memory_space<hbm>>
          tpu.enqueue_indirect_dma source(%dma_start3A_215 : memref<10240x128xf32, #tpu.memory_space<hbm>>) target(%arg19 : memref<128x128xf32, #tpu.memory_space<vmem>>) offsets(%dma_start3A_212 : memref<128xi32, #tpu.memory_space<vmem>>) semaphore(%arg24 : memref<!tpu.dma_semaphore, #tpu.memory_space<semaphore_mem>>)
        } else {
        }
      }
      %scan3A_85 = arith.constant 20 : i32
      %dma_wait3A = arith.constant 0 : i32
      %dma_wait3A_86 = arith.constant 0 : i32
      %dma_wait3A_87 = tpu.memref_slice %arg15[%dma_wait3A, %dma_wait3A_86] : memref<80x128xi32, #tpu.memory_space<vmem>> -> memref<1x128xi32, #tpu.memory_space<vmem>>
      %dma_wait3A_88 = tpu.memref_squeeze %dma_wait3A_87 : memref<1x128xi32, #tpu.memory_space<vmem>> -> memref<128xi32, #tpu.memory_space<vmem>>
      %dma_wait3A_89 = arith.constant 0 : i32
      %dma_wait3A_90 = arith.constant 0 : i32
      %dma_wait3A_91 = tpu.memref_slice %arg21[%dma_wait3A_89, %dma_wait3A_90] : memref<5248x128xf32, #tpu.memory_space<vmem_shared>> -> memref<5248x128xf32, #tpu.memory_space<vmem_shared>>
      tpu.wait_indirect_dma semaphore(%arg29 : memref<!tpu.dma_semaphore, #tpu.memory_space<semaphore_mem>>) src(%arg20 : memref<128x128xf32, #tpu.memory_space<vmem>>) dst(%dma_wait3A_91 : memref<5248x128xf32, #tpu.memory_space<vmem_shared>>)
    } else {
    }
    %barrier3A_9 = arith.constant 0 : index
    tpu.barrier barrier_id(%barrier3A_9)
    %mul3A_10 = arith.constant 320 : i32
    %mul3A_11 = arith.muli %arg1, %mul3A_10 : i32
    %mul3A_12 = arith.constant 320 : i32
    %mul3A_13 = arith.muli %arg1, %mul3A_12 : i32
    %add3A_14 = arith.addi %mul3A_2, %mul3A_13 : i32
    "tpu.region"() ({
      %run_scoped3A = tpu.sem_alloc : memref<!tpu.dma_semaphore, #tpu.memory_space<semaphore_mem>>
      %dma_start3A = arith.constant 0 : i32
      %dma_start3A_61 = tpu.memref_slice %arg10[%add3A_14, %dma_start3A] : memref<10240x128xf32, #tpu.memory_space<hbm>> -> memref<320x128xf32, #tpu.memory_space<hbm>>
      %dma_start3A_62 = arith.constant 0 : i32
      %dma_start3A_63 = tpu.memref_slice %arg21[%mul3A_11, %dma_start3A_62] : memref<5248x128xf32, #tpu.memory_space<vmem_shared>> -> memref<320x128xf32, #tpu.memory_space<vmem_shared>>
      tpu.enqueue_dma source(%dma_start3A_63 : memref<320x128xf32, #tpu.memory_space<vmem_shared>>) target(%dma_start3A_61 : memref<320x128xf32, #tpu.memory_space<hbm>>) target_semaphore(%run_scoped3A : memref<!tpu.dma_semaphore, #tpu.memory_space<semaphore_mem>>)
      %dma_wait3A = arith.constant 0 : i32
      %dma_wait3A_64 = tpu.memref_slice %arg10[%add3A_14, %dma_wait3A] : memref<10240x128xf32, #tpu.memory_space<hbm>> -> memref<320x128xf32, #tpu.memory_space<hbm>>
      %dma_wait3A_65 = arith.constant 0 : i32
      %dma_wait3A_66 = tpu.memref_slice %arg21[%mul3A_11, %dma_wait3A_65] : memref<5248x128xf32, #tpu.memory_space<vmem_shared>> -> memref<320x128xf32, #tpu.memory_space<vmem_shared>>
      tpu.wait_dma2 semaphore(%run_scoped3A : memref<!tpu.dma_semaphore, #tpu.memory_space<semaphore_mem>>) src(%dma_wait3A_66 : memref<320x128xf32, #tpu.memory_space<vmem_shared>>) dst(%dma_wait3A_64 : memref<320x128xf32, #tpu.memory_space<hbm>>)
      tpu.yield
    }) : () -> ()
    %barrier3A_15 = arith.constant 0 : index
    tpu.barrier barrier_id(%barrier3A_15)
    %gt3A_16 = arith.constant -1 : i32
    %gt3A_17 = arith.cmpi sgt, %squeeze3A, %gt3A_16 : i32
    %mul3A_18 = arith.constant 320 : i32
    %mul3A_19 = arith.muli %arg1, %mul3A_18 : i32
    "tpu.region"() ({
      %run_scoped3A = tpu.sem_alloc : memref<!tpu.dma_semaphore, #tpu.memory_space<semaphore_mem>>
      %dma_start3A = arith.constant 0 : i32
      %dma_start3A_61 = tpu.memref_slice %arg21[%mul3A_19, %dma_start3A] : memref<5248x128xf32, #tpu.memory_space<vmem_shared>> -> memref<320x128xf32, #tpu.memory_space<vmem_shared>>
      tpu.enqueue_dma source(%arg9 : memref<320x128xf32, #tpu.memory_space<hbm>>) target(%dma_start3A_61 : memref<320x128xf32, #tpu.memory_space<vmem_shared>>) target_semaphore(%run_scoped3A : memref<!tpu.dma_semaphore, #tpu.memory_space<semaphore_mem>>)
      %dma_wait3A = arith.constant 0 : i32
      %dma_wait3A_62 = tpu.memref_slice %arg21[%mul3A_19, %dma_wait3A] : memref<5248x128xf32, #tpu.memory_space<vmem_shared>> -> memref<320x128xf32, #tpu.memory_space<vmem_shared>>
      tpu.wait_dma2 semaphore(%run_scoped3A : memref<!tpu.dma_semaphore, #tpu.memory_space<semaphore_mem>>) src(%arg9 : memref<320x128xf32, #tpu.memory_space<hbm>>) dst(%dma_wait3A_62 : memref<320x128xf32, #tpu.memory_space<vmem_shared>>)
      tpu.yield
    }) : () -> ()
    %barrier3A_20 = arith.constant 0 : index
    tpu.barrier barrier_id(%barrier3A_20)
    %convert_element_type3A_21 = arith.extui %gt3A_17 : i1 to i32
    %cond3A_22 = arith.constant 0 : i32
    %cond3A_23 = arith.cmpi ne, %convert_element_type3A_21, %cond3A_22 : i32
    scf.if %cond3A_23 {
      %dma_start3A = arith.constant 0 : i32
      %dma_start3A_61 = arith.constant 0 : i32
      %dma_start3A_62 = tpu.memref_slice %arg14[%dma_start3A, %dma_start3A_61] : memref<80x128xi32, #tpu.memory_space<vmem>> -> memref<1x128xi32, #tpu.memory_space<vmem>>
      %dma_start3A_63 = tpu.memref_squeeze %dma_start3A_62 : memref<1x128xi32, #tpu.memory_space<vmem>> -> memref<128xi32, #tpu.memory_space<vmem>>
      %dma_start3A_64 = arith.constant 0 : i32
      %dma_start3A_65 = arith.constant 0 : i32
      %dma_start3A_66 = tpu.memref_slice %arg3[%dma_start3A_64, %dma_start3A_65] : memref<10240x128xf32, #tpu.memory_space<hbm>> -> memref<10240x128xf32, #tpu.memory_space<hbm>>
      tpu.enqueue_indirect_dma source(%dma_start3A_66 : memref<10240x128xf32, #tpu.memory_space<hbm>>) target(%arg17 : memref<128x128xf32, #tpu.memory_space<vmem>>) offsets(%dma_start3A_63 : memref<128xi32, #tpu.memory_space<vmem>>) semaphore(%arg22 : memref<!tpu.dma_semaphore, #tpu.memory_space<semaphore_mem>>)
      %dma_start3A_67 = arith.constant 1 : i32
      %dma_start3A_68 = arith.constant 0 : i32
      %dma_start3A_69 = tpu.memref_slice %arg14[%dma_start3A_67, %dma_start3A_68] : memref<80x128xi32, #tpu.memory_space<vmem>> -> memref<1x128xi32, #tpu.memory_space<vmem>>
      %dma_start3A_70 = tpu.memref_squeeze %dma_start3A_69 : memref<1x128xi32, #tpu.memory_space<vmem>> -> memref<128xi32, #tpu.memory_space<vmem>>
      %dma_start3A_71 = arith.constant 0 : i32
      %dma_start3A_72 = arith.constant 0 : i32
      %dma_start3A_73 = tpu.memref_slice %arg3[%dma_start3A_71, %dma_start3A_72] : memref<10240x128xf32, #tpu.memory_space<hbm>> -> memref<10240x128xf32, #tpu.memory_space<hbm>>
      tpu.enqueue_indirect_dma source(%dma_start3A_73 : memref<10240x128xf32, #tpu.memory_space<hbm>>) target(%arg18 : memref<128x128xf32, #tpu.memory_space<vmem>>) offsets(%dma_start3A_70 : memref<128xi32, #tpu.memory_space<vmem>>) semaphore(%arg23 : memref<!tpu.dma_semaphore, #tpu.memory_space<semaphore_mem>>)
      %dma_start3A_74 = arith.constant 2 : i32
      %dma_start3A_75 = arith.constant 0 : i32
      %dma_start3A_76 = tpu.memref_slice %arg14[%dma_start3A_74, %dma_start3A_75] : memref<80x128xi32, #tpu.memory_space<vmem>> -> memref<1x128xi32, #tpu.memory_space<vmem>>
      %dma_start3A_77 = tpu.memref_squeeze %dma_start3A_76 : memref<1x128xi32, #tpu.memory_space<vmem>> -> memref<128xi32, #tpu.memory_space<vmem>>
      %dma_start3A_78 = arith.constant 0 : i32
      %dma_start3A_79 = arith.constant 0 : i32
      %dma_start3A_80 = tpu.memref_slice %arg3[%dma_start3A_78, %dma_start3A_79] : memref<10240x128xf32, #tpu.memory_space<hbm>> -> memref<10240x128xf32, #tpu.memory_space<hbm>>
      tpu.enqueue_indirect_dma source(%dma_start3A_80 : memref<10240x128xf32, #tpu.memory_space<hbm>>) target(%arg19 : memref<128x128xf32, #tpu.memory_space<vmem>>) offsets(%dma_start3A_77 : memref<128xi32, #tpu.memory_space<vmem>>) semaphore(%arg24 : memref<!tpu.dma_semaphore, #tpu.memory_space<semaphore_mem>>)
      %scan3A = arith.constant 0 : i32
      %scan3A_81 = arith.constant 0 : i32
      %scan3A_82 = arith.constant 20 : i32
      %scan3A_83 = arith.addi %scan3A_81, %scan3A_82 : i32
      %scan3A_84 = arith.constant 1 : i32
      scf.for %scan3A_92 = %scan3A_81 to %scan3A_83 step %scan3A_84  : i32 {
        %mul3A_93 = arith.constant 4 : i32
        %mul3A_94 = arith.muli %mul3A_93, %scan3A_92 : i32
        %add3A_95 = arith.constant 0 : i32
        %add3A_96 = arith.addi %mul3A_94, %add3A_95 : i32
        %dma_wait3A_97 = arith.constant 0 : i32
        %dma_wait3A_98 = arith.constant 0 : i32
        %dma_wait3A_99 = tpu.memref_slice %arg14[%dma_wait3A_97, %dma_wait3A_98] : memref<80x128xi32, #tpu.memory_space<vmem>> -> memref<1x128xi32, #tpu.memory_space<vmem>>
        %dma_wait3A_100 = tpu.memref_squeeze %dma_wait3A_99 : memref<1x128xi32, #tpu.memory_space<vmem>> -> memref<128xi32, #tpu.memory_space<vmem>>
        %dma_wait3A_101 = arith.constant 0 : i32
        %dma_wait3A_102 = arith.constant 0 : i32
        %dma_wait3A_103 = tpu.memref_slice %arg3[%dma_wait3A_101, %dma_wait3A_102] : memref<10240x128xf32, #tpu.memory_space<hbm>> -> memref<10240x128xf32, #tpu.memory_space<hbm>>
        tpu.wait_indirect_dma semaphore(%arg22 : memref<!tpu.dma_semaphore, #tpu.memory_space<semaphore_mem>>) src(%dma_wait3A_103 : memref<10240x128xf32, #tpu.memory_space<hbm>>) dst(%arg17 : memref<128x128xf32, #tpu.memory_space<vmem>>)
        %dma_start3A_104 = arith.constant 0 : i32
        %dma_start3A_105 = tpu.memref_slice %arg15[%add3A_96, %dma_start3A_104] : memref<80x128xi32, #tpu.memory_space<vmem>> -> memref<1x128xi32, #tpu.memory_space<vmem>>
        %dma_start3A_106 = tpu.memref_squeeze %dma_start3A_105 : memref<1x128xi32, #tpu.memory_space<vmem>> -> memref<128xi32, #tpu.memory_space<vmem>>
        %dma_start3A_107 = arith.constant 0 : i32
        %dma_start3A_108 = arith.constant 0 : i32
        %dma_start3A_109 = tpu.memref_slice %arg21[%dma_start3A_107, %dma_start3A_108] : memref<5248x128xf32, #tpu.memory_space<vmem_shared>> -> memref<5248x128xf32, #tpu.memory_space<vmem_shared>>
        tpu.enqueue_indirect_dma source(%arg17 : memref<128x128xf32, #tpu.memory_space<vmem>>) target(%dma_start3A_109 : memref<5248x128xf32, #tpu.memory_space<vmem_shared>>) offsets(%dma_start3A_106 : memref<128xi32, #tpu.memory_space<vmem>>) semaphore(%arg26 : memref<!tpu.dma_semaphore, #tpu.memory_space<semaphore_mem>>) {add = true}
        %ge3A = arith.constant 1 : i32
        %ge3A_110 = arith.cmpi sge, %scan3A_92, %ge3A : i32
        %convert_element_type3A_111 = arith.extui %ge3A_110 : i1 to i32
        %cond3A_112 = arith.constant 0 : i32
        %cond3A_113 = arith.cmpi ne, %convert_element_type3A_111, %cond3A_112 : i32
        scf.if %cond3A_113 {
          %dma_wait3A_208 = arith.constant 0 : i32
          %dma_wait3A_209 = arith.constant 0 : i32
          %dma_wait3A_210 = tpu.memref_slice %arg15[%dma_wait3A_208, %dma_wait3A_209] : memref<80x128xi32, #tpu.memory_space<vmem>> -> memref<1x128xi32, #tpu.memory_space<vmem>>
          %dma_wait3A_211 = tpu.memref_squeeze %dma_wait3A_210 : memref<1x128xi32, #tpu.memory_space<vmem>> -> memref<128xi32, #tpu.memory_space<vmem>>
          %dma_wait3A_212 = arith.constant 0 : i32
          %dma_wait3A_213 = arith.constant 0 : i32
          %dma_wait3A_214 = tpu.memref_slice %arg21[%dma_wait3A_212, %dma_wait3A_213] : memref<5248x128xf32, #tpu.memory_space<vmem_shared>> -> memref<5248x128xf32, #tpu.memory_space<vmem_shared>>
          tpu.wait_indirect_dma semaphore(%arg29 : memref<!tpu.dma_semaphore, #tpu.memory_space<semaphore_mem>>) src(%arg20 : memref<128x128xf32, #tpu.memory_space<vmem>>) dst(%dma_wait3A_214 : memref<5248x128xf32, #tpu.memory_space<vmem_shared>>)
        } else {
        }
        %add3A_114 = arith.constant 3 : i32
        %add3A_115 = arith.addi %add3A_96, %add3A_114 : i32
        %dma_start3A_116 = arith.constant 0 : i32
        %dma_start3A_117 = tpu.memref_slice %arg14[%add3A_115, %dma_start3A_116] : memref<80x128xi32, #tpu.memory_space<vmem>> -> memref<1x128xi32, #tpu.memory_space<vmem>>
        %dma_start3A_118 = tpu.memref_squeeze %dma_start3A_117 : memref<1x128xi32, #tpu.memory_space<vmem>> -> memref<128xi32, #tpu.memory_space<vmem>>
        %dma_start3A_119 = arith.constant 0 : i32
        %dma_start3A_120 = arith.constant 0 : i32
        %dma_start3A_121 = tpu.memref_slice %arg3[%dma_start3A_119, %dma_start3A_120] : memref<10240x128xf32, #tpu.memory_space<hbm>> -> memref<10240x128xf32, #tpu.memory_space<hbm>>
        tpu.enqueue_indirect_dma source(%dma_start3A_121 : memref<10240x128xf32, #tpu.memory_space<hbm>>) target(%arg20 : memref<128x128xf32, #tpu.memory_space<vmem>>) offsets(%dma_start3A_118 : memref<128xi32, #tpu.memory_space<vmem>>) semaphore(%arg25 : memref<!tpu.dma_semaphore, #tpu.memory_space<semaphore_mem>>)
        %mul3A_122 = arith.constant 4 : i32
        %mul3A_123 = arith.muli %mul3A_122, %scan3A_92 : i32
        %add3A_124 = arith.constant 1 : i32
        %add3A_125 = arith.addi %mul3A_123, %add3A_124 : i32
        %dma_wait3A_126 = arith.constant 0 : i32
        %dma_wait3A_127 = arith.constant 0 : i32
        %dma_wait3A_128 = tpu.memref_slice %arg14[%dma_wait3A_126, %dma_wait3A_127] : memref<80x128xi32, #tpu.memory_space<vmem>> -> memref<1x128xi32, #tpu.memory_space<vmem>>
        %dma_wait3A_129 = tpu.memref_squeeze %dma_wait3A_128 : memref<1x128xi32, #tpu.memory_space<vmem>> -> memref<128xi32, #tpu.memory_space<vmem>>
        %dma_wait3A_130 = arith.constant 0 : i32
        %dma_wait3A_131 = arith.constant 0 : i32
        %dma_wait3A_132 = tpu.memref_slice %arg3[%dma_wait3A_130, %dma_wait3A_131] : memref<10240x128xf32, #tpu.memory_space<hbm>> -> memref<10240x128xf32, #tpu.memory_space<hbm>>
        tpu.wait_indirect_dma semaphore(%arg23 : memref<!tpu.dma_semaphore, #tpu.memory_space<semaphore_mem>>) src(%dma_wait3A_132 : memref<10240x128xf32, #tpu.memory_space<hbm>>) dst(%arg18 : memref<128x128xf32, #tpu.memory_space<vmem>>)
        %dma_start3A_133 = arith.constant 0 : i32
        %dma_start3A_134 = tpu.memref_slice %arg15[%add3A_125, %dma_start3A_133] : memref<80x128xi32, #tpu.memory_space<vmem>> -> memref<1x128xi32, #tpu.memory_space<vmem>>
        %dma_start3A_135 = tpu.memref_squeeze %dma_start3A_134 : memref<1x128xi32, #tpu.memory_space<vmem>> -> memref<128xi32, #tpu.memory_space<vmem>>
        %dma_start3A_136 = arith.constant 0 : i32
        %dma_start3A_137 = arith.constant 0 : i32
        %dma_start3A_138 = tpu.memref_slice %arg21[%dma_start3A_136, %dma_start3A_137] : memref<5248x128xf32, #tpu.memory_space<vmem_shared>> -> memref<5248x128xf32, #tpu.memory_space<vmem_shared>>
        tpu.enqueue_indirect_dma source(%arg18 : memref<128x128xf32, #tpu.memory_space<vmem>>) target(%dma_start3A_138 : memref<5248x128xf32, #tpu.memory_space<vmem_shared>>) offsets(%dma_start3A_135 : memref<128xi32, #tpu.memory_space<vmem>>) semaphore(%arg27 : memref<!tpu.dma_semaphore, #tpu.memory_space<semaphore_mem>>) {add = true}
        %dma_wait3A_139 = arith.constant 0 : i32
        %dma_wait3A_140 = arith.constant 0 : i32
        %dma_wait3A_141 = tpu.memref_slice %arg15[%dma_wait3A_139, %dma_wait3A_140] : memref<80x128xi32, #tpu.memory_space<vmem>> -> memref<1x128xi32, #tpu.memory_space<vmem>>
        %dma_wait3A_142 = tpu.memref_squeeze %dma_wait3A_141 : memref<1x128xi32, #tpu.memory_space<vmem>> -> memref<128xi32, #tpu.memory_space<vmem>>
        %dma_wait3A_143 = arith.constant 0 : i32
        %dma_wait3A_144 = arith.constant 0 : i32
        %dma_wait3A_145 = tpu.memref_slice %arg21[%dma_wait3A_143, %dma_wait3A_144] : memref<5248x128xf32, #tpu.memory_space<vmem_shared>> -> memref<5248x128xf32, #tpu.memory_space<vmem_shared>>
        tpu.wait_indirect_dma semaphore(%arg26 : memref<!tpu.dma_semaphore, #tpu.memory_space<semaphore_mem>>) src(%arg17 : memref<128x128xf32, #tpu.memory_space<vmem>>) dst(%dma_wait3A_145 : memref<5248x128xf32, #tpu.memory_space<vmem_shared>>)
        %lt3A = arith.constant 19 : i32
        %lt3A_146 = arith.cmpi slt, %scan3A_92, %lt3A : i32
        %convert_element_type3A_147 = arith.extui %lt3A_146 : i1 to i32
        %cond3A_148 = arith.constant 0 : i32
        %cond3A_149 = arith.cmpi ne, %convert_element_type3A_147, %cond3A_148 : i32
        scf.if %cond3A_149 {
          %add3A_208 = arith.constant 3 : i32
          %add3A_209 = arith.addi %add3A_125, %add3A_208 : i32
          %dma_start3A_210 = arith.constant 0 : i32
          %dma_start3A_211 = tpu.memref_slice %arg14[%add3A_209, %dma_start3A_210] : memref<80x128xi32, #tpu.memory_space<vmem>> -> memref<1x128xi32, #tpu.memory_space<vmem>>
          %dma_start3A_212 = tpu.memref_squeeze %dma_start3A_211 : memref<1x128xi32, #tpu.memory_space<vmem>> -> memref<128xi32, #tpu.memory_space<vmem>>
          %dma_start3A_213 = arith.constant 0 : i32
          %dma_start3A_214 = arith.constant 0 : i32
          %dma_start3A_215 = tpu.memref_slice %arg3[%dma_start3A_213, %dma_start3A_214] : memref<10240x128xf32, #tpu.memory_space<hbm>> -> memref<10240x128xf32, #tpu.memory_space<hbm>>
          tpu.enqueue_indirect_dma source(%dma_start3A_215 : memref<10240x128xf32, #tpu.memory_space<hbm>>) target(%arg17 : memref<128x128xf32, #tpu.memory_space<vmem>>) offsets(%dma_start3A_212 : memref<128xi32, #tpu.memory_space<vmem>>) semaphore(%arg22 : memref<!tpu.dma_semaphore, #tpu.memory_space<semaphore_mem>>)
        } else {
        }
        %mul3A_150 = arith.constant 4 : i32
        %mul3A_151 = arith.muli %mul3A_150, %scan3A_92 : i32
        %add3A_152 = arith.constant 2 : i32
        %add3A_153 = arith.addi %mul3A_151, %add3A_152 : i32
        %dma_wait3A_154 = arith.constant 0 : i32
        %dma_wait3A_155 = arith.constant 0 : i32
        %dma_wait3A_156 = tpu.memref_slice %arg14[%dma_wait3A_154, %dma_wait3A_155] : memref<80x128xi32, #tpu.memory_space<vmem>> -> memref<1x128xi32, #tpu.memory_space<vmem>>
        %dma_wait3A_157 = tpu.memref_squeeze %dma_wait3A_156 : memref<1x128xi32, #tpu.memory_space<vmem>> -> memref<128xi32, #tpu.memory_space<vmem>>
        %dma_wait3A_158 = arith.constant 0 : i32
        %dma_wait3A_159 = arith.constant 0 : i32
        %dma_wait3A_160 = tpu.memref_slice %arg3[%dma_wait3A_158, %dma_wait3A_159] : memref<10240x128xf32, #tpu.memory_space<hbm>> -> memref<10240x128xf32, #tpu.memory_space<hbm>>
        tpu.wait_indirect_dma semaphore(%arg24 : memref<!tpu.dma_semaphore, #tpu.memory_space<semaphore_mem>>) src(%dma_wait3A_160 : memref<10240x128xf32, #tpu.memory_space<hbm>>) dst(%arg19 : memref<128x128xf32, #tpu.memory_space<vmem>>)
        %dma_start3A_161 = arith.constant 0 : i32
        %dma_start3A_162 = tpu.memref_slice %arg15[%add3A_153, %dma_start3A_161] : memref<80x128xi32, #tpu.memory_space<vmem>> -> memref<1x128xi32, #tpu.memory_space<vmem>>
        %dma_start3A_163 = tpu.memref_squeeze %dma_start3A_162 : memref<1x128xi32, #tpu.memory_space<vmem>> -> memref<128xi32, #tpu.memory_space<vmem>>
        %dma_start3A_164 = arith.constant 0 : i32
        %dma_start3A_165 = arith.constant 0 : i32
        %dma_start3A_166 = tpu.memref_slice %arg21[%dma_start3A_164, %dma_start3A_165] : memref<5248x128xf32, #tpu.memory_space<vmem_shared>> -> memref<5248x128xf32, #tpu.memory_space<vmem_shared>>
        tpu.enqueue_indirect_dma source(%arg19 : memref<128x128xf32, #tpu.memory_space<vmem>>) target(%dma_start3A_166 : memref<5248x128xf32, #tpu.memory_space<vmem_shared>>) offsets(%dma_start3A_163 : memref<128xi32, #tpu.memory_space<vmem>>) semaphore(%arg28 : memref<!tpu.dma_semaphore, #tpu.memory_space<semaphore_mem>>) {add = true}
        %dma_wait3A_167 = arith.constant 0 : i32
        %dma_wait3A_168 = arith.constant 0 : i32
        %dma_wait3A_169 = tpu.memref_slice %arg15[%dma_wait3A_167, %dma_wait3A_168] : memref<80x128xi32, #tpu.memory_space<vmem>> -> memref<1x128xi32, #tpu.memory_space<vmem>>
        %dma_wait3A_170 = tpu.memref_squeeze %dma_wait3A_169 : memref<1x128xi32, #tpu.memory_space<vmem>> -> memref<128xi32, #tpu.memory_space<vmem>>
        %dma_wait3A_171 = arith.constant 0 : i32
        %dma_wait3A_172 = arith.constant 0 : i32
        %dma_wait3A_173 = tpu.memref_slice %arg21[%dma_wait3A_171, %dma_wait3A_172] : memref<5248x128xf32, #tpu.memory_space<vmem_shared>> -> memref<5248x128xf32, #tpu.memory_space<vmem_shared>>
        tpu.wait_indirect_dma semaphore(%arg27 : memref<!tpu.dma_semaphore, #tpu.memory_space<semaphore_mem>>) src(%arg18 : memref<128x128xf32, #tpu.memory_space<vmem>>) dst(%dma_wait3A_173 : memref<5248x128xf32, #tpu.memory_space<vmem_shared>>)
        %lt3A_174 = arith.constant 19 : i32
        %lt3A_175 = arith.cmpi slt, %scan3A_92, %lt3A_174 : i32
        %convert_element_type3A_176 = arith.extui %lt3A_175 : i1 to i32
        %cond3A_177 = arith.constant 0 : i32
        %cond3A_178 = arith.cmpi ne, %convert_element_type3A_176, %cond3A_177 : i32
        scf.if %cond3A_178 {
          %add3A_208 = arith.constant 3 : i32
          %add3A_209 = arith.addi %add3A_153, %add3A_208 : i32
          %dma_start3A_210 = arith.constant 0 : i32
          %dma_start3A_211 = tpu.memref_slice %arg14[%add3A_209, %dma_start3A_210] : memref<80x128xi32, #tpu.memory_space<vmem>> -> memref<1x128xi32, #tpu.memory_space<vmem>>
          %dma_start3A_212 = tpu.memref_squeeze %dma_start3A_211 : memref<1x128xi32, #tpu.memory_space<vmem>> -> memref<128xi32, #tpu.memory_space<vmem>>
          %dma_start3A_213 = arith.constant 0 : i32
          %dma_start3A_214 = arith.constant 0 : i32
          %dma_start3A_215 = tpu.memref_slice %arg3[%dma_start3A_213, %dma_start3A_214] : memref<10240x128xf32, #tpu.memory_space<hbm>> -> memref<10240x128xf32, #tpu.memory_space<hbm>>
          tpu.enqueue_indirect_dma source(%dma_start3A_215 : memref<10240x128xf32, #tpu.memory_space<hbm>>) target(%arg18 : memref<128x128xf32, #tpu.memory_space<vmem>>) offsets(%dma_start3A_212 : memref<128xi32, #tpu.memory_space<vmem>>) semaphore(%arg23 : memref<!tpu.dma_semaphore, #tpu.memory_space<semaphore_mem>>)
        } else {
        }
        %mul3A_179 = arith.constant 4 : i32
        %mul3A_180 = arith.muli %mul3A_179, %scan3A_92 : i32
        %add3A_181 = arith.constant 3 : i32
        %add3A_182 = arith.addi %mul3A_180, %add3A_181 : i32
        %dma_wait3A_183 = arith.constant 0 : i32
        %dma_wait3A_184 = arith.constant 0 : i32
        %dma_wait3A_185 = tpu.memref_slice %arg14[%dma_wait3A_183, %dma_wait3A_184] : memref<80x128xi32, #tpu.memory_space<vmem>> -> memref<1x128xi32, #tpu.memory_space<vmem>>
        %dma_wait3A_186 = tpu.memref_squeeze %dma_wait3A_185 : memref<1x128xi32, #tpu.memory_space<vmem>> -> memref<128xi32, #tpu.memory_space<vmem>>
        %dma_wait3A_187 = arith.constant 0 : i32
        %dma_wait3A_188 = arith.constant 0 : i32
        %dma_wait3A_189 = tpu.memref_slice %arg3[%dma_wait3A_187, %dma_wait3A_188] : memref<10240x128xf32, #tpu.memory_space<hbm>> -> memref<10240x128xf32, #tpu.memory_space<hbm>>
        tpu.wait_indirect_dma semaphore(%arg25 : memref<!tpu.dma_semaphore, #tpu.memory_space<semaphore_mem>>) src(%dma_wait3A_189 : memref<10240x128xf32, #tpu.memory_space<hbm>>) dst(%arg20 : memref<128x128xf32, #tpu.memory_space<vmem>>)
        %dma_start3A_190 = arith.constant 0 : i32
        %dma_start3A_191 = tpu.memref_slice %arg15[%add3A_182, %dma_start3A_190] : memref<80x128xi32, #tpu.memory_space<vmem>> -> memref<1x128xi32, #tpu.memory_space<vmem>>
        %dma_start3A_192 = tpu.memref_squeeze %dma_start3A_191 : memref<1x128xi32, #tpu.memory_space<vmem>> -> memref<128xi32, #tpu.memory_space<vmem>>
        %dma_start3A_193 = arith.constant 0 : i32
        %dma_start3A_194 = arith.constant 0 : i32
        %dma_start3A_195 = tpu.memref_slice %arg21[%dma_start3A_193, %dma_start3A_194] : memref<5248x128xf32, #tpu.memory_space<vmem_shared>> -> memref<5248x128xf32, #tpu.memory_space<vmem_shared>>
        tpu.enqueue_indirect_dma source(%arg20 : memref<128x128xf32, #tpu.memory_space<vmem>>) target(%dma_start3A_195 : memref<5248x128xf32, #tpu.memory_space<vmem_shared>>) offsets(%dma_start3A_192 : memref<128xi32, #tpu.memory_space<vmem>>) semaphore(%arg29 : memref<!tpu.dma_semaphore, #tpu.memory_space<semaphore_mem>>) {add = true}
        %dma_wait3A_196 = arith.constant 0 : i32
        %dma_wait3A_197 = arith.constant 0 : i32
        %dma_wait3A_198 = tpu.memref_slice %arg15[%dma_wait3A_196, %dma_wait3A_197] : memref<80x128xi32, #tpu.memory_space<vmem>> -> memref<1x128xi32, #tpu.memory_space<vmem>>
        %dma_wait3A_199 = tpu.memref_squeeze %dma_wait3A_198 : memref<1x128xi32, #tpu.memory_space<vmem>> -> memref<128xi32, #tpu.memory_space<vmem>>
        %dma_wait3A_200 = arith.constant 0 : i32
        %dma_wait3A_201 = arith.constant 0 : i32
        %dma_wait3A_202 = tpu.memref_slice %arg21[%dma_wait3A_200, %dma_wait3A_201] : memref<5248x128xf32, #tpu.memory_space<vmem_shared>> -> memref<5248x128xf32, #tpu.memory_space<vmem_shared>>
        tpu.wait_indirect_dma semaphore(%arg28 : memref<!tpu.dma_semaphore, #tpu.memory_space<semaphore_mem>>) src(%arg19 : memref<128x128xf32, #tpu.memory_space<vmem>>) dst(%dma_wait3A_202 : memref<5248x128xf32, #tpu.memory_space<vmem_shared>>)
        %lt3A_203 = arith.constant 19 : i32
        %lt3A_204 = arith.cmpi slt, %scan3A_92, %lt3A_203 : i32
        %convert_element_type3A_205 = arith.extui %lt3A_204 : i1 to i32
        %cond3A_206 = arith.constant 0 : i32
        %cond3A_207 = arith.cmpi ne, %convert_element_type3A_205, %cond3A_206 : i32
        scf.if %cond3A_207 {
          %add3A_208 = arith.constant 3 : i32
          %add3A_209 = arith.addi %add3A_182, %add3A_208 : i32
          %dma_start3A_210 = arith.constant 0 : i32
          %dma_start3A_211 = tpu.memref_slice %arg14[%add3A_209, %dma_start3A_210] : memref<80x128xi32, #tpu.memory_space<vmem>> -> memref<1x128xi32, #tpu.memory_space<vmem>>
          %dma_start3A_212 = tpu.memref_squeeze %dma_start3A_211 : memref<1x128xi32, #tpu.memory_space<vmem>> -> memref<128xi32, #tpu.memory_space<vmem>>
          %dma_start3A_213 = arith.constant 0 : i32
          %dma_start3A_214 = arith.constant 0 : i32
          %dma_start3A_215 = tpu.memref_slice %arg3[%dma_start3A_213, %dma_start3A_214] : memref<10240x128xf32, #tpu.memory_space<hbm>> -> memref<10240x128xf32, #tpu.memory_space<hbm>>
          tpu.enqueue_indirect_dma source(%dma_start3A_215 : memref<10240x128xf32, #tpu.memory_space<hbm>>) target(%arg19 : memref<128x128xf32, #tpu.memory_space<vmem>>) offsets(%dma_start3A_212 : memref<128xi32, #tpu.memory_space<vmem>>) semaphore(%arg24 : memref<!tpu.dma_semaphore, #tpu.memory_space<semaphore_mem>>)
        } else {
        }
      }
      %scan3A_85 = arith.constant 20 : i32
      %dma_wait3A = arith.constant 0 : i32
      %dma_wait3A_86 = arith.constant 0 : i32
      %dma_wait3A_87 = tpu.memref_slice %arg15[%dma_wait3A, %dma_wait3A_86] : memref<80x128xi32, #tpu.memory_space<vmem>> -> memref<1x128xi32, #tpu.memory_space<vmem>>
      %dma_wait3A_88 = tpu.memref_squeeze %dma_wait3A_87 : memref<1x128xi32, #tpu.memory_space<vmem>> -> memref<128xi32, #tpu.memory_space<vmem>>
      %dma_wait3A_89 = arith.constant 0 : i32
      %dma_wait3A_90 = arith.constant 0 : i32
      %dma_wait3A_91 = tpu.memref_slice %arg21[%dma_wait3A_89, %dma_wait3A_90] : memref<5248x128xf32, #tpu.memory_space<vmem_shared>> -> memref<5248x128xf32, #tpu.memory_space<vmem_shared>>
      tpu.wait_indirect_dma semaphore(%arg29 : memref<!tpu.dma_semaphore, #tpu.memory_space<semaphore_mem>>) src(%arg20 : memref<128x128xf32, #tpu.memory_space<vmem>>) dst(%dma_wait3A_91 : memref<5248x128xf32, #tpu.memory_space<vmem_shared>>)
    } else {
    }
    %barrier3A_24 = arith.constant 0 : index
    tpu.barrier barrier_id(%barrier3A_24)
    %mul3A_25 = arith.constant 320 : i32
    %mul3A_26 = arith.muli %arg1, %mul3A_25 : i32
    %mul3A_27 = arith.constant 320 : i32
    %mul3A_28 = arith.muli %arg1, %mul3A_27 : i32
    %add3A_29 = arith.addi %mul3A_2, %mul3A_28 : i32
    "tpu.region"() ({
      %run_scoped3A = tpu.sem_alloc : memref<!tpu.dma_semaphore, #tpu.memory_space<semaphore_mem>>
      %dma_start3A = arith.constant 0 : i32
      %dma_start3A_61 = tpu.memref_slice %arg11[%add3A_29, %dma_start3A] : memref<10240x128xf32, #tpu.memory_space<hbm>> -> memref<320x128xf32, #tpu.memory_space<hbm>>
      %dma_start3A_62 = arith.constant 0 : i32
      %dma_start3A_63 = tpu.memref_slice %arg21[%mul3A_26, %dma_start3A_62] : memref<5248x128xf32, #tpu.memory_space<vmem_shared>> -> memref<320x128xf32, #tpu.memory_space<vmem_shared>>
      tpu.enqueue_dma source(%dma_start3A_63 : memref<320x128xf32, #tpu.memory_space<vmem_shared>>) target(%dma_start3A_61 : memref<320x128xf32, #tpu.memory_space<hbm>>) target_semaphore(%run_scoped3A : memref<!tpu.dma_semaphore, #tpu.memory_space<semaphore_mem>>)
      %dma_wait3A = arith.constant 0 : i32
      %dma_wait3A_64 = tpu.memref_slice %arg11[%add3A_29, %dma_wait3A] : memref<10240x128xf32, #tpu.memory_space<hbm>> -> memref<320x128xf32, #tpu.memory_space<hbm>>
      %dma_wait3A_65 = arith.constant 0 : i32
      %dma_wait3A_66 = tpu.memref_slice %arg21[%mul3A_26, %dma_wait3A_65] : memref<5248x128xf32, #tpu.memory_space<vmem_shared>> -> memref<320x128xf32, #tpu.memory_space<vmem_shared>>
      tpu.wait_dma2 semaphore(%run_scoped3A : memref<!tpu.dma_semaphore, #tpu.memory_space<semaphore_mem>>) src(%dma_wait3A_66 : memref<320x128xf32, #tpu.memory_space<vmem_shared>>) dst(%dma_wait3A_64 : memref<320x128xf32, #tpu.memory_space<hbm>>)
      tpu.yield
    }) : () -> ()
    %barrier3A_30 = arith.constant 0 : index
    tpu.barrier barrier_id(%barrier3A_30)
    %gt3A_31 = arith.constant 0 : i32
    %gt3A_32 = arith.cmpi sgt, %squeeze3A, %gt3A_31 : i32
    %mul3A_33 = arith.constant 320 : i32
    %mul3A_34 = arith.muli %arg1, %mul3A_33 : i32
    "tpu.region"() ({
      %run_scoped3A = tpu.sem_alloc : memref<!tpu.dma_semaphore, #tpu.memory_space<semaphore_mem>>
      %dma_start3A = arith.constant 0 : i32
      %dma_start3A_61 = tpu.memref_slice %arg21[%mul3A_34, %dma_start3A] : memref<5248x128xf32, #tpu.memory_space<vmem_shared>> -> memref<320x128xf32, #tpu.memory_space<vmem_shared>>
      tpu.enqueue_dma source(%arg9 : memref<320x128xf32, #tpu.memory_space<hbm>>) target(%dma_start3A_61 : memref<320x128xf32, #tpu.memory_space<vmem_shared>>) target_semaphore(%run_scoped3A : memref<!tpu.dma_semaphore, #tpu.memory_space<semaphore_mem>>)
      %dma_wait3A = arith.constant 0 : i32
      %dma_wait3A_62 = tpu.memref_slice %arg21[%mul3A_34, %dma_wait3A] : memref<5248x128xf32, #tpu.memory_space<vmem_shared>> -> memref<320x128xf32, #tpu.memory_space<vmem_shared>>
      tpu.wait_dma2 semaphore(%run_scoped3A : memref<!tpu.dma_semaphore, #tpu.memory_space<semaphore_mem>>) src(%arg9 : memref<320x128xf32, #tpu.memory_space<hbm>>) dst(%dma_wait3A_62 : memref<320x128xf32, #tpu.memory_space<vmem_shared>>)
      tpu.yield
    }) : () -> ()
    %barrier3A_35 = arith.constant 0 : index
    tpu.barrier barrier_id(%barrier3A_35)
    %convert_element_type3A_36 = arith.extui %gt3A_32 : i1 to i32
    %cond3A_37 = arith.constant 0 : i32
    %cond3A_38 = arith.cmpi ne, %convert_element_type3A_36, %cond3A_37 : i32
    scf.if %cond3A_38 {
      %dma_start3A = arith.constant 0 : i32
      %dma_start3A_61 = arith.constant 0 : i32
      %dma_start3A_62 = tpu.memref_slice %arg14[%dma_start3A, %dma_start3A_61] : memref<80x128xi32, #tpu.memory_space<vmem>> -> memref<1x128xi32, #tpu.memory_space<vmem>>
      %dma_start3A_63 = tpu.memref_squeeze %dma_start3A_62 : memref<1x128xi32, #tpu.memory_space<vmem>> -> memref<128xi32, #tpu.memory_space<vmem>>
      %dma_start3A_64 = arith.constant 0 : i32
      %dma_start3A_65 = arith.constant 0 : i32
      %dma_start3A_66 = tpu.memref_slice %arg4[%dma_start3A_64, %dma_start3A_65] : memref<10240x128xf32, #tpu.memory_space<hbm>> -> memref<10240x128xf32, #tpu.memory_space<hbm>>
      tpu.enqueue_indirect_dma source(%dma_start3A_66 : memref<10240x128xf32, #tpu.memory_space<hbm>>) target(%arg17 : memref<128x128xf32, #tpu.memory_space<vmem>>) offsets(%dma_start3A_63 : memref<128xi32, #tpu.memory_space<vmem>>) semaphore(%arg22 : memref<!tpu.dma_semaphore, #tpu.memory_space<semaphore_mem>>)
      %dma_start3A_67 = arith.constant 1 : i32
      %dma_start3A_68 = arith.constant 0 : i32
      %dma_start3A_69 = tpu.memref_slice %arg14[%dma_start3A_67, %dma_start3A_68] : memref<80x128xi32, #tpu.memory_space<vmem>> -> memref<1x128xi32, #tpu.memory_space<vmem>>
      %dma_start3A_70 = tpu.memref_squeeze %dma_start3A_69 : memref<1x128xi32, #tpu.memory_space<vmem>> -> memref<128xi32, #tpu.memory_space<vmem>>
      %dma_start3A_71 = arith.constant 0 : i32
      %dma_start3A_72 = arith.constant 0 : i32
      %dma_start3A_73 = tpu.memref_slice %arg4[%dma_start3A_71, %dma_start3A_72] : memref<10240x128xf32, #tpu.memory_space<hbm>> -> memref<10240x128xf32, #tpu.memory_space<hbm>>
      tpu.enqueue_indirect_dma source(%dma_start3A_73 : memref<10240x128xf32, #tpu.memory_space<hbm>>) target(%arg18 : memref<128x128xf32, #tpu.memory_space<vmem>>) offsets(%dma_start3A_70 : memref<128xi32, #tpu.memory_space<vmem>>) semaphore(%arg23 : memref<!tpu.dma_semaphore, #tpu.memory_space<semaphore_mem>>)
      %dma_start3A_74 = arith.constant 2 : i32
      %dma_start3A_75 = arith.constant 0 : i32
      %dma_start3A_76 = tpu.memref_slice %arg14[%dma_start3A_74, %dma_start3A_75] : memref<80x128xi32, #tpu.memory_space<vmem>> -> memref<1x128xi32, #tpu.memory_space<vmem>>
      %dma_start3A_77 = tpu.memref_squeeze %dma_start3A_76 : memref<1x128xi32, #tpu.memory_space<vmem>> -> memref<128xi32, #tpu.memory_space<vmem>>
      %dma_start3A_78 = arith.constant 0 : i32
      %dma_start3A_79 = arith.constant 0 : i32
      %dma_start3A_80 = tpu.memref_slice %arg4[%dma_start3A_78, %dma_start3A_79] : memref<10240x128xf32, #tpu.memory_space<hbm>> -> memref<10240x128xf32, #tpu.memory_space<hbm>>
      tpu.enqueue_indirect_dma source(%dma_start3A_80 : memref<10240x128xf32, #tpu.memory_space<hbm>>) target(%arg19 : memref<128x128xf32, #tpu.memory_space<vmem>>) offsets(%dma_start3A_77 : memref<128xi32, #tpu.memory_space<vmem>>) semaphore(%arg24 : memref<!tpu.dma_semaphore, #tpu.memory_space<semaphore_mem>>)
      %scan3A = arith.constant 0 : i32
      %scan3A_81 = arith.constant 0 : i32
      %scan3A_82 = arith.constant 20 : i32
      %scan3A_83 = arith.addi %scan3A_81, %scan3A_82 : i32
      %scan3A_84 = arith.constant 1 : i32
      scf.for %scan3A_92 = %scan3A_81 to %scan3A_83 step %scan3A_84  : i32 {
        %mul3A_93 = arith.constant 4 : i32
        %mul3A_94 = arith.muli %mul3A_93, %scan3A_92 : i32
        %add3A_95 = arith.constant 0 : i32
        %add3A_96 = arith.addi %mul3A_94, %add3A_95 : i32
        %dma_wait3A_97 = arith.constant 0 : i32
        %dma_wait3A_98 = arith.constant 0 : i32
        %dma_wait3A_99 = tpu.memref_slice %arg14[%dma_wait3A_97, %dma_wait3A_98] : memref<80x128xi32, #tpu.memory_space<vmem>> -> memref<1x128xi32, #tpu.memory_space<vmem>>
        %dma_wait3A_100 = tpu.memref_squeeze %dma_wait3A_99 : memref<1x128xi32, #tpu.memory_space<vmem>> -> memref<128xi32, #tpu.memory_space<vmem>>
        %dma_wait3A_101 = arith.constant 0 : i32
        %dma_wait3A_102 = arith.constant 0 : i32
        %dma_wait3A_103 = tpu.memref_slice %arg4[%dma_wait3A_101, %dma_wait3A_102] : memref<10240x128xf32, #tpu.memory_space<hbm>> -> memref<10240x128xf32, #tpu.memory_space<hbm>>
        tpu.wait_indirect_dma semaphore(%arg22 : memref<!tpu.dma_semaphore, #tpu.memory_space<semaphore_mem>>) src(%dma_wait3A_103 : memref<10240x128xf32, #tpu.memory_space<hbm>>) dst(%arg17 : memref<128x128xf32, #tpu.memory_space<vmem>>)
        %dma_start3A_104 = arith.constant 0 : i32
        %dma_start3A_105 = tpu.memref_slice %arg15[%add3A_96, %dma_start3A_104] : memref<80x128xi32, #tpu.memory_space<vmem>> -> memref<1x128xi32, #tpu.memory_space<vmem>>
        %dma_start3A_106 = tpu.memref_squeeze %dma_start3A_105 : memref<1x128xi32, #tpu.memory_space<vmem>> -> memref<128xi32, #tpu.memory_space<vmem>>
        %dma_start3A_107 = arith.constant 0 : i32
        %dma_start3A_108 = arith.constant 0 : i32
        %dma_start3A_109 = tpu.memref_slice %arg21[%dma_start3A_107, %dma_start3A_108] : memref<5248x128xf32, #tpu.memory_space<vmem_shared>> -> memref<5248x128xf32, #tpu.memory_space<vmem_shared>>
        tpu.enqueue_indirect_dma source(%arg17 : memref<128x128xf32, #tpu.memory_space<vmem>>) target(%dma_start3A_109 : memref<5248x128xf32, #tpu.memory_space<vmem_shared>>) offsets(%dma_start3A_106 : memref<128xi32, #tpu.memory_space<vmem>>) semaphore(%arg26 : memref<!tpu.dma_semaphore, #tpu.memory_space<semaphore_mem>>) {add = true}
        %ge3A = arith.constant 1 : i32
        %ge3A_110 = arith.cmpi sge, %scan3A_92, %ge3A : i32
        %convert_element_type3A_111 = arith.extui %ge3A_110 : i1 to i32
        %cond3A_112 = arith.constant 0 : i32
        %cond3A_113 = arith.cmpi ne, %convert_element_type3A_111, %cond3A_112 : i32
        scf.if %cond3A_113 {
          %dma_wait3A_208 = arith.constant 0 : i32
          %dma_wait3A_209 = arith.constant 0 : i32
          %dma_wait3A_210 = tpu.memref_slice %arg15[%dma_wait3A_208, %dma_wait3A_209] : memref<80x128xi32, #tpu.memory_space<vmem>> -> memref<1x128xi32, #tpu.memory_space<vmem>>
          %dma_wait3A_211 = tpu.memref_squeeze %dma_wait3A_210 : memref<1x128xi32, #tpu.memory_space<vmem>> -> memref<128xi32, #tpu.memory_space<vmem>>
          %dma_wait3A_212 = arith.constant 0 : i32
          %dma_wait3A_213 = arith.constant 0 : i32
          %dma_wait3A_214 = tpu.memref_slice %arg21[%dma_wait3A_212, %dma_wait3A_213] : memref<5248x128xf32, #tpu.memory_space<vmem_shared>> -> memref<5248x128xf32, #tpu.memory_space<vmem_shared>>
          tpu.wait_indirect_dma semaphore(%arg29 : memref<!tpu.dma_semaphore, #tpu.memory_space<semaphore_mem>>) src(%arg20 : memref<128x128xf32, #tpu.memory_space<vmem>>) dst(%dma_wait3A_214 : memref<5248x128xf32, #tpu.memory_space<vmem_shared>>)
        } else {
        }
        %add3A_114 = arith.constant 3 : i32
        %add3A_115 = arith.addi %add3A_96, %add3A_114 : i32
        %dma_start3A_116 = arith.constant 0 : i32
        %dma_start3A_117 = tpu.memref_slice %arg14[%add3A_115, %dma_start3A_116] : memref<80x128xi32, #tpu.memory_space<vmem>> -> memref<1x128xi32, #tpu.memory_space<vmem>>
        %dma_start3A_118 = tpu.memref_squeeze %dma_start3A_117 : memref<1x128xi32, #tpu.memory_space<vmem>> -> memref<128xi32, #tpu.memory_space<vmem>>
        %dma_start3A_119 = arith.constant 0 : i32
        %dma_start3A_120 = arith.constant 0 : i32
        %dma_start3A_121 = tpu.memref_slice %arg4[%dma_start3A_119, %dma_start3A_120] : memref<10240x128xf32, #tpu.memory_space<hbm>> -> memref<10240x128xf32, #tpu.memory_space<hbm>>
        tpu.enqueue_indirect_dma source(%dma_start3A_121 : memref<10240x128xf32, #tpu.memory_space<hbm>>) target(%arg20 : memref<128x128xf32, #tpu.memory_space<vmem>>) offsets(%dma_start3A_118 : memref<128xi32, #tpu.memory_space<vmem>>) semaphore(%arg25 : memref<!tpu.dma_semaphore, #tpu.memory_space<semaphore_mem>>)
        %mul3A_122 = arith.constant 4 : i32
        %mul3A_123 = arith.muli %mul3A_122, %scan3A_92 : i32
        %add3A_124 = arith.constant 1 : i32
        %add3A_125 = arith.addi %mul3A_123, %add3A_124 : i32
        %dma_wait3A_126 = arith.constant 0 : i32
        %dma_wait3A_127 = arith.constant 0 : i32
        %dma_wait3A_128 = tpu.memref_slice %arg14[%dma_wait3A_126, %dma_wait3A_127] : memref<80x128xi32, #tpu.memory_space<vmem>> -> memref<1x128xi32, #tpu.memory_space<vmem>>
        %dma_wait3A_129 = tpu.memref_squeeze %dma_wait3A_128 : memref<1x128xi32, #tpu.memory_space<vmem>> -> memref<128xi32, #tpu.memory_space<vmem>>
        %dma_wait3A_130 = arith.constant 0 : i32
        %dma_wait3A_131 = arith.constant 0 : i32
        %dma_wait3A_132 = tpu.memref_slice %arg4[%dma_wait3A_130, %dma_wait3A_131] : memref<10240x128xf32, #tpu.memory_space<hbm>> -> memref<10240x128xf32, #tpu.memory_space<hbm>>
        tpu.wait_indirect_dma semaphore(%arg23 : memref<!tpu.dma_semaphore, #tpu.memory_space<semaphore_mem>>) src(%dma_wait3A_132 : memref<10240x128xf32, #tpu.memory_space<hbm>>) dst(%arg18 : memref<128x128xf32, #tpu.memory_space<vmem>>)
        %dma_start3A_133 = arith.constant 0 : i32
        %dma_start3A_134 = tpu.memref_slice %arg15[%add3A_125, %dma_start3A_133] : memref<80x128xi32, #tpu.memory_space<vmem>> -> memref<1x128xi32, #tpu.memory_space<vmem>>
        %dma_start3A_135 = tpu.memref_squeeze %dma_start3A_134 : memref<1x128xi32, #tpu.memory_space<vmem>> -> memref<128xi32, #tpu.memory_space<vmem>>
        %dma_start3A_136 = arith.constant 0 : i32
        %dma_start3A_137 = arith.constant 0 : i32
        %dma_start3A_138 = tpu.memref_slice %arg21[%dma_start3A_136, %dma_start3A_137] : memref<5248x128xf32, #tpu.memory_space<vmem_shared>> -> memref<5248x128xf32, #tpu.memory_space<vmem_shared>>
        tpu.enqueue_indirect_dma source(%arg18 : memref<128x128xf32, #tpu.memory_space<vmem>>) target(%dma_start3A_138 : memref<5248x128xf32, #tpu.memory_space<vmem_shared>>) offsets(%dma_start3A_135 : memref<128xi32, #tpu.memory_space<vmem>>) semaphore(%arg27 : memref<!tpu.dma_semaphore, #tpu.memory_space<semaphore_mem>>) {add = true}
        %dma_wait3A_139 = arith.constant 0 : i32
        %dma_wait3A_140 = arith.constant 0 : i32
        %dma_wait3A_141 = tpu.memref_slice %arg15[%dma_wait3A_139, %dma_wait3A_140] : memref<80x128xi32, #tpu.memory_space<vmem>> -> memref<1x128xi32, #tpu.memory_space<vmem>>
        %dma_wait3A_142 = tpu.memref_squeeze %dma_wait3A_141 : memref<1x128xi32, #tpu.memory_space<vmem>> -> memref<128xi32, #tpu.memory_space<vmem>>
        %dma_wait3A_143 = arith.constant 0 : i32
        %dma_wait3A_144 = arith.constant 0 : i32
        %dma_wait3A_145 = tpu.memref_slice %arg21[%dma_wait3A_143, %dma_wait3A_144] : memref<5248x128xf32, #tpu.memory_space<vmem_shared>> -> memref<5248x128xf32, #tpu.memory_space<vmem_shared>>
        tpu.wait_indirect_dma semaphore(%arg26 : memref<!tpu.dma_semaphore, #tpu.memory_space<semaphore_mem>>) src(%arg17 : memref<128x128xf32, #tpu.memory_space<vmem>>) dst(%dma_wait3A_145 : memref<5248x128xf32, #tpu.memory_space<vmem_shared>>)
        %lt3A = arith.constant 19 : i32
        %lt3A_146 = arith.cmpi slt, %scan3A_92, %lt3A : i32
        %convert_element_type3A_147 = arith.extui %lt3A_146 : i1 to i32
        %cond3A_148 = arith.constant 0 : i32
        %cond3A_149 = arith.cmpi ne, %convert_element_type3A_147, %cond3A_148 : i32
        scf.if %cond3A_149 {
          %add3A_208 = arith.constant 3 : i32
          %add3A_209 = arith.addi %add3A_125, %add3A_208 : i32
          %dma_start3A_210 = arith.constant 0 : i32
          %dma_start3A_211 = tpu.memref_slice %arg14[%add3A_209, %dma_start3A_210] : memref<80x128xi32, #tpu.memory_space<vmem>> -> memref<1x128xi32, #tpu.memory_space<vmem>>
          %dma_start3A_212 = tpu.memref_squeeze %dma_start3A_211 : memref<1x128xi32, #tpu.memory_space<vmem>> -> memref<128xi32, #tpu.memory_space<vmem>>
          %dma_start3A_213 = arith.constant 0 : i32
          %dma_start3A_214 = arith.constant 0 : i32
          %dma_start3A_215 = tpu.memref_slice %arg4[%dma_start3A_213, %dma_start3A_214] : memref<10240x128xf32, #tpu.memory_space<hbm>> -> memref<10240x128xf32, #tpu.memory_space<hbm>>
          tpu.enqueue_indirect_dma source(%dma_start3A_215 : memref<10240x128xf32, #tpu.memory_space<hbm>>) target(%arg17 : memref<128x128xf32, #tpu.memory_space<vmem>>) offsets(%dma_start3A_212 : memref<128xi32, #tpu.memory_space<vmem>>) semaphore(%arg22 : memref<!tpu.dma_semaphore, #tpu.memory_space<semaphore_mem>>)
        } else {
        }
        %mul3A_150 = arith.constant 4 : i32
        %mul3A_151 = arith.muli %mul3A_150, %scan3A_92 : i32
        %add3A_152 = arith.constant 2 : i32
        %add3A_153 = arith.addi %mul3A_151, %add3A_152 : i32
        %dma_wait3A_154 = arith.constant 0 : i32
        %dma_wait3A_155 = arith.constant 0 : i32
        %dma_wait3A_156 = tpu.memref_slice %arg14[%dma_wait3A_154, %dma_wait3A_155] : memref<80x128xi32, #tpu.memory_space<vmem>> -> memref<1x128xi32, #tpu.memory_space<vmem>>
        %dma_wait3A_157 = tpu.memref_squeeze %dma_wait3A_156 : memref<1x128xi32, #tpu.memory_space<vmem>> -> memref<128xi32, #tpu.memory_space<vmem>>
        %dma_wait3A_158 = arith.constant 0 : i32
        %dma_wait3A_159 = arith.constant 0 : i32
        %dma_wait3A_160 = tpu.memref_slice %arg4[%dma_wait3A_158, %dma_wait3A_159] : memref<10240x128xf32, #tpu.memory_space<hbm>> -> memref<10240x128xf32, #tpu.memory_space<hbm>>
        tpu.wait_indirect_dma semaphore(%arg24 : memref<!tpu.dma_semaphore, #tpu.memory_space<semaphore_mem>>) src(%dma_wait3A_160 : memref<10240x128xf32, #tpu.memory_space<hbm>>) dst(%arg19 : memref<128x128xf32, #tpu.memory_space<vmem>>)
        %dma_start3A_161 = arith.constant 0 : i32
        %dma_start3A_162 = tpu.memref_slice %arg15[%add3A_153, %dma_start3A_161] : memref<80x128xi32, #tpu.memory_space<vmem>> -> memref<1x128xi32, #tpu.memory_space<vmem>>
        %dma_start3A_163 = tpu.memref_squeeze %dma_start3A_162 : memref<1x128xi32, #tpu.memory_space<vmem>> -> memref<128xi32, #tpu.memory_space<vmem>>
        %dma_start3A_164 = arith.constant 0 : i32
        %dma_start3A_165 = arith.constant 0 : i32
        %dma_start3A_166 = tpu.memref_slice %arg21[%dma_start3A_164, %dma_start3A_165] : memref<5248x128xf32, #tpu.memory_space<vmem_shared>> -> memref<5248x128xf32, #tpu.memory_space<vmem_shared>>
        tpu.enqueue_indirect_dma source(%arg19 : memref<128x128xf32, #tpu.memory_space<vmem>>) target(%dma_start3A_166 : memref<5248x128xf32, #tpu.memory_space<vmem_shared>>) offsets(%dma_start3A_163 : memref<128xi32, #tpu.memory_space<vmem>>) semaphore(%arg28 : memref<!tpu.dma_semaphore, #tpu.memory_space<semaphore_mem>>) {add = true}
        %dma_wait3A_167 = arith.constant 0 : i32
        %dma_wait3A_168 = arith.constant 0 : i32
        %dma_wait3A_169 = tpu.memref_slice %arg15[%dma_wait3A_167, %dma_wait3A_168] : memref<80x128xi32, #tpu.memory_space<vmem>> -> memref<1x128xi32, #tpu.memory_space<vmem>>
        %dma_wait3A_170 = tpu.memref_squeeze %dma_wait3A_169 : memref<1x128xi32, #tpu.memory_space<vmem>> -> memref<128xi32, #tpu.memory_space<vmem>>
        %dma_wait3A_171 = arith.constant 0 : i32
        %dma_wait3A_172 = arith.constant 0 : i32
        %dma_wait3A_173 = tpu.memref_slice %arg21[%dma_wait3A_171, %dma_wait3A_172] : memref<5248x128xf32, #tpu.memory_space<vmem_shared>> -> memref<5248x128xf32, #tpu.memory_space<vmem_shared>>
        tpu.wait_indirect_dma semaphore(%arg27 : memref<!tpu.dma_semaphore, #tpu.memory_space<semaphore_mem>>) src(%arg18 : memref<128x128xf32, #tpu.memory_space<vmem>>) dst(%dma_wait3A_173 : memref<5248x128xf32, #tpu.memory_space<vmem_shared>>)
        %lt3A_174 = arith.constant 19 : i32
        %lt3A_175 = arith.cmpi slt, %scan3A_92, %lt3A_174 : i32
        %convert_element_type3A_176 = arith.extui %lt3A_175 : i1 to i32
        %cond3A_177 = arith.constant 0 : i32
        %cond3A_178 = arith.cmpi ne, %convert_element_type3A_176, %cond3A_177 : i32
        scf.if %cond3A_178 {
          %add3A_208 = arith.constant 3 : i32
          %add3A_209 = arith.addi %add3A_153, %add3A_208 : i32
          %dma_start3A_210 = arith.constant 0 : i32
          %dma_start3A_211 = tpu.memref_slice %arg14[%add3A_209, %dma_start3A_210] : memref<80x128xi32, #tpu.memory_space<vmem>> -> memref<1x128xi32, #tpu.memory_space<vmem>>
          %dma_start3A_212 = tpu.memref_squeeze %dma_start3A_211 : memref<1x128xi32, #tpu.memory_space<vmem>> -> memref<128xi32, #tpu.memory_space<vmem>>
          %dma_start3A_213 = arith.constant 0 : i32
          %dma_start3A_214 = arith.constant 0 : i32
          %dma_start3A_215 = tpu.memref_slice %arg4[%dma_start3A_213, %dma_start3A_214] : memref<10240x128xf32, #tpu.memory_space<hbm>> -> memref<10240x128xf32, #tpu.memory_space<hbm>>
          tpu.enqueue_indirect_dma source(%dma_start3A_215 : memref<10240x128xf32, #tpu.memory_space<hbm>>) target(%arg18 : memref<128x128xf32, #tpu.memory_space<vmem>>) offsets(%dma_start3A_212 : memref<128xi32, #tpu.memory_space<vmem>>) semaphore(%arg23 : memref<!tpu.dma_semaphore, #tpu.memory_space<semaphore_mem>>)
        } else {
        }
        %mul3A_179 = arith.constant 4 : i32
        %mul3A_180 = arith.muli %mul3A_179, %scan3A_92 : i32
        %add3A_181 = arith.constant 3 : i32
        %add3A_182 = arith.addi %mul3A_180, %add3A_181 : i32
        %dma_wait3A_183 = arith.constant 0 : i32
        %dma_wait3A_184 = arith.constant 0 : i32
        %dma_wait3A_185 = tpu.memref_slice %arg14[%dma_wait3A_183, %dma_wait3A_184] : memref<80x128xi32, #tpu.memory_space<vmem>> -> memref<1x128xi32, #tpu.memory_space<vmem>>
        %dma_wait3A_186 = tpu.memref_squeeze %dma_wait3A_185 : memref<1x128xi32, #tpu.memory_space<vmem>> -> memref<128xi32, #tpu.memory_space<vmem>>
        %dma_wait3A_187 = arith.constant 0 : i32
        %dma_wait3A_188 = arith.constant 0 : i32
        %dma_wait3A_189 = tpu.memref_slice %arg4[%dma_wait3A_187, %dma_wait3A_188] : memref<10240x128xf32, #tpu.memory_space<hbm>> -> memref<10240x128xf32, #tpu.memory_space<hbm>>
        tpu.wait_indirect_dma semaphore(%arg25 : memref<!tpu.dma_semaphore, #tpu.memory_space<semaphore_mem>>) src(%dma_wait3A_189 : memref<10240x128xf32, #tpu.memory_space<hbm>>) dst(%arg20 : memref<128x128xf32, #tpu.memory_space<vmem>>)
        %dma_start3A_190 = arith.constant 0 : i32
        %dma_start3A_191 = tpu.memref_slice %arg15[%add3A_182, %dma_start3A_190] : memref<80x128xi32, #tpu.memory_space<vmem>> -> memref<1x128xi32, #tpu.memory_space<vmem>>
        %dma_start3A_192 = tpu.memref_squeeze %dma_start3A_191 : memref<1x128xi32, #tpu.memory_space<vmem>> -> memref<128xi32, #tpu.memory_space<vmem>>
        %dma_start3A_193 = arith.constant 0 : i32
        %dma_start3A_194 = arith.constant 0 : i32
        %dma_start3A_195 = tpu.memref_slice %arg21[%dma_start3A_193, %dma_start3A_194] : memref<5248x128xf32, #tpu.memory_space<vmem_shared>> -> memref<5248x128xf32, #tpu.memory_space<vmem_shared>>
        tpu.enqueue_indirect_dma source(%arg20 : memref<128x128xf32, #tpu.memory_space<vmem>>) target(%dma_start3A_195 : memref<5248x128xf32, #tpu.memory_space<vmem_shared>>) offsets(%dma_start3A_192 : memref<128xi32, #tpu.memory_space<vmem>>) semaphore(%arg29 : memref<!tpu.dma_semaphore, #tpu.memory_space<semaphore_mem>>) {add = true}
        %dma_wait3A_196 = arith.constant 0 : i32
        %dma_wait3A_197 = arith.constant 0 : i32
        %dma_wait3A_198 = tpu.memref_slice %arg15[%dma_wait3A_196, %dma_wait3A_197] : memref<80x128xi32, #tpu.memory_space<vmem>> -> memref<1x128xi32, #tpu.memory_space<vmem>>
        %dma_wait3A_199 = tpu.memref_squeeze %dma_wait3A_198 : memref<1x128xi32, #tpu.memory_space<vmem>> -> memref<128xi32, #tpu.memory_space<vmem>>
        %dma_wait3A_200 = arith.constant 0 : i32
        %dma_wait3A_201 = arith.constant 0 : i32
        %dma_wait3A_202 = tpu.memref_slice %arg21[%dma_wait3A_200, %dma_wait3A_201] : memref<5248x128xf32, #tpu.memory_space<vmem_shared>> -> memref<5248x128xf32, #tpu.memory_space<vmem_shared>>
        tpu.wait_indirect_dma semaphore(%arg28 : memref<!tpu.dma_semaphore, #tpu.memory_space<semaphore_mem>>) src(%arg19 : memref<128x128xf32, #tpu.memory_space<vmem>>) dst(%dma_wait3A_202 : memref<5248x128xf32, #tpu.memory_space<vmem_shared>>)
        %lt3A_203 = arith.constant 19 : i32
        %lt3A_204 = arith.cmpi slt, %scan3A_92, %lt3A_203 : i32
        %convert_element_type3A_205 = arith.extui %lt3A_204 : i1 to i32
        %cond3A_206 = arith.constant 0 : i32
        %cond3A_207 = arith.cmpi ne, %convert_element_type3A_205, %cond3A_206 : i32
        scf.if %cond3A_207 {
          %add3A_208 = arith.constant 3 : i32
          %add3A_209 = arith.addi %add3A_182, %add3A_208 : i32
          %dma_start3A_210 = arith.constant 0 : i32
          %dma_start3A_211 = tpu.memref_slice %arg14[%add3A_209, %dma_start3A_210] : memref<80x128xi32, #tpu.memory_space<vmem>> -> memref<1x128xi32, #tpu.memory_space<vmem>>
          %dma_start3A_212 = tpu.memref_squeeze %dma_start3A_211 : memref<1x128xi32, #tpu.memory_space<vmem>> -> memref<128xi32, #tpu.memory_space<vmem>>
          %dma_start3A_213 = arith.constant 0 : i32
          %dma_start3A_214 = arith.constant 0 : i32
          %dma_start3A_215 = tpu.memref_slice %arg4[%dma_start3A_213, %dma_start3A_214] : memref<10240x128xf32, #tpu.memory_space<hbm>> -> memref<10240x128xf32, #tpu.memory_space<hbm>>
          tpu.enqueue_indirect_dma source(%dma_start3A_215 : memref<10240x128xf32, #tpu.memory_space<hbm>>) target(%arg19 : memref<128x128xf32, #tpu.memory_space<vmem>>) offsets(%dma_start3A_212 : memref<128xi32, #tpu.memory_space<vmem>>) semaphore(%arg24 : memref<!tpu.dma_semaphore, #tpu.memory_space<semaphore_mem>>)
        } else {
        }
      }
      %scan3A_85 = arith.constant 20 : i32
      %dma_wait3A = arith.constant 0 : i32
      %dma_wait3A_86 = arith.constant 0 : i32
      %dma_wait3A_87 = tpu.memref_slice %arg15[%dma_wait3A, %dma_wait3A_86] : memref<80x128xi32, #tpu.memory_space<vmem>> -> memref<1x128xi32, #tpu.memory_space<vmem>>
      %dma_wait3A_88 = tpu.memref_squeeze %dma_wait3A_87 : memref<1x128xi32, #tpu.memory_space<vmem>> -> memref<128xi32, #tpu.memory_space<vmem>>
      %dma_wait3A_89 = arith.constant 0 : i32
      %dma_wait3A_90 = arith.constant 0 : i32
      %dma_wait3A_91 = tpu.memref_slice %arg21[%dma_wait3A_89, %dma_wait3A_90] : memref<5248x128xf32, #tpu.memory_space<vmem_shared>> -> memref<5248x128xf32, #tpu.memory_space<vmem_shared>>
      tpu.wait_indirect_dma semaphore(%arg29 : memref<!tpu.dma_semaphore, #tpu.memory_space<semaphore_mem>>) src(%arg20 : memref<128x128xf32, #tpu.memory_space<vmem>>) dst(%dma_wait3A_91 : memref<5248x128xf32, #tpu.memory_space<vmem_shared>>)
    } else {
    }
    %barrier3A_39 = arith.constant 0 : index
    tpu.barrier barrier_id(%barrier3A_39)
    %mul3A_40 = arith.constant 320 : i32
    %mul3A_41 = arith.muli %arg1, %mul3A_40 : i32
    %mul3A_42 = arith.constant 320 : i32
    %mul3A_43 = arith.muli %arg1, %mul3A_42 : i32
    %add3A_44 = arith.addi %mul3A_2, %mul3A_43 : i32
    "tpu.region"() ({
      %run_scoped3A = tpu.sem_alloc : memref<!tpu.dma_semaphore, #tpu.memory_space<semaphore_mem>>
      %dma_start3A = arith.constant 0 : i32
      %dma_start3A_61 = tpu.memref_slice %arg12[%add3A_44, %dma_start3A] : memref<10240x128xf32, #tpu.memory_space<hbm>> -> memref<320x128xf32, #tpu.memory_space<hbm>>
      %dma_start3A_62 = arith.constant 0 : i32
      %dma_start3A_63 = tpu.memref_slice %arg21[%mul3A_41, %dma_start3A_62] : memref<5248x128xf32, #tpu.memory_space<vmem_shared>> -> memref<320x128xf32, #tpu.memory_space<vmem_shared>>
      tpu.enqueue_dma source(%dma_start3A_63 : memref<320x128xf32, #tpu.memory_space<vmem_shared>>) target(%dma_start3A_61 : memref<320x128xf32, #tpu.memory_space<hbm>>) target_semaphore(%run_scoped3A : memref<!tpu.dma_semaphore, #tpu.memory_space<semaphore_mem>>)
      %dma_wait3A = arith.constant 0 : i32
      %dma_wait3A_64 = tpu.memref_slice %arg12[%add3A_44, %dma_wait3A] : memref<10240x128xf32, #tpu.memory_space<hbm>> -> memref<320x128xf32, #tpu.memory_space<hbm>>
      %dma_wait3A_65 = arith.constant 0 : i32
      %dma_wait3A_66 = tpu.memref_slice %arg21[%mul3A_41, %dma_wait3A_65] : memref<5248x128xf32, #tpu.memory_space<vmem_shared>> -> memref<320x128xf32, #tpu.memory_space<vmem_shared>>
      tpu.wait_dma2 semaphore(%run_scoped3A : memref<!tpu.dma_semaphore, #tpu.memory_space<semaphore_mem>>) src(%dma_wait3A_66 : memref<320x128xf32, #tpu.memory_space<vmem_shared>>) dst(%dma_wait3A_64 : memref<320x128xf32, #tpu.memory_space<hbm>>)
      tpu.yield
    }) : () -> ()
    %barrier3A_45 = arith.constant 0 : index
    tpu.barrier barrier_id(%barrier3A_45)
    %gt3A_46 = arith.constant 0 : i32
    %gt3A_47 = arith.cmpi sgt, %squeeze3A, %gt3A_46 : i32
    %mul3A_48 = arith.constant 320 : i32
    %mul3A_49 = arith.muli %arg1, %mul3A_48 : i32
    "tpu.region"() ({
      %run_scoped3A = tpu.sem_alloc : memref<!tpu.dma_semaphore, #tpu.memory_space<semaphore_mem>>
      %dma_start3A = arith.constant 0 : i32
      %dma_start3A_61 = tpu.memref_slice %arg21[%mul3A_49, %dma_start3A] : memref<5248x128xf32, #tpu.memory_space<vmem_shared>> -> memref<320x128xf32, #tpu.memory_space<vmem_shared>>
      tpu.enqueue_dma source(%arg9 : memref<320x128xf32, #tpu.memory_space<hbm>>) target(%dma_start3A_61 : memref<320x128xf32, #tpu.memory_space<vmem_shared>>) target_semaphore(%run_scoped3A : memref<!tpu.dma_semaphore, #tpu.memory_space<semaphore_mem>>)
      %dma_wait3A = arith.constant 0 : i32
      %dma_wait3A_62 = tpu.memref_slice %arg21[%mul3A_49, %dma_wait3A] : memref<5248x128xf32, #tpu.memory_space<vmem_shared>> -> memref<320x128xf32, #tpu.memory_space<vmem_shared>>
      tpu.wait_dma2 semaphore(%run_scoped3A : memref<!tpu.dma_semaphore, #tpu.memory_space<semaphore_mem>>) src(%arg9 : memref<320x128xf32, #tpu.memory_space<hbm>>) dst(%dma_wait3A_62 : memref<320x128xf32, #tpu.memory_space<vmem_shared>>)
      tpu.yield
    }) : () -> ()
    %barrier3A_50 = arith.constant 0 : index
    tpu.barrier barrier_id(%barrier3A_50)
    %convert_element_type3A_51 = arith.extui %gt3A_47 : i1 to i32
    %cond3A_52 = arith.constant 0 : i32
    %cond3A_53 = arith.cmpi ne, %convert_element_type3A_51, %cond3A_52 : i32
    scf.if %cond3A_53 {
      %dma_start3A = arith.constant 0 : i32
      %dma_start3A_61 = arith.constant 0 : i32
      %dma_start3A_62 = tpu.memref_slice %arg14[%dma_start3A, %dma_start3A_61] : memref<80x128xi32, #tpu.memory_space<vmem>> -> memref<1x128xi32, #tpu.memory_space<vmem>>
      %dma_start3A_63 = tpu.memref_squeeze %dma_start3A_62 : memref<1x128xi32, #tpu.memory_space<vmem>> -> memref<128xi32, #tpu.memory_space<vmem>>
      %dma_start3A_64 = arith.constant 0 : i32
      %dma_start3A_65 = arith.constant 0 : i32
      %dma_start3A_66 = tpu.memref_slice %arg5[%dma_start3A_64, %dma_start3A_65] : memref<10240x128xf32, #tpu.memory_space<hbm>> -> memref<10240x128xf32, #tpu.memory_space<hbm>>
      tpu.enqueue_indirect_dma source(%dma_start3A_66 : memref<10240x128xf32, #tpu.memory_space<hbm>>) target(%arg17 : memref<128x128xf32, #tpu.memory_space<vmem>>) offsets(%dma_start3A_63 : memref<128xi32, #tpu.memory_space<vmem>>) semaphore(%arg22 : memref<!tpu.dma_semaphore, #tpu.memory_space<semaphore_mem>>)
      %dma_start3A_67 = arith.constant 1 : i32
      %dma_start3A_68 = arith.constant 0 : i32
      %dma_start3A_69 = tpu.memref_slice %arg14[%dma_start3A_67, %dma_start3A_68] : memref<80x128xi32, #tpu.memory_space<vmem>> -> memref<1x128xi32, #tpu.memory_space<vmem>>
      %dma_start3A_70 = tpu.memref_squeeze %dma_start3A_69 : memref<1x128xi32, #tpu.memory_space<vmem>> -> memref<128xi32, #tpu.memory_space<vmem>>
      %dma_start3A_71 = arith.constant 0 : i32
      %dma_start3A_72 = arith.constant 0 : i32
      %dma_start3A_73 = tpu.memref_slice %arg5[%dma_start3A_71, %dma_start3A_72] : memref<10240x128xf32, #tpu.memory_space<hbm>> -> memref<10240x128xf32, #tpu.memory_space<hbm>>
      tpu.enqueue_indirect_dma source(%dma_start3A_73 : memref<10240x128xf32, #tpu.memory_space<hbm>>) target(%arg18 : memref<128x128xf32, #tpu.memory_space<vmem>>) offsets(%dma_start3A_70 : memref<128xi32, #tpu.memory_space<vmem>>) semaphore(%arg23 : memref<!tpu.dma_semaphore, #tpu.memory_space<semaphore_mem>>)
      %dma_start3A_74 = arith.constant 2 : i32
      %dma_start3A_75 = arith.constant 0 : i32
      %dma_start3A_76 = tpu.memref_slice %arg14[%dma_start3A_74, %dma_start3A_75] : memref<80x128xi32, #tpu.memory_space<vmem>> -> memref<1x128xi32, #tpu.memory_space<vmem>>
      %dma_start3A_77 = tpu.memref_squeeze %dma_start3A_76 : memref<1x128xi32, #tpu.memory_space<vmem>> -> memref<128xi32, #tpu.memory_space<vmem>>
      %dma_start3A_78 = arith.constant 0 : i32
      %dma_start3A_79 = arith.constant 0 : i32
      %dma_start3A_80 = tpu.memref_slice %arg5[%dma_start3A_78, %dma_start3A_79] : memref<10240x128xf32, #tpu.memory_space<hbm>> -> memref<10240x128xf32, #tpu.memory_space<hbm>>
      tpu.enqueue_indirect_dma source(%dma_start3A_80 : memref<10240x128xf32, #tpu.memory_space<hbm>>) target(%arg19 : memref<128x128xf32, #tpu.memory_space<vmem>>) offsets(%dma_start3A_77 : memref<128xi32, #tpu.memory_space<vmem>>) semaphore(%arg24 : memref<!tpu.dma_semaphore, #tpu.memory_space<semaphore_mem>>)
      %scan3A = arith.constant 0 : i32
      %scan3A_81 = arith.constant 0 : i32
      %scan3A_82 = arith.constant 20 : i32
      %scan3A_83 = arith.addi %scan3A_81, %scan3A_82 : i32
      %scan3A_84 = arith.constant 1 : i32
      scf.for %scan3A_92 = %scan3A_81 to %scan3A_83 step %scan3A_84  : i32 {
        %mul3A_93 = arith.constant 4 : i32
        %mul3A_94 = arith.muli %mul3A_93, %scan3A_92 : i32
        %add3A_95 = arith.constant 0 : i32
        %add3A_96 = arith.addi %mul3A_94, %add3A_95 : i32
        %dma_wait3A_97 = arith.constant 0 : i32
        %dma_wait3A_98 = arith.constant 0 : i32
        %dma_wait3A_99 = tpu.memref_slice %arg14[%dma_wait3A_97, %dma_wait3A_98] : memref<80x128xi32, #tpu.memory_space<vmem>> -> memref<1x128xi32, #tpu.memory_space<vmem>>
        %dma_wait3A_100 = tpu.memref_squeeze %dma_wait3A_99 : memref<1x128xi32, #tpu.memory_space<vmem>> -> memref<128xi32, #tpu.memory_space<vmem>>
        %dma_wait3A_101 = arith.constant 0 : i32
        %dma_wait3A_102 = arith.constant 0 : i32
        %dma_wait3A_103 = tpu.memref_slice %arg5[%dma_wait3A_101, %dma_wait3A_102] : memref<10240x128xf32, #tpu.memory_space<hbm>> -> memref<10240x128xf32, #tpu.memory_space<hbm>>
        tpu.wait_indirect_dma semaphore(%arg22 : memref<!tpu.dma_semaphore, #tpu.memory_space<semaphore_mem>>) src(%dma_wait3A_103 : memref<10240x128xf32, #tpu.memory_space<hbm>>) dst(%arg17 : memref<128x128xf32, #tpu.memory_space<vmem>>)
        %dma_start3A_104 = arith.constant 0 : i32
        %dma_start3A_105 = tpu.memref_slice %arg15[%add3A_96, %dma_start3A_104] : memref<80x128xi32, #tpu.memory_space<vmem>> -> memref<1x128xi32, #tpu.memory_space<vmem>>
        %dma_start3A_106 = tpu.memref_squeeze %dma_start3A_105 : memref<1x128xi32, #tpu.memory_space<vmem>> -> memref<128xi32, #tpu.memory_space<vmem>>
        %dma_start3A_107 = arith.constant 0 : i32
        %dma_start3A_108 = arith.constant 0 : i32
        %dma_start3A_109 = tpu.memref_slice %arg21[%dma_start3A_107, %dma_start3A_108] : memref<5248x128xf32, #tpu.memory_space<vmem_shared>> -> memref<5248x128xf32, #tpu.memory_space<vmem_shared>>
        tpu.enqueue_indirect_dma source(%arg17 : memref<128x128xf32, #tpu.memory_space<vmem>>) target(%dma_start3A_109 : memref<5248x128xf32, #tpu.memory_space<vmem_shared>>) offsets(%dma_start3A_106 : memref<128xi32, #tpu.memory_space<vmem>>) semaphore(%arg26 : memref<!tpu.dma_semaphore, #tpu.memory_space<semaphore_mem>>) {add = true}
        %ge3A = arith.constant 1 : i32
        %ge3A_110 = arith.cmpi sge, %scan3A_92, %ge3A : i32
        %convert_element_type3A_111 = arith.extui %ge3A_110 : i1 to i32
        %cond3A_112 = arith.constant 0 : i32
        %cond3A_113 = arith.cmpi ne, %convert_element_type3A_111, %cond3A_112 : i32
        scf.if %cond3A_113 {
          %dma_wait3A_208 = arith.constant 0 : i32
          %dma_wait3A_209 = arith.constant 0 : i32
          %dma_wait3A_210 = tpu.memref_slice %arg15[%dma_wait3A_208, %dma_wait3A_209] : memref<80x128xi32, #tpu.memory_space<vmem>> -> memref<1x128xi32, #tpu.memory_space<vmem>>
          %dma_wait3A_211 = tpu.memref_squeeze %dma_wait3A_210 : memref<1x128xi32, #tpu.memory_space<vmem>> -> memref<128xi32, #tpu.memory_space<vmem>>
          %dma_wait3A_212 = arith.constant 0 : i32
          %dma_wait3A_213 = arith.constant 0 : i32
          %dma_wait3A_214 = tpu.memref_slice %arg21[%dma_wait3A_212, %dma_wait3A_213] : memref<5248x128xf32, #tpu.memory_space<vmem_shared>> -> memref<5248x128xf32, #tpu.memory_space<vmem_shared>>
          tpu.wait_indirect_dma semaphore(%arg29 : memref<!tpu.dma_semaphore, #tpu.memory_space<semaphore_mem>>) src(%arg20 : memref<128x128xf32, #tpu.memory_space<vmem>>) dst(%dma_wait3A_214 : memref<5248x128xf32, #tpu.memory_space<vmem_shared>>)
        } else {
        }
        %add3A_114 = arith.constant 3 : i32
        %add3A_115 = arith.addi %add3A_96, %add3A_114 : i32
        %dma_start3A_116 = arith.constant 0 : i32
        %dma_start3A_117 = tpu.memref_slice %arg14[%add3A_115, %dma_start3A_116] : memref<80x128xi32, #tpu.memory_space<vmem>> -> memref<1x128xi32, #tpu.memory_space<vmem>>
        %dma_start3A_118 = tpu.memref_squeeze %dma_start3A_117 : memref<1x128xi32, #tpu.memory_space<vmem>> -> memref<128xi32, #tpu.memory_space<vmem>>
        %dma_start3A_119 = arith.constant 0 : i32
        %dma_start3A_120 = arith.constant 0 : i32
        %dma_start3A_121 = tpu.memref_slice %arg5[%dma_start3A_119, %dma_start3A_120] : memref<10240x128xf32, #tpu.memory_space<hbm>> -> memref<10240x128xf32, #tpu.memory_space<hbm>>
        tpu.enqueue_indirect_dma source(%dma_start3A_121 : memref<10240x128xf32, #tpu.memory_space<hbm>>) target(%arg20 : memref<128x128xf32, #tpu.memory_space<vmem>>) offsets(%dma_start3A_118 : memref<128xi32, #tpu.memory_space<vmem>>) semaphore(%arg25 : memref<!tpu.dma_semaphore, #tpu.memory_space<semaphore_mem>>)
        %mul3A_122 = arith.constant 4 : i32
        %mul3A_123 = arith.muli %mul3A_122, %scan3A_92 : i32
        %add3A_124 = arith.constant 1 : i32
        %add3A_125 = arith.addi %mul3A_123, %add3A_124 : i32
        %dma_wait3A_126 = arith.constant 0 : i32
        %dma_wait3A_127 = arith.constant 0 : i32
        %dma_wait3A_128 = tpu.memref_slice %arg14[%dma_wait3A_126, %dma_wait3A_127] : memref<80x128xi32, #tpu.memory_space<vmem>> -> memref<1x128xi32, #tpu.memory_space<vmem>>
        %dma_wait3A_129 = tpu.memref_squeeze %dma_wait3A_128 : memref<1x128xi32, #tpu.memory_space<vmem>> -> memref<128xi32, #tpu.memory_space<vmem>>
        %dma_wait3A_130 = arith.constant 0 : i32
        %dma_wait3A_131 = arith.constant 0 : i32
        %dma_wait3A_132 = tpu.memref_slice %arg5[%dma_wait3A_130, %dma_wait3A_131] : memref<10240x128xf32, #tpu.memory_space<hbm>> -> memref<10240x128xf32, #tpu.memory_space<hbm>>
        tpu.wait_indirect_dma semaphore(%arg23 : memref<!tpu.dma_semaphore, #tpu.memory_space<semaphore_mem>>) src(%dma_wait3A_132 : memref<10240x128xf32, #tpu.memory_space<hbm>>) dst(%arg18 : memref<128x128xf32, #tpu.memory_space<vmem>>)
        %dma_start3A_133 = arith.constant 0 : i32
        %dma_start3A_134 = tpu.memref_slice %arg15[%add3A_125, %dma_start3A_133] : memref<80x128xi32, #tpu.memory_space<vmem>> -> memref<1x128xi32, #tpu.memory_space<vmem>>
        %dma_start3A_135 = tpu.memref_squeeze %dma_start3A_134 : memref<1x128xi32, #tpu.memory_space<vmem>> -> memref<128xi32, #tpu.memory_space<vmem>>
        %dma_start3A_136 = arith.constant 0 : i32
        %dma_start3A_137 = arith.constant 0 : i32
        %dma_start3A_138 = tpu.memref_slice %arg21[%dma_start3A_136, %dma_start3A_137] : memref<5248x128xf32, #tpu.memory_space<vmem_shared>> -> memref<5248x128xf32, #tpu.memory_space<vmem_shared>>
        tpu.enqueue_indirect_dma source(%arg18 : memref<128x128xf32, #tpu.memory_space<vmem>>) target(%dma_start3A_138 : memref<5248x128xf32, #tpu.memory_space<vmem_shared>>) offsets(%dma_start3A_135 : memref<128xi32, #tpu.memory_space<vmem>>) semaphore(%arg27 : memref<!tpu.dma_semaphore, #tpu.memory_space<semaphore_mem>>) {add = true}
        %dma_wait3A_139 = arith.constant 0 : i32
        %dma_wait3A_140 = arith.constant 0 : i32
        %dma_wait3A_141 = tpu.memref_slice %arg15[%dma_wait3A_139, %dma_wait3A_140] : memref<80x128xi32, #tpu.memory_space<vmem>> -> memref<1x128xi32, #tpu.memory_space<vmem>>
        %dma_wait3A_142 = tpu.memref_squeeze %dma_wait3A_141 : memref<1x128xi32, #tpu.memory_space<vmem>> -> memref<128xi32, #tpu.memory_space<vmem>>
        %dma_wait3A_143 = arith.constant 0 : i32
        %dma_wait3A_144 = arith.constant 0 : i32
        %dma_wait3A_145 = tpu.memref_slice %arg21[%dma_wait3A_143, %dma_wait3A_144] : memref<5248x128xf32, #tpu.memory_space<vmem_shared>> -> memref<5248x128xf32, #tpu.memory_space<vmem_shared>>
        tpu.wait_indirect_dma semaphore(%arg26 : memref<!tpu.dma_semaphore, #tpu.memory_space<semaphore_mem>>) src(%arg17 : memref<128x128xf32, #tpu.memory_space<vmem>>) dst(%dma_wait3A_145 : memref<5248x128xf32, #tpu.memory_space<vmem_shared>>)
        %lt3A = arith.constant 19 : i32
        %lt3A_146 = arith.cmpi slt, %scan3A_92, %lt3A : i32
        %convert_element_type3A_147 = arith.extui %lt3A_146 : i1 to i32
        %cond3A_148 = arith.constant 0 : i32
        %cond3A_149 = arith.cmpi ne, %convert_element_type3A_147, %cond3A_148 : i32
        scf.if %cond3A_149 {
          %add3A_208 = arith.constant 3 : i32
          %add3A_209 = arith.addi %add3A_125, %add3A_208 : i32
          %dma_start3A_210 = arith.constant 0 : i32
          %dma_start3A_211 = tpu.memref_slice %arg14[%add3A_209, %dma_start3A_210] : memref<80x128xi32, #tpu.memory_space<vmem>> -> memref<1x128xi32, #tpu.memory_space<vmem>>
          %dma_start3A_212 = tpu.memref_squeeze %dma_start3A_211 : memref<1x128xi32, #tpu.memory_space<vmem>> -> memref<128xi32, #tpu.memory_space<vmem>>
          %dma_start3A_213 = arith.constant 0 : i32
          %dma_start3A_214 = arith.constant 0 : i32
          %dma_start3A_215 = tpu.memref_slice %arg5[%dma_start3A_213, %dma_start3A_214] : memref<10240x128xf32, #tpu.memory_space<hbm>> -> memref<10240x128xf32, #tpu.memory_space<hbm>>
          tpu.enqueue_indirect_dma source(%dma_start3A_215 : memref<10240x128xf32, #tpu.memory_space<hbm>>) target(%arg17 : memref<128x128xf32, #tpu.memory_space<vmem>>) offsets(%dma_start3A_212 : memref<128xi32, #tpu.memory_space<vmem>>) semaphore(%arg22 : memref<!tpu.dma_semaphore, #tpu.memory_space<semaphore_mem>>)
        } else {
        }
        %mul3A_150 = arith.constant 4 : i32
        %mul3A_151 = arith.muli %mul3A_150, %scan3A_92 : i32
        %add3A_152 = arith.constant 2 : i32
        %add3A_153 = arith.addi %mul3A_151, %add3A_152 : i32
        %dma_wait3A_154 = arith.constant 0 : i32
        %dma_wait3A_155 = arith.constant 0 : i32
        %dma_wait3A_156 = tpu.memref_slice %arg14[%dma_wait3A_154, %dma_wait3A_155] : memref<80x128xi32, #tpu.memory_space<vmem>> -> memref<1x128xi32, #tpu.memory_space<vmem>>
        %dma_wait3A_157 = tpu.memref_squeeze %dma_wait3A_156 : memref<1x128xi32, #tpu.memory_space<vmem>> -> memref<128xi32, #tpu.memory_space<vmem>>
        %dma_wait3A_158 = arith.constant 0 : i32
        %dma_wait3A_159 = arith.constant 0 : i32
        %dma_wait3A_160 = tpu.memref_slice %arg5[%dma_wait3A_158, %dma_wait3A_159] : memref<10240x128xf32, #tpu.memory_space<hbm>> -> memref<10240x128xf32, #tpu.memory_space<hbm>>
        tpu.wait_indirect_dma semaphore(%arg24 : memref<!tpu.dma_semaphore, #tpu.memory_space<semaphore_mem>>) src(%dma_wait3A_160 : memref<10240x128xf32, #tpu.memory_space<hbm>>) dst(%arg19 : memref<128x128xf32, #tpu.memory_space<vmem>>)
        %dma_start3A_161 = arith.constant 0 : i32
        %dma_start3A_162 = tpu.memref_slice %arg15[%add3A_153, %dma_start3A_161] : memref<80x128xi32, #tpu.memory_space<vmem>> -> memref<1x128xi32, #tpu.memory_space<vmem>>
        %dma_start3A_163 = tpu.memref_squeeze %dma_start3A_162 : memref<1x128xi32, #tpu.memory_space<vmem>> -> memref<128xi32, #tpu.memory_space<vmem>>
        %dma_start3A_164 = arith.constant 0 : i32
        %dma_start3A_165 = arith.constant 0 : i32
        %dma_start3A_166 = tpu.memref_slice %arg21[%dma_start3A_164, %dma_start3A_165] : memref<5248x128xf32, #tpu.memory_space<vmem_shared>> -> memref<5248x128xf32, #tpu.memory_space<vmem_shared>>
        tpu.enqueue_indirect_dma source(%arg19 : memref<128x128xf32, #tpu.memory_space<vmem>>) target(%dma_start3A_166 : memref<5248x128xf32, #tpu.memory_space<vmem_shared>>) offsets(%dma_start3A_163 : memref<128xi32, #tpu.memory_space<vmem>>) semaphore(%arg28 : memref<!tpu.dma_semaphore, #tpu.memory_space<semaphore_mem>>) {add = true}
        %dma_wait3A_167 = arith.constant 0 : i32
        %dma_wait3A_168 = arith.constant 0 : i32
        %dma_wait3A_169 = tpu.memref_slice %arg15[%dma_wait3A_167, %dma_wait3A_168] : memref<80x128xi32, #tpu.memory_space<vmem>> -> memref<1x128xi32, #tpu.memory_space<vmem>>
        %dma_wait3A_170 = tpu.memref_squeeze %dma_wait3A_169 : memref<1x128xi32, #tpu.memory_space<vmem>> -> memref<128xi32, #tpu.memory_space<vmem>>
        %dma_wait3A_171 = arith.constant 0 : i32
        %dma_wait3A_172 = arith.constant 0 : i32
        %dma_wait3A_173 = tpu.memref_slice %arg21[%dma_wait3A_171, %dma_wait3A_172] : memref<5248x128xf32, #tpu.memory_space<vmem_shared>> -> memref<5248x128xf32, #tpu.memory_space<vmem_shared>>
        tpu.wait_indirect_dma semaphore(%arg27 : memref<!tpu.dma_semaphore, #tpu.memory_space<semaphore_mem>>) src(%arg18 : memref<128x128xf32, #tpu.memory_space<vmem>>) dst(%dma_wait3A_173 : memref<5248x128xf32, #tpu.memory_space<vmem_shared>>)
        %lt3A_174 = arith.constant 19 : i32
        %lt3A_175 = arith.cmpi slt, %scan3A_92, %lt3A_174 : i32
        %convert_element_type3A_176 = arith.extui %lt3A_175 : i1 to i32
        %cond3A_177 = arith.constant 0 : i32
        %cond3A_178 = arith.cmpi ne, %convert_element_type3A_176, %cond3A_177 : i32
        scf.if %cond3A_178 {
          %add3A_208 = arith.constant 3 : i32
          %add3A_209 = arith.addi %add3A_153, %add3A_208 : i32
          %dma_start3A_210 = arith.constant 0 : i32
          %dma_start3A_211 = tpu.memref_slice %arg14[%add3A_209, %dma_start3A_210] : memref<80x128xi32, #tpu.memory_space<vmem>> -> memref<1x128xi32, #tpu.memory_space<vmem>>
          %dma_start3A_212 = tpu.memref_squeeze %dma_start3A_211 : memref<1x128xi32, #tpu.memory_space<vmem>> -> memref<128xi32, #tpu.memory_space<vmem>>
          %dma_start3A_213 = arith.constant 0 : i32
          %dma_start3A_214 = arith.constant 0 : i32
          %dma_start3A_215 = tpu.memref_slice %arg5[%dma_start3A_213, %dma_start3A_214] : memref<10240x128xf32, #tpu.memory_space<hbm>> -> memref<10240x128xf32, #tpu.memory_space<hbm>>
          tpu.enqueue_indirect_dma source(%dma_start3A_215 : memref<10240x128xf32, #tpu.memory_space<hbm>>) target(%arg18 : memref<128x128xf32, #tpu.memory_space<vmem>>) offsets(%dma_start3A_212 : memref<128xi32, #tpu.memory_space<vmem>>) semaphore(%arg23 : memref<!tpu.dma_semaphore, #tpu.memory_space<semaphore_mem>>)
        } else {
        }
        %mul3A_179 = arith.constant 4 : i32
        %mul3A_180 = arith.muli %mul3A_179, %scan3A_92 : i32
        %add3A_181 = arith.constant 3 : i32
        %add3A_182 = arith.addi %mul3A_180, %add3A_181 : i32
        %dma_wait3A_183 = arith.constant 0 : i32
        %dma_wait3A_184 = arith.constant 0 : i32
        %dma_wait3A_185 = tpu.memref_slice %arg14[%dma_wait3A_183, %dma_wait3A_184] : memref<80x128xi32, #tpu.memory_space<vmem>> -> memref<1x128xi32, #tpu.memory_space<vmem>>
        %dma_wait3A_186 = tpu.memref_squeeze %dma_wait3A_185 : memref<1x128xi32, #tpu.memory_space<vmem>> -> memref<128xi32, #tpu.memory_space<vmem>>
        %dma_wait3A_187 = arith.constant 0 : i32
        %dma_wait3A_188 = arith.constant 0 : i32
        %dma_wait3A_189 = tpu.memref_slice %arg5[%dma_wait3A_187, %dma_wait3A_188] : memref<10240x128xf32, #tpu.memory_space<hbm>> -> memref<10240x128xf32, #tpu.memory_space<hbm>>
        tpu.wait_indirect_dma semaphore(%arg25 : memref<!tpu.dma_semaphore, #tpu.memory_space<semaphore_mem>>) src(%dma_wait3A_189 : memref<10240x128xf32, #tpu.memory_space<hbm>>) dst(%arg20 : memref<128x128xf32, #tpu.memory_space<vmem>>)
        %dma_start3A_190 = arith.constant 0 : i32
        %dma_start3A_191 = tpu.memref_slice %arg15[%add3A_182, %dma_start3A_190] : memref<80x128xi32, #tpu.memory_space<vmem>> -> memref<1x128xi32, #tpu.memory_space<vmem>>
        %dma_start3A_192 = tpu.memref_squeeze %dma_start3A_191 : memref<1x128xi32, #tpu.memory_space<vmem>> -> memref<128xi32, #tpu.memory_space<vmem>>
        %dma_start3A_193 = arith.constant 0 : i32
        %dma_start3A_194 = arith.constant 0 : i32
        %dma_start3A_195 = tpu.memref_slice %arg21[%dma_start3A_193, %dma_start3A_194] : memref<5248x128xf32, #tpu.memory_space<vmem_shared>> -> memref<5248x128xf32, #tpu.memory_space<vmem_shared>>
        tpu.enqueue_indirect_dma source(%arg20 : memref<128x128xf32, #tpu.memory_space<vmem>>) target(%dma_start3A_195 : memref<5248x128xf32, #tpu.memory_space<vmem_shared>>) offsets(%dma_start3A_192 : memref<128xi32, #tpu.memory_space<vmem>>) semaphore(%arg29 : memref<!tpu.dma_semaphore, #tpu.memory_space<semaphore_mem>>) {add = true}
        %dma_wait3A_196 = arith.constant 0 : i32
        %dma_wait3A_197 = arith.constant 0 : i32
        %dma_wait3A_198 = tpu.memref_slice %arg15[%dma_wait3A_196, %dma_wait3A_197] : memref<80x128xi32, #tpu.memory_space<vmem>> -> memref<1x128xi32, #tpu.memory_space<vmem>>
        %dma_wait3A_199 = tpu.memref_squeeze %dma_wait3A_198 : memref<1x128xi32, #tpu.memory_space<vmem>> -> memref<128xi32, #tpu.memory_space<vmem>>
        %dma_wait3A_200 = arith.constant 0 : i32
        %dma_wait3A_201 = arith.constant 0 : i32
        %dma_wait3A_202 = tpu.memref_slice %arg21[%dma_wait3A_200, %dma_wait3A_201] : memref<5248x128xf32, #tpu.memory_space<vmem_shared>> -> memref<5248x128xf32, #tpu.memory_space<vmem_shared>>
        tpu.wait_indirect_dma semaphore(%arg28 : memref<!tpu.dma_semaphore, #tpu.memory_space<semaphore_mem>>) src(%arg19 : memref<128x128xf32, #tpu.memory_space<vmem>>) dst(%dma_wait3A_202 : memref<5248x128xf32, #tpu.memory_space<vmem_shared>>)
        %lt3A_203 = arith.constant 19 : i32
        %lt3A_204 = arith.cmpi slt, %scan3A_92, %lt3A_203 : i32
        %convert_element_type3A_205 = arith.extui %lt3A_204 : i1 to i32
        %cond3A_206 = arith.constant 0 : i32
        %cond3A_207 = arith.cmpi ne, %convert_element_type3A_205, %cond3A_206 : i32
        scf.if %cond3A_207 {
          %add3A_208 = arith.constant 3 : i32
          %add3A_209 = arith.addi %add3A_182, %add3A_208 : i32
          %dma_start3A_210 = arith.constant 0 : i32
          %dma_start3A_211 = tpu.memref_slice %arg14[%add3A_209, %dma_start3A_210] : memref<80x128xi32, #tpu.memory_space<vmem>> -> memref<1x128xi32, #tpu.memory_space<vmem>>
          %dma_start3A_212 = tpu.memref_squeeze %dma_start3A_211 : memref<1x128xi32, #tpu.memory_space<vmem>> -> memref<128xi32, #tpu.memory_space<vmem>>
          %dma_start3A_213 = arith.constant 0 : i32
          %dma_start3A_214 = arith.constant 0 : i32
          %dma_start3A_215 = tpu.memref_slice %arg5[%dma_start3A_213, %dma_start3A_214] : memref<10240x128xf32, #tpu.memory_space<hbm>> -> memref<10240x128xf32, #tpu.memory_space<hbm>>
          tpu.enqueue_indirect_dma source(%dma_start3A_215 : memref<10240x128xf32, #tpu.memory_space<hbm>>) target(%arg19 : memref<128x128xf32, #tpu.memory_space<vmem>>) offsets(%dma_start3A_212 : memref<128xi32, #tpu.memory_space<vmem>>) semaphore(%arg24 : memref<!tpu.dma_semaphore, #tpu.memory_space<semaphore_mem>>)
        } else {
        }
      }
      %scan3A_85 = arith.constant 20 : i32
      %dma_wait3A = arith.constant 0 : i32
      %dma_wait3A_86 = arith.constant 0 : i32
      %dma_wait3A_87 = tpu.memref_slice %arg15[%dma_wait3A, %dma_wait3A_86] : memref<80x128xi32, #tpu.memory_space<vmem>> -> memref<1x128xi32, #tpu.memory_space<vmem>>
      %dma_wait3A_88 = tpu.memref_squeeze %dma_wait3A_87 : memref<1x128xi32, #tpu.memory_space<vmem>> -> memref<128xi32, #tpu.memory_space<vmem>>
      %dma_wait3A_89 = arith.constant 0 : i32
      %dma_wait3A_90 = arith.constant 0 : i32
      %dma_wait3A_91 = tpu.memref_slice %arg21[%dma_wait3A_89, %dma_wait3A_90] : memref<5248x128xf32, #tpu.memory_space<vmem_shared>> -> memref<5248x128xf32, #tpu.memory_space<vmem_shared>>
      tpu.wait_indirect_dma semaphore(%arg29 : memref<!tpu.dma_semaphore, #tpu.memory_space<semaphore_mem>>) src(%arg20 : memref<128x128xf32, #tpu.memory_space<vmem>>) dst(%dma_wait3A_91 : memref<5248x128xf32, #tpu.memory_space<vmem_shared>>)
    } else {
    }
    %barrier3A_54 = arith.constant 0 : index
    tpu.barrier barrier_id(%barrier3A_54)
    %mul3A_55 = arith.constant 320 : i32
    %mul3A_56 = arith.muli %arg1, %mul3A_55 : i32
    %mul3A_57 = arith.constant 320 : i32
    %mul3A_58 = arith.muli %arg1, %mul3A_57 : i32
    %add3A_59 = arith.addi %mul3A_2, %mul3A_58 : i32
    "tpu.region"() ({
      %run_scoped3A = tpu.sem_alloc : memref<!tpu.dma_semaphore, #tpu.memory_space<semaphore_mem>>
      %dma_start3A = arith.constant 0 : i32
      %dma_start3A_61 = tpu.memref_slice %arg13[%add3A_59, %dma_start3A] : memref<10240x128xf32, #tpu.memory_space<hbm>> -> memref<320x128xf32, #tpu.memory_space<hbm>>
      %dma_start3A_62 = arith.constant 0 : i32
      %dma_start3A_63 = tpu.memref_slice %arg21[%mul3A_56, %dma_start3A_62] : memref<5248x128xf32, #tpu.memory_space<vmem_shared>> -> memref<320x128xf32, #tpu.memory_space<vmem_shared>>
      tpu.enqueue_dma source(%dma_start3A_63 : memref<320x128xf32, #tpu.memory_space<vmem_shared>>) target(%dma_start3A_61 : memref<320x128xf32, #tpu.memory_space<hbm>>) target_semaphore(%run_scoped3A : memref<!tpu.dma_semaphore, #tpu.memory_space<semaphore_mem>>)
      %dma_wait3A = arith.constant 0 : i32
      %dma_wait3A_64 = tpu.memref_slice %arg13[%add3A_59, %dma_wait3A] : memref<10240x128xf32, #tpu.memory_space<hbm>> -> memref<320x128xf32, #tpu.memory_space<hbm>>
      %dma_wait3A_65 = arith.constant 0 : i32
      %dma_wait3A_66 = tpu.memref_slice %arg21[%mul3A_56, %dma_wait3A_65] : memref<5248x128xf32, #tpu.memory_space<vmem_shared>> -> memref<320x128xf32, #tpu.memory_space<vmem_shared>>
      tpu.wait_dma2 semaphore(%run_scoped3A : memref<!tpu.dma_semaphore, #tpu.memory_space<semaphore_mem>>) src(%dma_wait3A_66 : memref<320x128xf32, #tpu.memory_space<vmem_shared>>) dst(%dma_wait3A_64 : memref<320x128xf32, #tpu.memory_space<hbm>>)
      tpu.yield
    }) : () -> ()
    %barrier3A_60 = arith.constant 0 : index
    tpu.barrier barrier_id(%barrier3A_60)
    return
  }
}

module attributes {stable_mosaic.version = 14 : i64} {
  func.func @body(%arg0: i32, %arg1: memref<2048x256xf32, #tpu.memory_space<vmem>>, %arg2: memref<2048x1xf32, #tpu.memory_space<vmem>>, %arg3: memref<2048x1xf32, #tpu.memory_space<vmem>>, %arg4: memref<2048x1xf32, #tpu.memory_space<vmem>>, %arg5: memref<2048x128xf32, #tpu.memory_space<vmem>>, %arg6: memref<2048x128xf32, #tpu.memory_space<vmem>>) attributes {dimension_semantics = [#tpu.dimension_semantics<arbitrary>], iteration_bounds = array<i64: 5>, scalar_prefetch = 0 : i64, scratch_operands = 0 : i64, tpu.core_type = #tpu.core_type<tc>, window_params = [{transform_indices = @transform_0, window_bounds = array<i64: 2048, 256>}, {transform_indices = @transform_1, window_bounds = array<i64: 2048, 1>}, {transform_indices = @transform_2, window_bounds = array<i64: 2048, 1>}, {transform_indices = @transform_3, window_bounds = array<i64: 2048, 1>}, {transform_indices = @transform_4, window_bounds = array<i64: 2048, 128>}, {transform_indices = @transform_5, window_bounds = array<i64: 2048, 128>}]} {
    %get3A = arith.constant 0 : index
    %get3A_0 = arith.constant 0 : index
    %get3A_1 = vector.load %arg2[%get3A, %get3A_0] : memref<2048x1xf32, #tpu.memory_space<vmem>>, vector<2048x1xf32>
    %get3A_2 = arith.constant 0 : index
    %get3A_3 = arith.constant 0 : index
    %get3A_4 = vector.load %arg3[%get3A_2, %get3A_3] : memref<2048x1xf32, #tpu.memory_space<vmem>>, vector<2048x1xf32>
    %add3A = arith.addf %get3A_1, %get3A_4 : vector<2048x1xf32>
    %add3A_5 = arith.constant 1.000000e+00 : f32
    %add3A_6 = vector.broadcast %add3A_5 : f32 to vector<2048x1xf32>
    %add3A_7 = arith.addf %add3A, %add3A_6 : vector<2048x1xf32>
    %rsqrt3A = math.rsqrt %add3A_7 : vector<2048x1xf32>
    %swap3A = arith.constant 0 : index
    %swap3A_8 = arith.constant 0 : index
    %swap3A_9 = vector.load %arg4[%swap3A, %swap3A_8] : memref<2048x1xf32, #tpu.memory_space<vmem>>, vector<2048x1xf32>
    tpu.vector_store %arg4[%swap3A, %swap3A_8], %rsqrt3A {strides = array<i32>} : memref<2048x1xf32, #tpu.memory_space<vmem>>, vector<2048x1xf32>,
    %get3A_10 = arith.constant 0 : index
    %get3A_11 = arith.constant 0 : index
    %get3A_12 = vector.load %arg1[%get3A_10, %get3A_11] : memref<2048x256xf32, #tpu.memory_space<vmem>>, vector<2048x256xf32>
    %mul3A = vector.broadcast %rsqrt3A : vector<2048x1xf32> to vector<2048x256xf32>
    %mul3A_13 = arith.mulf %get3A_12, %mul3A : vector<2048x256xf32>
    %slice3A = vector.extract_strided_slice %mul3A_13 {offsets = [0, 0], sizes = [2048, 128], strides = [1, 1]} : vector<2048x256xf32> to vector<2048x128xf32>
    %swap3A_14 = arith.constant 0 : index
    %swap3A_15 = arith.constant 0 : index
    %swap3A_16 = vector.load %arg5[%swap3A_14, %swap3A_15] : memref<2048x128xf32, #tpu.memory_space<vmem>>, vector<2048x128xf32>
    tpu.vector_store %arg5[%swap3A_14, %swap3A_15], %slice3A {strides = array<i32>} : memref<2048x128xf32, #tpu.memory_space<vmem>>, vector<2048x128xf32>,
    %slice3A_17 = vector.extract_strided_slice %mul3A_13 {offsets = [0, 128], sizes = [2048, 128], strides = [1, 1]} : vector<2048x256xf32> to vector<2048x128xf32>
    %swap3A_18 = arith.constant 0 : index
    %swap3A_19 = arith.constant 0 : index
    %swap3A_20 = vector.load %arg6[%swap3A_18, %swap3A_19] : memref<2048x128xf32, #tpu.memory_space<vmem>>, vector<2048x128xf32>
    tpu.vector_store %arg6[%swap3A_18, %swap3A_19], %slice3A_17 {strides = array<i32>} : memref<2048x128xf32, #tpu.memory_space<vmem>>, vector<2048x128xf32>,
    return
  }
  func.func @transform_0(%arg0: i32) -> (i32, i32) {
    %c0_i32 = arith.constant 0 : i32
    %c0_i32_0 = arith.constant 0 : i32
    return %arg0, %c0_i32 : i32, i32
  }
  func.func @transform_1(%arg0: i32) -> (i32, i32) {
    %c0_i32 = arith.constant 0 : i32
    %c0_i32_0 = arith.constant 0 : i32
    return %arg0, %c0_i32 : i32, i32
  }
  func.func @transform_2(%arg0: i32) -> (i32, i32) {
    %c0_i32 = arith.constant 0 : i32
    %c0_i32_0 = arith.constant 0 : i32
    return %arg0, %c0_i32 : i32, i32
  }
  func.func @transform_3(%arg0: i32) -> (i32, i32) {
    %c0_i32 = arith.constant 0 : i32
    %c0_i32_0 = arith.constant 0 : i32
    return %arg0, %c0_i32 : i32, i32
  }
  func.func @transform_4(%arg0: i32) -> (i32, i32) {
    %c0_i32 = arith.constant 0 : i32
    %c0_i32_0 = arith.constant 0 : i32
    return %arg0, %c0_i32 : i32, i32
  }
  func.func @transform_5(%arg0: i32) -> (i32, i32) {
    %c0_i32 = arith.constant 0 : i32
    %c0_i32_0 = arith.constant 0 : i32
    return %arg0, %c0_i32 : i32, i32
  }
}

module attributes {stable_mosaic.version = 14 : i64} {
  func.func @body(%arg0: i32, %arg1: memref<2048x128xf32, #tpu.memory_space<vmem>>, %arg2: memref<2048x128xf32, #tpu.memory_space<vmem>>, %arg3: memref<2048x128xf32, #tpu.memory_space<vmem>>, %arg4: memref<2048x128xf32, #tpu.memory_space<vmem>>, %arg5: memref<2048x128xf32, #tpu.memory_space<vmem>>, %arg6: memref<2048x128xf32, #tpu.memory_space<vmem>>, %arg7: memref<2048x128xf32, #tpu.memory_space<vmem>>, %arg8: memref<2048x128xf32, #tpu.memory_space<vmem>>, %arg9: memref<2048x1xf32, #tpu.memory_space<vmem>>, %arg10: memref<512x512xf32, #tpu.memory_space<vmem>>, %arg11: memref<1x512xf32, #tpu.memory_space<vmem>>, %arg12: memref<2048x128xf32, #tpu.memory_space<vmem>>, %arg13: memref<2048x128xf32, #tpu.memory_space<vmem>>, %arg14: memref<2048x128xf32, #tpu.memory_space<vmem>>, %arg15: memref<2048x128xf32, #tpu.memory_space<vmem>>) attributes {dimension_semantics = [#tpu.dimension_semantics<arbitrary>], iteration_bounds = array<i64: 5>, scalar_prefetch = 0 : i64, scratch_operands = 0 : i64, tpu.core_type = #tpu.core_type<tc>, window_params = [{transform_indices = @transform_0, window_bounds = array<i64: 2048, 128>}, {transform_indices = @transform_1, window_bounds = array<i64: 2048, 128>}, {transform_indices = @transform_2, window_bounds = array<i64: 2048, 128>}, {transform_indices = @transform_3, window_bounds = array<i64: 2048, 128>}, {transform_indices = @transform_4, window_bounds = array<i64: 2048, 128>}, {transform_indices = @transform_5, window_bounds = array<i64: 2048, 128>}, {transform_indices = @transform_6, window_bounds = array<i64: 2048, 128>}, {transform_indices = @transform_7, window_bounds = array<i64: 2048, 128>}, {transform_indices = @transform_8, window_bounds = array<i64: 2048, 1>}, {pipeline_mode = #tpu.pipeline_mode<synchronous>, transform_indices = @transform_9, window_bounds = array<i64: 512, 512>}, {pipeline_mode = #tpu.pipeline_mode<synchronous>, transform_indices = @transform_10, window_bounds = array<i64: 1, 512>}, {transform_indices = @transform_11, window_bounds = array<i64: 2048, 128>}, {transform_indices = @transform_12, window_bounds = array<i64: 2048, 128>}, {transform_indices = @transform_13, window_bounds = array<i64: 2048, 128>}, {transform_indices = @transform_14, window_bounds = array<i64: 2048, 128>}]} {
    %get3A = arith.constant 0 : index
    %get3A_0 = arith.constant 0 : index
    %get3A_1 = vector.load %arg9[%get3A, %get3A_0] : memref<2048x1xf32, #tpu.memory_space<vmem>>, vector<2048x1xf32>
    %get3A_2 = arith.constant 0 : index
    %get3A_3 = arith.constant 0 : index
    %get3A_4 = vector.load %arg1[%get3A_2, %get3A_3] : memref<2048x128xf32, #tpu.memory_space<vmem>>, vector<2048x128xf32>
    %get3A_5 = arith.constant 0 : index
    %get3A_6 = arith.constant 0 : index
    %get3A_7 = vector.load %arg5[%get3A_5, %get3A_6] : memref<2048x128xf32, #tpu.memory_space<vmem>>, vector<2048x128xf32>
    %add3A = arith.addf %get3A_4, %get3A_7 : vector<2048x128xf32>
    %get3A_8 = arith.constant 0 : index
    %get3A_9 = arith.constant 0 : index
    %get3A_10 = vector.load %arg2[%get3A_8, %get3A_9] : memref<2048x128xf32, #tpu.memory_space<vmem>>, vector<2048x128xf32>
    %get3A_11 = arith.constant 0 : index
    %get3A_12 = arith.constant 0 : index
    %get3A_13 = vector.load %arg6[%get3A_11, %get3A_12] : memref<2048x128xf32, #tpu.memory_space<vmem>>, vector<2048x128xf32>
    %add3A_14 = arith.addf %get3A_10, %get3A_13 : vector<2048x128xf32>
    %get3A_15 = arith.constant 0 : index
    %get3A_16 = arith.constant 0 : index
    %get3A_17 = vector.load %arg3[%get3A_15, %get3A_16] : memref<2048x128xf32, #tpu.memory_space<vmem>>, vector<2048x128xf32>
    %get3A_18 = arith.constant 0 : index
    %get3A_19 = arith.constant 0 : index
    %get3A_20 = vector.load %arg7[%get3A_18, %get3A_19] : memref<2048x128xf32, #tpu.memory_space<vmem>>, vector<2048x128xf32>
    %add3A_21 = arith.addf %get3A_17, %get3A_20 : vector<2048x128xf32>
    %get3A_22 = arith.constant 0 : index
    %get3A_23 = arith.constant 0 : index
    %get3A_24 = vector.load %arg4[%get3A_22, %get3A_23] : memref<2048x128xf32, #tpu.memory_space<vmem>>, vector<2048x128xf32>
    %get3A_25 = arith.constant 0 : index
    %get3A_26 = arith.constant 0 : index
    %get3A_27 = vector.load %arg8[%get3A_25, %get3A_26] : memref<2048x128xf32, #tpu.memory_space<vmem>>, vector<2048x128xf32>
    %add3A_28 = arith.addf %get3A_24, %get3A_27 : vector<2048x128xf32>
    %concatenate3A = tpu.concatenate %add3A, %add3A_14, %add3A_21, %add3A_28 in 1 : vector<2048x128xf32>, vector<2048x128xf32>, vector<2048x128xf32>, vector<2048x128xf32> -> vector<2048x512xf32>
    %mul3A = vector.broadcast %get3A_1 : vector<2048x1xf32> to vector<2048x512xf32>
    %mul3A_29 = arith.mulf %concatenate3A, %mul3A : vector<2048x512xf32>
    %get3A_30 = arith.constant 0 : index
    %get3A_31 = arith.constant 0 : index
    %get3A_32 = vector.load %arg10[%get3A_30, %get3A_31] : memref<512x512xf32, #tpu.memory_space<vmem>>, vector<512x512xf32>
    %dot_general3A = arith.constant dense<0.000000e+00> : vector<2048x512xf32>
    %dot_general3A_33 = tpu.matmul %mul3A_29, %get3A_32, %dot_general3A {dimension_numbers = #tpu.dot_dimension_numbers<[1], [0], [0], [1], [0, 0, 1, 1], [], []>, transpose_lhs_hint = false} : vector<2048x512xf32>, vector<512x512xf32>, vector<2048x512xf32> -> vector<2048x512xf32>
    %get3A_34 = arith.constant 0 : index
    %get3A_35 = arith.constant 0 : index
    %get3A_36 = vector.load %arg11[%get3A_34, %get3A_35] : memref<1x512xf32, #tpu.memory_space<vmem>>, vector<1x512xf32>
    %add3A_37 = vector.broadcast %get3A_36 : vector<1x512xf32> to vector<2048x512xf32>
    %add3A_38 = arith.addf %dot_general3A_33, %add3A_37 : vector<2048x512xf32>
    %max3A = arith.constant 0.000000e+00 : f32
    %max3A_39 = vector.broadcast %max3A : f32 to vector<2048x512xf32>
    %max3A_40 = arith.maximumf %add3A_38, %max3A_39 : vector<2048x512xf32>
    %mul3A_41 = vector.broadcast %get3A_1 : vector<2048x1xf32> to vector<2048x512xf32>
    %mul3A_42 = arith.mulf %max3A_40, %mul3A_41 : vector<2048x512xf32>
    %slice3A = vector.extract_strided_slice %mul3A_42 {offsets = [0, 0], sizes = [2048, 128], strides = [1, 1]} : vector<2048x512xf32> to vector<2048x128xf32>
    %swap3A = arith.constant 0 : index
    %swap3A_43 = arith.constant 0 : index
    %swap3A_44 = vector.load %arg12[%swap3A, %swap3A_43] : memref<2048x128xf32, #tpu.memory_space<vmem>>, vector<2048x128xf32>
    tpu.vector_store %arg12[%swap3A, %swap3A_43], %slice3A {strides = array<i32>} : memref<2048x128xf32, #tpu.memory_space<vmem>>, vector<2048x128xf32>,
    %slice3A_45 = vector.extract_strided_slice %mul3A_42 {offsets = [0, 128], sizes = [2048, 128], strides = [1, 1]} : vector<2048x512xf32> to vector<2048x128xf32>
    %swap3A_46 = arith.constant 0 : index
    %swap3A_47 = arith.constant 0 : index
    %swap3A_48 = vector.load %arg13[%swap3A_46, %swap3A_47] : memref<2048x128xf32, #tpu.memory_space<vmem>>, vector<2048x128xf32>
    tpu.vector_store %arg13[%swap3A_46, %swap3A_47], %slice3A_45 {strides = array<i32>} : memref<2048x128xf32, #tpu.memory_space<vmem>>, vector<2048x128xf32>,
    %slice3A_49 = vector.extract_strided_slice %mul3A_42 {offsets = [0, 256], sizes = [2048, 128], strides = [1, 1]} : vector<2048x512xf32> to vector<2048x128xf32>
    %swap3A_50 = arith.constant 0 : index
    %swap3A_51 = arith.constant 0 : index
    %swap3A_52 = vector.load %arg14[%swap3A_50, %swap3A_51] : memref<2048x128xf32, #tpu.memory_space<vmem>>, vector<2048x128xf32>
    tpu.vector_store %arg14[%swap3A_50, %swap3A_51], %slice3A_49 {strides = array<i32>} : memref<2048x128xf32, #tpu.memory_space<vmem>>, vector<2048x128xf32>,
    %slice3A_53 = vector.extract_strided_slice %mul3A_42 {offsets = [0, 384], sizes = [2048, 128], strides = [1, 1]} : vector<2048x512xf32> to vector<2048x128xf32>
    %swap3A_54 = arith.constant 0 : index
    %swap3A_55 = arith.constant 0 : index
    %swap3A_56 = vector.load %arg15[%swap3A_54, %swap3A_55] : memref<2048x128xf32, #tpu.memory_space<vmem>>, vector<2048x128xf32>
    tpu.vector_store %arg15[%swap3A_54, %swap3A_55], %slice3A_53 {strides = array<i32>} : memref<2048x128xf32, #tpu.memory_space<vmem>>, vector<2048x128xf32>,
    return
  }
  func.func @transform_0(%arg0: i32) -> (i32, i32) {
    %c0_i32 = arith.constant 0 : i32
    %c0_i32_0 = arith.constant 0 : i32
    return %arg0, %c0_i32 : i32, i32
  }
  func.func @transform_1(%arg0: i32) -> (i32, i32) {
    %c0_i32 = arith.constant 0 : i32
    %c0_i32_0 = arith.constant 0 : i32
    return %arg0, %c0_i32 : i32, i32
  }
  func.func @transform_2(%arg0: i32) -> (i32, i32) {
    %c0_i32 = arith.constant 0 : i32
    %c0_i32_0 = arith.constant 0 : i32
    return %arg0, %c0_i32 : i32, i32
  }
  func.func @transform_3(%arg0: i32) -> (i32, i32) {
    %c0_i32 = arith.constant 0 : i32
    %c0_i32_0 = arith.constant 0 : i32
    return %arg0, %c0_i32 : i32, i32
  }
  func.func @transform_4(%arg0: i32) -> (i32, i32) {
    %c0_i32 = arith.constant 0 : i32
    %c0_i32_0 = arith.constant 0 : i32
    return %arg0, %c0_i32 : i32, i32
  }
  func.func @transform_5(%arg0: i32) -> (i32, i32) {
    %c0_i32 = arith.constant 0 : i32
    %c0_i32_0 = arith.constant 0 : i32
    return %arg0, %c0_i32 : i32, i32
  }
  func.func @transform_6(%arg0: i32) -> (i32, i32) {
    %c0_i32 = arith.constant 0 : i32
    %c0_i32_0 = arith.constant 0 : i32
    return %arg0, %c0_i32 : i32, i32
  }
  func.func @transform_7(%arg0: i32) -> (i32, i32) {
    %c0_i32 = arith.constant 0 : i32
    %c0_i32_0 = arith.constant 0 : i32
    return %arg0, %c0_i32 : i32, i32
  }
  func.func @transform_8(%arg0: i32) -> (i32, i32) {
    %c0_i32 = arith.constant 0 : i32
    %c0_i32_0 = arith.constant 0 : i32
    return %arg0, %c0_i32 : i32, i32
  }
  func.func @transform_9(%arg0: i32) -> (i32, i32) {
    %c0_i32 = arith.constant 0 : i32
    %c0_i32_0 = arith.constant 0 : i32
    %c0_i32_1 = arith.constant 0 : i32
    return %c0_i32, %c0_i32_0 : i32, i32
  }
  func.func @transform_10(%arg0: i32) -> (i32, i32) {
    %c0_i32 = arith.constant 0 : i32
    %c0_i32_0 = arith.constant 0 : i32
    %c0_i32_1 = arith.constant 0 : i32
    return %c0_i32, %c0_i32_0 : i32, i32
  }
  func.func @transform_11(%arg0: i32) -> (i32, i32) {
    %c0_i32 = arith.constant 0 : i32
    %c0_i32_0 = arith.constant 0 : i32
    return %arg0, %c0_i32 : i32, i32
  }
  func.func @transform_12(%arg0: i32) -> (i32, i32) {
    %c0_i32 = arith.constant 0 : i32
    %c0_i32_0 = arith.constant 0 : i32
    return %arg0, %c0_i32 : i32, i32
  }
  func.func @transform_13(%arg0: i32) -> (i32, i32) {
    %c0_i32 = arith.constant 0 : i32
    %c0_i32_0 = arith.constant 0 : i32
    return %arg0, %c0_i32 : i32, i32
  }
  func.func @transform_14(%arg0: i32) -> (i32, i32) {
    %c0_i32 = arith.constant 0 : i32
    %c0_i32_0 = arith.constant 0 : i32
    return %arg0, %c0_i32 : i32, i32
  }
}

module attributes {stable_mosaic.version = 14 : i64} {
  func.func @body(%arg0: i32, %arg1: memref<2048x128xf32, #tpu.memory_space<vmem>>, %arg2: memref<2048x128xf32, #tpu.memory_space<vmem>>, %arg3: memref<2048x128xf32, #tpu.memory_space<vmem>>, %arg4: memref<2048x128xf32, #tpu.memory_space<vmem>>, %arg5: memref<2048x1xf32, #tpu.memory_space<vmem>>, %arg6: memref<2048x1xi32, #tpu.memory_space<vmem>>, %arg7: memref<512x64xf32, #tpu.memory_space<vmem>>, %arg8: memref<1x64xf32, #tpu.memory_space<vmem>>, %arg9: memref<16x64xf32, #tpu.memory_space<vmem>>, %arg10: memref<16x512xf32, #tpu.memory_space<vmem>>, %arg11: memref<16x128xf32, #tpu.memory_space<vmem>>) attributes {dimension_semantics = [#tpu.dimension_semantics<arbitrary>], iteration_bounds = array<i64: 5>, scalar_prefetch = 0 : i64, scratch_operands = 2 : i64, tpu.core_type = #tpu.core_type<tc>, window_params = [{transform_indices = @transform_0, window_bounds = array<i64: 2048, 128>}, {transform_indices = @transform_1, window_bounds = array<i64: 2048, 128>}, {transform_indices = @transform_2, window_bounds = array<i64: 2048, 128>}, {transform_indices = @transform_3, window_bounds = array<i64: 2048, 128>}, {transform_indices = @transform_4, window_bounds = array<i64: 2048, 1>}, {transform_indices = @transform_5, window_bounds = array<i64: 2048, 1>}, {pipeline_mode = #tpu.pipeline_mode<synchronous>, transform_indices = @transform_6, window_bounds = array<i64: 512, 64>}, {pipeline_mode = #tpu.pipeline_mode<synchronous>, transform_indices = @transform_7, window_bounds = array<i64: 1, 64>}, {pipeline_mode = #tpu.pipeline_mode<synchronous>, transform_indices = @transform_8, window_bounds = array<i64: 16, 64>}]} {
    %eq3A = arith.constant 0 : i32
    %eq3A_0 = arith.cmpi eq, %arg0, %eq3A : i32
    %convert_element_type3A = arith.extui %eq3A_0 : i1 to i32
    %cond3A = arith.constant 0 : i32
    %cond3A_1 = arith.cmpi ne, %convert_element_type3A, %cond3A : i32
    scf.if %cond3A_1 {
      %broadcast_in_dim3A_46 = arith.constant 0.000000e+00 : f32
      %broadcast_in_dim3A_47 = vector.broadcast %broadcast_in_dim3A_46 : f32 to vector<16x512xf32>
      %swap3A_48 = arith.constant 0 : index
      %swap3A_49 = arith.constant 0 : index
      %swap3A_50 = vector.load %arg10[%swap3A_48, %swap3A_49] : memref<16x512xf32, #tpu.memory_space<vmem>>, vector<16x512xf32>
      tpu.vector_store %arg10[%swap3A_48, %swap3A_49], %broadcast_in_dim3A_47 {strides = array<i32>} : memref<16x512xf32, #tpu.memory_space<vmem>>, vector<16x512xf32>,
      %broadcast_in_dim3A_51 = arith.constant 0.000000e+00 : f32
      %broadcast_in_dim3A_52 = vector.broadcast %broadcast_in_dim3A_51 : f32 to vector<16x128xf32>
      %swap3A_53 = arith.constant 0 : index
      %swap3A_54 = arith.constant 0 : index
      %swap3A_55 = vector.load %arg11[%swap3A_53, %swap3A_54] : memref<16x128xf32, #tpu.memory_space<vmem>>, vector<16x128xf32>
      tpu.vector_store %arg11[%swap3A_53, %swap3A_54], %broadcast_in_dim3A_52 {strides = array<i32>} : memref<16x128xf32, #tpu.memory_space<vmem>>, vector<16x128xf32>,
    } else {
    }
    %get3A = arith.constant 0 : index
    %get3A_2 = arith.constant 0 : index
    %get3A_3 = vector.load %arg1[%get3A, %get3A_2] : memref<2048x128xf32, #tpu.memory_space<vmem>>, vector<2048x128xf32>
    %get3A_4 = arith.constant 0 : index
    %get3A_5 = arith.constant 0 : index
    %get3A_6 = vector.load %arg2[%get3A_4, %get3A_5] : memref<2048x128xf32, #tpu.memory_space<vmem>>, vector<2048x128xf32>
    %get3A_7 = arith.constant 0 : index
    %get3A_8 = arith.constant 0 : index
    %get3A_9 = vector.load %arg3[%get3A_7, %get3A_8] : memref<2048x128xf32, #tpu.memory_space<vmem>>, vector<2048x128xf32>
    %get3A_10 = arith.constant 0 : index
    %get3A_11 = arith.constant 0 : index
    %get3A_12 = vector.load %arg4[%get3A_10, %get3A_11] : memref<2048x128xf32, #tpu.memory_space<vmem>>, vector<2048x128xf32>
    %concatenate3A = tpu.concatenate %get3A_3, %get3A_6, %get3A_9, %get3A_12 in 1 : vector<2048x128xf32>, vector<2048x128xf32>, vector<2048x128xf32>, vector<2048x128xf32> -> vector<2048x512xf32>
    %get3A_13 = arith.constant 0 : index
    %get3A_14 = arith.constant 0 : index
    %get3A_15 = vector.load %arg5[%get3A_13, %get3A_14] : memref<2048x1xf32, #tpu.memory_space<vmem>>, vector<2048x1xf32>
    %div3A = vector.broadcast %get3A_15 : vector<2048x1xf32> to vector<2048x512xf32>
    %div3A_16 = arith.divf %concatenate3A, %div3A : vector<2048x512xf32>
    %iota3A = tpu.iota {dimensions = array<i32: 1>} : vector<1x16xi32>
    %get3A_17 = arith.constant 0 : index
    %get3A_18 = arith.constant 0 : index
    %get3A_19 = vector.load %arg6[%get3A_17, %get3A_18] : memref<2048x1xi32, #tpu.memory_space<vmem>>, vector<2048x1xi32>
    %eq3A_20 = vector.broadcast %get3A_19 : vector<2048x1xi32> to vector<2048x16xi32>
    %eq3A_21 = vector.broadcast %iota3A : vector<1x16xi32> to vector<2048x16xi32>
    %eq3A_22 = arith.cmpi eq, %eq3A_20, %eq3A_21 : vector<2048x16xi32>
    %convert_element_type3A_23 = arith.extui %eq3A_22 : vector<2048x16xi1> to vector<2048x16xi32>
    %convert_element_type3A_24 = arith.sitofp %convert_element_type3A_23 : vector<2048x16xi32> to vector<2048x16xf32>
    %get3A_25 = arith.constant 0 : index
    %get3A_26 = arith.constant 0 : index
    %get3A_27 = vector.load %arg10[%get3A_25, %get3A_26] : memref<16x512xf32, #tpu.memory_space<vmem>>, vector<16x512xf32>
    %dot_general3A = arith.constant dense<0.000000e+00> : vector<16x512xf32>
    %dot_general3A_28 = tpu.matmul %convert_element_type3A_24, %div3A_16, %dot_general3A {dimension_numbers = #tpu.dot_dimension_numbers<[0], [0], [1], [1], [0, 1, 1, 1], [], []>, transpose_lhs_hint = false} : vector<2048x16xf32>, vector<2048x512xf32>, vector<16x512xf32> -> vector<16x512xf32>
    %add3A = arith.addf %get3A_27, %dot_general3A_28 : vector<16x512xf32>
    %swap3A = arith.constant 0 : index
    %swap3A_29 = arith.constant 0 : index
    %swap3A_30 = vector.load %arg10[%swap3A, %swap3A_29] : memref<16x512xf32, #tpu.memory_space<vmem>>, vector<16x512xf32>
    tpu.vector_store %arg10[%swap3A, %swap3A_29], %add3A {strides = array<i32>} : memref<16x512xf32, #tpu.memory_space<vmem>>, vector<16x512xf32>,
    %get3A_31 = arith.constant 0 : index
    %get3A_32 = arith.constant 0 : index
    %get3A_33 = vector.load %arg11[%get3A_31, %get3A_32] : memref<16x128xf32, #tpu.memory_space<vmem>>, vector<16x128xf32>
    %broadcast_in_dim3A = arith.constant 1.000000e+00 : f32
    %broadcast_in_dim3A_34 = vector.broadcast %broadcast_in_dim3A : f32 to vector<2048x128xf32>
    %dot_general3A_35 = arith.constant dense<0.000000e+00> : vector<16x128xf32>
    %dot_general3A_36 = tpu.matmul %convert_element_type3A_24, %broadcast_in_dim3A_34, %dot_general3A_35 {dimension_numbers = #tpu.dot_dimension_numbers<[0], [0], [1], [1], [0, 1, 1, 1], [], []>, transpose_lhs_hint = false} : vector<2048x16xf32>, vector<2048x128xf32>, vector<16x128xf32> -> vector<16x128xf32>
    %add3A_37 = arith.addf %get3A_33, %dot_general3A_36 : vector<16x128xf32>
    %swap3A_38 = arith.constant 0 : index
    %swap3A_39 = arith.constant 0 : index
    %swap3A_40 = vector.load %arg11[%swap3A_38, %swap3A_39] : memref<16x128xf32, #tpu.memory_space<vmem>>, vector<16x128xf32>
    tpu.vector_store %arg11[%swap3A_38, %swap3A_39], %add3A_37 {strides = array<i32>} : memref<16x128xf32, #tpu.memory_space<vmem>>, vector<16x128xf32>,
    %eq3A_41 = arith.constant 4 : i32
    %eq3A_42 = arith.cmpi eq, %arg0, %eq3A_41 : i32
    %convert_element_type3A_43 = arith.extui %eq3A_42 : i1 to i32
    %cond3A_44 = arith.constant 0 : i32
    %cond3A_45 = arith.cmpi ne, %convert_element_type3A_43, %cond3A_44 : i32
    scf.if %cond3A_45 {
      %get3A_46 = arith.constant 0 : index
      %get3A_47 = arith.constant 0 : index
      %get3A_48 = vector.load %arg10[%get3A_46, %get3A_47] : memref<16x512xf32, #tpu.memory_space<vmem>>, vector<16x512xf32>
      %get3A_49 = arith.constant 0 : index
      %get3A_50 = arith.constant 0 : index
      %get3A_51 = vector.load %arg11[%get3A_49, %get3A_50] : memref<16x128xf32, #tpu.memory_space<vmem>>, vector<16x128xf32>
      %slice3A = vector.extract_strided_slice %get3A_51 {offsets = [0, 0], sizes = [16, 1], strides = [1, 1]} : vector<16x128xf32> to vector<16x1xf32>
      %max3A = arith.constant 1.000000e+00 : f32
      %max3A_52 = vector.broadcast %max3A : f32 to vector<16x1xf32>
      %max3A_53 = arith.maximumf %slice3A, %max3A_52 : vector<16x1xf32>
      %div3A_54 = vector.broadcast %max3A_53 : vector<16x1xf32> to vector<16x512xf32>
      %div3A_55 = arith.divf %get3A_48, %div3A_54 : vector<16x512xf32>
      %get3A_56 = arith.constant 0 : index
      %get3A_57 = arith.constant 0 : index
      %get3A_58 = vector.load %arg7[%get3A_56, %get3A_57] : memref<512x64xf32, #tpu.memory_space<vmem>>, vector<512x64xf32>
      %dot_general3A_59 = arith.constant dense<0.000000e+00> : vector<16x64xf32>
      %dot_general3A_60 = tpu.matmul %div3A_55, %get3A_58, %dot_general3A_59 {dimension_numbers = #tpu.dot_dimension_numbers<[1], [0], [0], [1], [0, 0, 1, 1], [], []>, transpose_lhs_hint = false} : vector<16x512xf32>, vector<512x64xf32>, vector<16x64xf32> -> vector<16x64xf32>
      %get3A_61 = arith.constant 0 : index
      %get3A_62 = arith.constant 0 : index
      %get3A_63 = vector.load %arg8[%get3A_61, %get3A_62] : memref<1x64xf32, #tpu.memory_space<vmem>>, vector<1x64xf32>
      %add3A_64 = vector.broadcast %get3A_63 : vector<1x64xf32> to vector<16x64xf32>
      %add3A_65 = arith.addf %dot_general3A_60, %add3A_64 : vector<16x64xf32>
      %reduce_max3A = arith.constant dense<0xFF800000> : vector<16xf32>
      %reduce_max3A_66 = vector.multi_reduction <maximumf>, %add3A_65, %reduce_max3A [1] : vector<16x64xf32> to vector<16xf32>
      %broadcast_in_dim3A_67 = vector.shape_cast %reduce_max3A_66 : vector<16xf32> to vector<16x1xf32>
      %sub3A = vector.broadcast %broadcast_in_dim3A_67 : vector<16x1xf32> to vector<16x64xf32>
      %sub3A_68 = arith.subf %add3A_65, %sub3A : vector<16x64xf32>
      %exp3A = math.exp %sub3A_68 : vector<16x64xf32>
      %sub3A_69 = vector.broadcast %broadcast_in_dim3A_67 : vector<16x1xf32> to vector<16x64xf32>
      %sub3A_70 = arith.subf %add3A_65, %sub3A_69 : vector<16x64xf32>
      %reduce_sum3A = arith.constant dense<0.000000e+00> : vector<16xf32>
      %reduce_sum3A_71 = vector.multi_reduction <add>, %exp3A, %reduce_sum3A [1] : vector<16x64xf32> to vector<16xf32>
      %broadcast_in_dim3A_72 = vector.shape_cast %reduce_sum3A_71 : vector<16xf32> to vector<16x1xf32>
      %log3A = math.log %broadcast_in_dim3A_72 : vector<16x1xf32>
      %sub3A_73 = vector.broadcast %log3A : vector<16x1xf32> to vector<16x64xf32>
      %sub3A_74 = arith.subf %sub3A_70, %sub3A_73 : vector<16x64xf32>
      %swap3A_75 = arith.constant 0 : index
      %swap3A_76 = arith.constant 0 : index
      %swap3A_77 = vector.load %arg9[%swap3A_75, %swap3A_76] : memref<16x64xf32, #tpu.memory_space<vmem>>, vector<16x64xf32>
      tpu.vector_store %arg9[%swap3A_75, %swap3A_76], %sub3A_74 {strides = array<i32>} : memref<16x64xf32, #tpu.memory_space<vmem>>, vector<16x64xf32>,
    } else {
    }
    return
  }
  func.func @transform_0(%arg0: i32) -> (i32, i32) {
    %c0_i32 = arith.constant 0 : i32
    %c0_i32_0 = arith.constant 0 : i32
    return %arg0, %c0_i32 : i32, i32
  }
  func.func @transform_1(%arg0: i32) -> (i32, i32) {
    %c0_i32 = arith.constant 0 : i32
    %c0_i32_0 = arith.constant 0 : i32
    return %arg0, %c0_i32 : i32, i32
  }
  func.func @transform_2(%arg0: i32) -> (i32, i32) {
    %c0_i32 = arith.constant 0 : i32
    %c0_i32_0 = arith.constant 0 : i32
    return %arg0, %c0_i32 : i32, i32
  }
  func.func @transform_3(%arg0: i32) -> (i32, i32) {
    %c0_i32 = arith.constant 0 : i32
    %c0_i32_0 = arith.constant 0 : i32
    return %arg0, %c0_i32 : i32, i32
  }
  func.func @transform_4(%arg0: i32) -> (i32, i32) {
    %c0_i32 = arith.constant 0 : i32
    %c0_i32_0 = arith.constant 0 : i32
    return %arg0, %c0_i32 : i32, i32
  }
  func.func @transform_5(%arg0: i32) -> (i32, i32) {
    %c0_i32 = arith.constant 0 : i32
    %c0_i32_0 = arith.constant 0 : i32
    return %arg0, %c0_i32 : i32, i32
  }
  func.func @transform_6(%arg0: i32) -> (i32, i32) {
    %c0_i32 = arith.constant 0 : i32
    %c0_i32_0 = arith.constant 0 : i32
    %c0_i32_1 = arith.constant 0 : i32
    return %c0_i32, %c0_i32_0 : i32, i32
  }
  func.func @transform_7(%arg0: i32) -> (i32, i32) {
    %c0_i32 = arith.constant 0 : i32
    %c0_i32_0 = arith.constant 0 : i32
    %c0_i32_1 = arith.constant 0 : i32
    return %c0_i32, %c0_i32_0 : i32, i32
  }
  func.func @transform_8(%arg0: i32) -> (i32, i32) {
    %c0_i32 = arith.constant 0 : i32
    %c0_i32_0 = arith.constant 0 : i32
    %c0_i32_1 = arith.constant 0 : i32
    return %c0_i32, %c0_i32_0 : i32, i32
  }
}

</mosaic_0001>

<sc_bundles>
// kernel: closed_call.17.cloned.1.call-start
scs
__scs_entry_jumppad:
0x0: {  	(pc) =	sbr.rel $0x88, $3  }
0x1: {  	(tag) =	ssettag $0x0;
	lr =	simm.s32 $0x1  }
0x2: {  	[smem:$0x3F98] =	sst lr;
	_ =	strace $0xD0000000  }
0x3: {  	_ = 	snop  }
0x4: {  	_ = 	snop  }
0x5: {  	_ = 	snop  }
0x6: {  	_ = 	snop  }
0x7: {  	_ = 	snop  }
__scs_overlays_trampoline_lowered:
0x8: {  	[smem:$0x3FA7] =	sst s0  }
0x9: {  	[smem:$0x3FA8] =	sst s1  }
0xa: {  	[smem:$0x3FA9] =	sst s2  }
0xb: {  	[smem:$0x3FAA] =	sst s3  }
0xc: {  	[smem:$0x3FAB] =	sst s4  }
0xd: {  	[smem:$0x3FAC] =	sst s5  }
0xe: {  	[smem:$0x3FAD] =	sst s6  }
0xf: {  	[smem:$0x3FAE] =	sst s7  }
0x10: {  	[smem:$0x3FAF] =	sst s8  }
0x11: {  	[smem:$0x3FB0] =	sst s9;
	s0 =	simm.s32 @!p0 $0x0  }
0x12: {  	s1 =	sld [smem:$0x3F96];
	s0 =	simm.s32 @p0 $0x1  }
0x13: {  	[smem:$0x3FB1] =	sst s0;
	s0 =	simm.s32 @!p1 $0x0  }
0x14: {  	s2 =	sld [smem:$0x3F95];
	s0 =	simm.s32 @p1 $0x1  }
0x15: {  	[smem:$0x3FB2] =	sst s0;
	s0 =	simm.s32 @!p2 $0x0  }
0x16: {  	s3 =	sld [smem:$0x3FDB];
	s0 =	simm.s32 @p2 $0x1  }
0x17: {  	s4 =	simm.s32 $0x1BF5;
	[smem:$0x3FB4] =	sst s0  }
0x18: {  	s0 =	sld [smem:$0x3F97];
	_ =	swait.ge [sflag:s4], $0x0  }
0x19: {  	s7 =	sld [smem:$0x3F98]  }
0x1a: {  	s8 =	sadd.s32 $0xFFFFE003, lr  }
0x1b: {  	s9 =	sadd.s32 $0xFFFFFEF7, lr;
	s5 =	simm.s32 $0xFFFFFFFF;
	p2 =	slt.u32 s8, $0xFFFFF086  }
0x1c: {  	p1 =	slt.u32 s9, $0xF7A;
	s5 =	simm.s32 @!p2 $0x0  }
0x1d: {  	s5 =	simm.s32 @p1 $0x1;
	p0 =	seq.s32 s7, s2  }
0x1e: {  	s7 =	smul.u32 @!p0 $0xF7A, s2;
	p2 =	seq.s32 @!p0 s5, $0x0  }
0x1f: {  	s9 =	smul.u32 $0xF7A, s1;
	s8 =	simm.s32 @!p0 $0x1BF5;
	p2 =	por !p2, p0  }
0x20: {  	[sflag:s8] =	ssyncset.s32 @!p0 $0xFFFFF086;
	s6 =	sadd.s32 @!p0 s3, s7;
	s7 =	simm.s32 @!p0 $0x108  }
0x21: {  	s3 =	sadd.s32 s3, s9;
	s6 =	sadd.s32 @!p0 $0x88, s6;
	s7 =	simm.s32 @p2 $0x1082  }
0x22: {  	[simem:s7], [sflag:s8] =	dma.local @!p0 [hbm:s6], $0xF7A  }
0x23: {  	s9 =	sor.u32 $0xD0000000, s2;
	s6 =	simm.s32 $0x108;
	_ =	swait.ge @!p0 [sflag:s8], $0x0  }
0x24: {  	s3 =	sadd.s32 $0x88, s3;
	s6 =	simm.s32 @!p1 $0x1082;
	[sflag:s4] =	ssyncset.s32 $0xFFFFF086  }
0x25: {  	[simem:s6], [sflag:s4] =	dma.local [hbm:s3], $0xF7A  }
0x26: {  	[smem:$0x3F98] =	sst s1;
	(tag) =	ssettag s2;
	_ =	strace s9  }
0x27: {  	s1 =	sld [smem:$0x3FA8]  }
0x28: {  	s2 =	sld [smem:$0x3FA9]  }
0x29: {  	s4 =	sld [smem:$0x3FAB]  }
0x2a: {  	p0 =	seq.s32 s5, $0x0;
	s5 =	sld [smem:$0x3FAC]  }
0x2b: {  	s6 =	sld [smem:$0x3FAD]  }
0x2c: {  	s7 =	sld [smem:$0x3FAE]  }
0x2d: {  	s3 =	simm.s32 $0x108;
	s8 =	sld [smem:$0x3FAF]  }
0x2e: {  	s3 =	simm.s32 @!p0 $0x1082;
	s9 =	sld [smem:$0x3FB0]  }
0x2f: {  	lr =	sadd.s32 s0, s3;
	s0 =	sld [smem:$0x3FA7]  }
0x30: {  	s3 =	sld [smem:$0x3FAA]  }
0x31: {  	[smem:$0x3FB3] =	sst s10  }
0x32: {  	s10 =	sld [smem:$0x3FB1];
	_ =	sdelay $0x3  }
0x33: {  	p0 =	seq.s32 s10, $0x1;
	s10 =	sld [smem:$0x3FB3];
	_ =	sdelay $0x3  }
0x34: {  	[smem:$0x3FB3] =	sst s10  }
0x35: {  	s10 =	sld [smem:$0x3FB2];
	_ =	sdelay $0x3  }
0x36: {  	p1 =	seq.s32 s10, $0x1;
	s10 =	sld [smem:$0x3FB3];
	_ =	sdelay $0x3  }
0x37: {  	[smem:$0x3FB3] =	sst s10  }
0x38: {  	s10 =	sld [smem:$0x3FB4]  }
0x39: {  	_ = 	snop;
	(pc) =	sbr.ind lr, $3  }
0x3a: {  	_ = 	snop  }
0x3b: {  	_ = 	snop  }
0x3c: {  	p2 =	seq.s32 s10, $0x1;
	s10 =	sld [smem:$0x3FB3]  }
0x3d: {  	_ =	shalt  }
0x3e: {  	_ =	shalt  }
0x3f: {  	_ =	shalt  }
0x40: {  	_ =	shalt  }
0x41: {  	_ =	shalt  }
0x42: {  	_ =	shalt  }
0x43: {  	_ =	shalt  }
0x44: {  	_ =	shalt  }
0x45: {  	_ =	shalt  }
0x46: {  	_ =	shalt  }
0x47: {  	_ =	shalt  }
0x48: {  	_ =	shalt  }
0x49: {  	_ =	shalt  }
0x4a: {  	_ =	shalt  }
0x4b: {  	_ =	shalt  }
0x4c: {  	_ =	shalt  }
0x4d: {  	_ =	shalt  }
0x4e: {  	_ =	shalt  }
0x4f: {  	_ =	shalt  }
0x50: {  	_ =	shalt  }
0x51: {  	_ =	shalt  }
0x52: {  	_ =	shalt  }
0x53: {  	_ =	shalt  }
0x54: {  	_ =	shalt  }
0x55: {  	_ =	shalt  }
0x56: {  	_ =	shalt  }
0x57: {  	_ =	shalt  }
0x58: {  	_ =	shalt  }
0x59: {  	_ =	shalt  }
0x5a: {  	_ =	shalt  }
0x5b: {  	_ =	shalt  }
0x5c: {  	_ =	shalt  }
0x5d: {  	_ =	shalt  }
0x5e: {  	_ =	shalt  }
0x5f: {  	_ =	shalt  }
0x60: {  	_ =	shalt  }
0x61: {  	_ =	shalt  }
0x62: {  	_ =	shalt  }
0x63: {  	_ =	shalt  }
0x64: {  	_ =	shalt  }
0x65: {  	_ =	shalt  }
0x66: {  	_ =	shalt  }
0x67: {  	_ =	shalt  }
0x68: {  	_ =	shalt  }
0x69: {  	_ =	shalt  }
0x6a: {  	_ =	shalt  }
0x6b: {  	_ =	shalt  }
0x6c: {  	_ =	shalt  }
0x6d: {  	_ =	shalt  }
0x6e: {  	_ =	shalt  }
0x6f: {  	_ =	shalt  }
0x70: {  	_ =	shalt  }
0x71: {  	_ =	shalt  }
0x72: {  	_ =	shalt  }
0x73: {  	_ =	shalt  }
0x74: {  	_ =	shalt  }
0x75: {  	_ =	shalt  }
0x76: {  	_ =	shalt  }
0x77: {  	_ =	shalt  }
0x78: {  	_ =	shalt  }
0x79: {  	_ =	shalt  }
0x7a: {  	_ =	shalt  }
0x7b: {  	_ =	shalt  }
0x7c: {  	_ =	shalt  }
0x7d: {  	_ =	shalt  }
0x7e: {  	_ =	shalt  }
0x7f: {  	_ =	shalt  }
0x80: {  	_ =	shalt  }
0x81: {  	_ =	shalt  }
0x82: {  	_ =	shalt  }
0x83: {  	_ =	shalt  }
0x84: {  	_ =	shalt  }
0x85: {  	_ =	shalt  }
0x86: {  	_ =	shalt  }
0x87: {  	_ =	shalt  }
.Lfunc_end0:
.L_simem_size_0:
called_computation_lowered:
.L_overlay_start_0:
0x88: {  	s2 =	sld [smem:$0x3FD9]  }
0x89: {  	s3 =	sld [smem:$0x3FFE];
	_ =	sdelay $0x1  }
0x8a: {  	s1 =	srdreg.scid  }
0x8b: {  	s0 =	sand.u32 $0x1, s1  }
0x8c: {  	s17 =	sshll.u32 s0, $0xA;
	s2 =	sadd.s32 s3, s2  }
0x8d: {  	s2 =	sadd.s32 s2, s17  }
0x8e: {  	[smem:$0x3FBF] =	sst s2  }
0x8f: {  	_ = 	snop  }
0x90: {  	s2 =	sld [smem:$0x3FD0];
	(tm) =	ssettm $0x1  }
0x91: {  	s18 =	sld [smem:$0x3FFB];
	_ =	sdelay $0x3  }
0x92: {  	_ =	strace s18  }
0x93: {  	s3 =	sld [smem:$0x3FFC];
	_ =	sdelay $0x3  }
0x94: {  	_ =	strace s3  }
0x95: {  	s3 =	sld [smem:$0x3FFD];
	_ =	sdelay $0x3  }
0x96: {  	_ =	strace s3  }
0x97: {  	_ =	strace $0x8FFFFFFF  }
0x98: {  	s19 =	sld [smem:$0x3FDB];
	_ =	sdelay $0x1  }
0x99: {  	s4 =	simm.s32 $_scs_section_size  }
0x9a: {  	s5 =	simm.s32 $_size__tile_overlayer_lowered;
	s6 =	simm.s32 $_tile_overlayer_lowered  }
0x9b: {  	s22 =	simm.s32 $0x1BFF;
	s21 =	sshll.u32 s6, $0x1;
	s3 =	sadd.s32 s4, s19  }
0x9c: {  	s7 =	simm.s32 $0x0;
	s20 =	sshll.u32 s5, $0x1;
	s5 =	sadd.s32 s21, s3  }
0x9d: {  	[timem:s7], [sflag:s22] =	dma.local [hbm:s5], s20  }
0x9e: {  	_ =	swait.ge [sflag:s22], s20  }
0x9f: {  	s4 =	ssub.s32 $0x0, s20;
	[sflag:s22] =	ssyncset.done $0x0  }
0xa0: {  	[sflag:s22] =	ssyncadd.s32 s4;
	_ =	sdelay $0x1  }
0xa1: {  	s23 =	simm.s32 $0x1B8B  }
0xa2: {  	_ =	swait.ge [sflag:s23], $0x1  }
0xa3: {  	[sflag:s23] =	ssyncset.done $0x0  }
0xa4: {  	s25 =	simm.s32 $0x1B8E;
	s24 =	sld [smem:$0x3FFE];
	[sflag:s23] =	ssyncadd.s32 $0xFFFFFFFF  }
0xa5: {  	s26 =	simm.s32 $execute0_lowered;
	[smem:$0x3FD2] =	sst s25  }
0xa6: {  	s5 =	sshll.u32 s26, $0x1;
	_ =	strace $0x80000049;
	[dreg:$0x1] =	wrdreg $0xFFFFFFFF  }
0xa7: {  	s28 =	simm.s32 $_size_execute0_lowered;
	s3 =	sadd.s32 s3, s5;
	[dreg:$0x0] =	wrdreg $0x0  }
0xa8: {  	s5 =	sshll.u32 s28, $0x1;
	[dreg:$0x2] =	wrdreg s3  }
0xa9: {  	[dreg:$0x3] =	wrdreg s5  }
0xaa: {  	[dreg:$0x4] =	wrdreg $0xC0  }
0xab: {  	_ =	task [dreg:s7], $0x5FFFF  }
0xac: {  	[dreg:$0x1] =	wrdreg $0xFFFFFFFF  }
0xad: {  	[dreg:$0x0] =	wrdreg $0x60  }
0xae: {  	[dreg:$0x2] =	wrdreg s24  }
0xaf: {  	[dreg:$0x3] =	wrdreg s2  }
0xb0: {  	[dreg:$0x4] =	wrdreg $0x150800  }
0xb1: {  	[dreg:$0x5] =	wrdreg $0x9  }
0xb2: {  	_ =	task.clear_ibuf [dreg:s7], $0x6FFFF;
	_ =	strace $0x90000049  }
0xb3: {  	s29 =	simm.s32 $0x9;
	_ =	strace $0x8000004B  }
0xb4: {  	_ =	swait.ge [sflag:s29], $0x1  }
0xb5: {  	[sflag:s29] =	ssyncadd.s32 $0xFFFFFFFF  }
0xb6: {  	_ =	strace $0x9000004B  }
0xb7: {  	_ =	sfence  }
0xb8: {  	s30 =	sld [smem:$0x0];
	_ =	sdelay $0x2  }
0xb9: {  	s31 =	sshll.u32 s1, $0xD;
	s1 =	sshrl.u32 s1, $0x2  }
0xba: {  	s3 =	sand.u32 $0x4000, s31;
	s1 =	sadd.s32 s1, s30  }
0xbb: {  	s0 =	sor.u32 s3, s0;
	s1 =	sshll.u32 s1, $0x11  }
0xbc: {  	s0 =	sor.u32 s1, s0  }
0xbd: {  	s0 =	sadd.s32 $0x8F2B, s0  }
0xbe: {  	[sflag:s0] =	ssyncadd.remote.s32 $0x1  }
0xbf: {  	_ =	sfence.sel $0xFFFF  }
0xc0: {  	[dreg:$0x0] =	wrdreg $0xFFFFFFFF;
	(pc) =	sbr.abs _section_cstart, $3  }
0xc1: {  	[dreg:$0x1] =	wrdreg $0xFFFFFFFF  }
0xc2: {  	_ =	task.clear_ibuf [dreg:s7], $0x2FFFF;
	_ =	strace $0x9FFFFFFF  }
0xc3: {  	(tm) =	ssettm $0x7FFFFFFF  }
tec
execute0_lowered:
.L_overlay_start_1:
0x0: {  	(tag) =	ssettag $0x1  }
0x1: {  	s0 =	rddreg [dreg:$0x0]  }
0x2: {  	s2 =	rddreg [dreg:$0x2]  }
0x3: {  	s1 =	srdreg.scid;
	s3 =	simm.s32 $0x0;
	s4 =	stileid.u32  }
0x4: {  	s17 =	simm.s32 $0x9;
	s16 =	simm.s32 $0x100;
	s28 =	simm.s32 $0x1  }
0x5: {  	s30 =	simm.s32 $0x11080;
	s31 =	simm.s32 $0x2;
	s15 =	simm.s32 $0x7  }
0x6: {  	s29 =	simm.s32 $0x0;
	s9 =	smul.u32 $0x500, s4;
	s5 =	sadd.s32 $0x105A00, s0  }
0x7: {  	s1 =	sand.u32 $0x1, s1;
	s6 =	sadd.s32 $0x12DA00, s0;
	s7 =	sadd.s32 $0x155A00, s0  }
0x8: {  	[smem:$0x7FF] =	sst s3;
	s11 =	smul.u32 $0x140, s4;
	s8 =	sadd.s32 $0x17DA00, s0  }
0x9: {  	s13 =	smul.u32 $0x28000, s4;
	s26 =	sshll.u32 s4, $0x6;
	s18 =	sshll.u32 s1, $0x4  }
0xa: {  	_ =	strace $0x8000004A;
	s10 =	smul.u32 $0x1400, s1;
	s1 =	ssub.s32 $0x2, s1  }
0xb: {  	s3 =	sor.u32 s4, s18;
	s12 =	sadd.s32 s9, s0;
	s9 =	sadd.s32 $0x1A5A00, s0  }
0xc: {  	s19 =	sshrl.u32 s1, $0x1;
	s21 =	sshrl.u32 s13, $0x2;
	s18 =	simm.s32 $0x2800  }
0xd: {  	s13 =	simm.s32 $0x4;
	s3 =	smul.u32 $0x500, s3;
	s10 =	sadd.s32 s11, s10  }
0xe: {  	s1 =	ssub.s32 s1, s19;
	s20 =	sadd.s32 $0x3C00, s12;
	s19 =	simm.s32 $0x3  }
0xf: {  	s11 =	simm.s32 $0x6;
	s10 =	sshll.u32 s10, $0x4;
	[dreg:$0x4] =	wrdreg s20  }
0x10: {  	s25 =	smax.u32 s1, $0x1;
	s20 =	sor.u32 $0x1C09, s26;
	s3 =	sadd.s32 s3, s0  }
0x11: {  	s0 =	sadd.s32 s10, s0;
	[dreg:$0xa] =	wrdreg s25;
	s3 =	sadd.s32 $0xFBA00, s3  }
0x12: {  	s26 =	simm.s32 $0xD080;
	s22 =	sadd.s32 $0x1A6E00, s0;
	[dreg:$0x5] =	wrdreg s3  }
.Ltmp0:
0x13: {  	s23 =	sadd.s32 $0x1CEE00, s0;
	[dreg:$0x6] =	wrdreg s22;
	(pc) =	sbr.rel .LBB2_1-.Ltmp0, $4  }
0x14: {  	s25 =	simm.s32 $0x8;
	s24 =	sadd.s32 $0x1F6E00, s0;
	[dreg:$0x7] =	wrdreg s23  }
0x15: {  	s0 =	sadd.s32 $0x21EE00, s0;
	s3 =	sadd.s32 s21, s2;
	[dreg:$0x8] =	wrdreg s24  }
0x16: {  	[dreg:$0x9] =	wrdreg s0;
	s22 =	simm.s32 $0x80;
	s23 =	simm.s32 $0x5080  }
0x17: {  	s24 =	simm.s32 $0x9080;
	s21 =	sshrl.u32 s3, $0x3;
	s3 =	simm.s32 $0x5  }
.LBB2_20:
0x18: {  	_ =	swait.ge [sflag:s25], $0x4000  }
0x19: {  	[sflag:s25] =	ssyncset.done $0x0  }
0x1a: {  	[sflag:s25] =	ssyncadd.s32 $0xFFFFC000  }
.LBB2_21:
0x1b: {  	[bflag:$0x0] =	sbarrier.arrive $0xFFFF  }
0x1c: {  	s0 =	rddreg [dreg:$0x9]  }
0x1d: {  	[hbm:s0], [sflag:s20] =	dma.local [spmem:s21], $0x1400  }
0x1e: {  	_ =	swait.ge [sflag:s17], $0x1400  }
0x1f: {  	s29 =	sadd.s32 $0x1, s29;
	s14 =	rddreg [dreg:$0xa]  }
0x20: {  	p0 =	sne.s32 s29, s14  }
.Ltmp1:
0x21: {  	_ = 	snop;
	(pc) =	sbr.rel @!p0 .LBB2_22-.Ltmp1, $3  }
0x22: {  	[sflag:s17] =	ssyncset.done $0x0  }
0x23: {  	[sflag:s17] =	ssyncadd.s32 $0xFFFFEC00  }
0x24: {  	[bflag:$0x0] =	sbarrier.arrive $0xFFFF;
	_ =	sdelay $0x1  }
.LBB2_1:
0x25: {  	s1 =	simm.s32 $0x0;
	s0 =	rddreg [dreg:$0x4]  }
0x26: {  	[tilespmem:s1], [sflag:$0x9] =	stream.linear.gather [hbm4b:s0+s1], $0x2800, $0x38;
	[tilespmem:$0x1F480] =	vst v63  }
0x27: {  	_ =	swait.ge [sflag:s17], $0x2800  }
0x28: {  	[sflag:s17] =	ssyncset.done $0x0  }
0x29: {  	s12 =	rddreg [dreg:$0x5];
	[sflag:s17] =	ssyncadd.s32 $0xFFFFD800  }
0x2a: {  	[tilespmem:s18], [sflag:$0x9] =	stream.linear.gather [hbm4b:s12+s1], $0x2800, $0x38;
	[tilespmem:$0x1F480] =	vst v63  }
0x2b: {  	_ =	swait.ge [sflag:s17], $0x2800  }
0x2c: {  	[sflag:s17] =	ssyncset.done $0x0  }
0x2d: {  	[sflag:s17] =	ssyncadd.s32 $0xFFFFD800  }
0x2e: {  	s4 =	simm.s32 $0x5000;
	s14 =	rddreg [dreg:$0x1]  }
0x2f: {  	[tilespmem:s4], [sflag:$0x9] =	stream.linear.gather [hbm4b:s14+s1], $0x80, $0x38;
	[tilespmem:$0x1F480] =	vst v63  }
0x30: {  	_ =	swait.ge [sflag:s17], $0x80  }
0x31: {  	[sflag:s17] =	ssyncset.done $0x0  }
0x32: {  	[sflag:s17] =	ssyncadd.s32 $0xFFFFFF80  }
0x33: {  	v0 =	vld [tilespmem:$0x5000];
	_ =	sdelay $0x4  }
0x34: {  	(v2sf) =	vpush v0, $0x0;
	_ =	sdelay $0xe  }
0x35: {  	s0 =	spop (v2sf)  }
0x36: {  	[spmem:s21], [sflag:s20] =	dma.local [hbm:s9], $0x1400  }
0x37: {  	p0 =	slt.s32 s0, $0x0  }
.Ltmp2:
0x38: {  	_ =	swait.ge [sflag:s17], $0x1400;
	(pc) =	sbr.rel @p0 .LBB2_6-.Ltmp2, $3  }
0x39: {  	[sflag:s17] =	ssyncset.done $0x0  }
0x3a: {  	[sflag:s17] =	ssyncadd.s32 $0xFFFFEC00  }
0x3b: {  	[bflag:$0x0] =	sbarrier.arrive $0xFFFF;
	_ =	sdelay $0x1  }
0x3c: {  	s1 =	simm.s32 $0x0  }
0x3d: {  	[tilespmem:s23], [sflag:$0x1] =	stream.indirect.gather [hbm4b:s5+s22], $0x80, s1, s22, $0xb8;
	[tilespmem:$0x1F480] =	vst v63  }
0x3e: {  	_ = 	snop  }
0x3f: {  	[tilespmem:s24], [sflag:$0x2] =	stream.indirect.gather [hbm4b:s5+s22], $0x80, s22, s22, $0xb8;
	[tilespmem:$0x1F480] =	vst v63  }
0x40: {  	_ = 	snop  }
0x41: {  	[tilespmem:s26], [sflag:$0x3] =	stream.indirect.gather [hbm4b:s5+s22], $0x80, s16, s22, $0xb8;
	[tilespmem:$0x1F480] =	vst v63  }
0x42: {  	_ =	swait.ge [sflag:s28], $0x4000  }
0x43: {  	[sflag:s28] =	ssyncset.done $0x0  }
0x44: {  	[sflag:s28] =	ssyncadd.s32 $0xFFFFC000  }
0x45: {  	[spmem:s2] =	stream.indirect.scatter.add.f32 [tilespmem:s23], [sflag:$0x5], $0x80, s18, s22, $0xb8;
	[tilespmem:$0x1F480] =	vst v63  }
0x46: {  	s4 =	simm.s32 $0x180  }
0x47: {  	[tilespmem:s30], [sflag:$0x4] =	stream.indirect.gather [hbm4b:s5+s22], $0x80, s4, s22, $0xb8;
	[tilespmem:$0x1F480] =	vst v63  }
0x48: {  	_ =	swait.ge [sflag:s31], $0x4000  }
0x49: {  	[sflag:s31] =	ssyncset.done $0x0  }
0x4a: {  	s14 =	simm.s32 $0x2880;
	[sflag:s31] =	ssyncadd.s32 $0xFFFFC000  }
0x4b: {  	[spmem:s2] =	stream.indirect.scatter.add.f32 [tilespmem:s24], [sflag:$0x6], $0x80, s14, s22, $0xb8;
	[tilespmem:$0x1F480] =	vst v63  }
0x4c: {  	_ =	swait.ge [sflag:s3], $0x4000  }
0x4d: {  	[sflag:s3] =	ssyncset.done $0x0  }
0x4e: {  	s16 =	simm.s32 $0x200;
	[sflag:s3] =	ssyncadd.s32 $0xFFFFC000  }
0x4f: {  	[tilespmem:s23], [sflag:$0x1] =	stream.indirect.gather [hbm4b:s5+s22], $0x80, s16, s22, $0xb8;
	[tilespmem:$0x1F480] =	vst v63  }
0x50: {  	_ =	swait.ge [sflag:s19], $0x4000  }
0x51: {  	[sflag:s19] =	ssyncset.done $0x0  }
0x52: {  	s10 =	simm.s32 $0x2900;
	[sflag:s19] =	ssyncadd.s32 $0xFFFFC000  }
0x53: {  	[spmem:s2] =	stream.indirect.scatter.add.f32 [tilespmem:s26], [sflag:$0x7], $0x80, s10, s22, $0xb8;
	[tilespmem:$0x1F480] =	vst v63  }
0x54: {  	_ =	swait.ge [sflag:s11], $0x4000  }
0x55: {  	[sflag:s11] =	ssyncset.done $0x0  }
0x56: {  	s12 =	simm.s32 $0x280;
	[sflag:s11] =	ssyncadd.s32 $0xFFFFC000  }
0x57: {  	[tilespmem:s24], [sflag:$0x2] =	stream.indirect.gather [hbm4b:s5+s22], $0x80, s12, s22, $0xb8;
	[tilespmem:$0x1F480] =	vst v63  }
0x58: {  	_ =	swait.ge [sflag:s13], $0x4000  }
0x59: {  	[sflag:s13] =	ssyncset.done $0x0  }
0x5a: {  	s14 =	simm.s32 $0x2980;
	[sflag:s13] =	ssyncadd.s32 $0xFFFFC000  }
0x5b: {  	[spmem:s2] =	stream.indirect.scatter.add.f32 [tilespmem:s30], [sflag:$0x8], $0x80, s14, s22, $0xb8;
	[tilespmem:$0x1F480] =	vst v63  }
0x5c: {  	_ =	swait.ge [sflag:s15], $0x4000  }
0x5d: {  	[sflag:s15] =	ssyncset.done $0x0  }
0x5e: {  	s16 =	simm.s32 $0x300;
	[sflag:s15] =	ssyncadd.s32 $0xFFFFC000  }
0x5f: {  	[tilespmem:s26], [sflag:$0x3] =	stream.indirect.gather [hbm4b:s5+s22], $0x80, s16, s22, $0xb8;
	[tilespmem:$0x1F480] =	vst v63  }
.LBB2_3:
0x60: {  	_ =	swait.ge [sflag:s28], $0x4000  }
0x61: {  	s10 =	sshra.s32 s1, $0x2;
	[sflag:s28] =	ssyncset.done $0x0  }
0x62: {  	s12 =	sadd.s32 $0x2A00, s10;
	[sflag:s28] =	ssyncadd.s32 $0xFFFFC000  }
0x63: {  	[spmem:s2] =	stream.indirect.scatter.add.f32 [tilespmem:s23], [sflag:$0x5], $0x80, s12, s22, $0xb8;
	[tilespmem:$0x1F480] =	vst v63  }
0x64: {  	_ =	swait.ge [sflag:s25], $0x4000  }
0x65: {  	[sflag:s25] =	ssyncset.done $0x0  }
0x66: {  	s4 =	sadd.s32 $0x380, s10;
	[sflag:s25] =	ssyncadd.s32 $0xFFFFC000  }
0x67: {  	[tilespmem:s30], [sflag:$0x4] =	stream.indirect.gather [hbm4b:s5+s22], $0x80, s4, s22, $0xb8;
	[tilespmem:$0x1F480] =	vst v63  }
0x68: {  	_ =	swait.ge [sflag:s31], $0x4000  }
0x69: {  	[sflag:s31] =	ssyncset.done $0x0  }
0x6a: {  	s14 =	sadd.s32 $0x2A80, s10;
	[sflag:s31] =	ssyncadd.s32 $0xFFFFC000  }
0x6b: {  	[spmem:s2] =	stream.indirect.scatter.add.f32 [tilespmem:s24], [sflag:$0x6], $0x80, s14, s22, $0xb8;
	[tilespmem:$0x1F480] =	vst v63  }
0x6c: {  	_ =	swait.ge [sflag:s3], $0x4000  }
0x6d: {  	p1 =	seq.s32 s1, $0x9000;
	[sflag:s3] =	ssyncset.done $0x0  }
0x6e: {  	s12 =	simm.s32 @p1 $0x3;
	[sflag:s3] =	ssyncadd.s32 $0xFFFFC000  }
0x6f: {  	_ =	swait.ge @p1 [sflag:s12], $0x4000  }
0x70: {  	[sflag:s12] =	ssyncset.done @p1 $0x0  }
0x71: {  	[sflag:s12] =	ssyncadd.s32 @p1 $0xFFFFC000;
	s12 =	sshra.s32 @p1 s1, $0x2  }
0x72: {  	s16 =	simm.s32 @p1 $0xD080;
	s14 =	simm.s32 @p1 $0x80;
	s12 =	sadd.s32 @p1 $0x2B00, s12  }
0x73: {  	[spmem:s2] =	stream.indirect.scatter.add.f32 @p1 [tilespmem:s16], [sflag:$0x7], $0x80, s12, s14, $0xb8;
	[tilespmem:$0x1F480] =	vst v63  }
0x74: {  	s12 =	simm.s32 @p1 $0x6  }
0x75: {  	_ =	swait.ge @p1 [sflag:s12], $0x4000  }
0x76: {  	[sflag:s12] =	ssyncset.done @p1 $0x0  }
0x77: {  	[sflag:s12] =	ssyncadd.s32 @p1 $0xFFFFC000;
	s12 =	sshra.s32 @!p1 s1, $0x2  }
0x78: {  	s4 =	simm.s32 @!p1 $0x5080;
	s16 =	simm.s32 @!p1 $0x80;
	s14 =	sadd.s32 @!p1 $0x400, s12  }
0x79: {  	[tilespmem:s4], [sflag:$0x1] =	stream.indirect.gather @!p1 [hbm4b:s5+s16], $0x80, s14, s16, $0xb8;
	[tilespmem:$0x1F480] =	vst v63  }
0x7a: {  	s4 =	simm.s32 @!p1 $0x3  }
0x7b: {  	_ =	swait.ge @!p1 [sflag:s4], $0x4000  }
0x7c: {  	[sflag:s4] =	ssyncset.done @!p1 $0x0  }
0x7d: {  	s14 =	simm.s32 @!p1 $0xD080;
	[sflag:s4] =	ssyncadd.s32 @!p1 $0xFFFFC000;
	s4 =	sadd.s32 @!p1 $0x2B00, s12  }
0x7e: {  	[spmem:s2] =	stream.indirect.scatter.add.f32 @!p1 [tilespmem:s14], [sflag:$0x7], $0x80, s4, s16, $0xb8;
	[tilespmem:$0x1F480] =	vst v63  }
0x7f: {  	s4 =	simm.s32 @!p1 $0x6  }
0x80: {  	_ =	swait.ge @!p1 [sflag:s4], $0x4000  }
0x81: {  	[sflag:s4] =	ssyncset.done @!p1 $0x0  }
0x82: {  	[sflag:s4] =	ssyncadd.s32 @!p1 $0xFFFFC000;
	s4 =	sadd.s32 @!p1 $0x480, s12;
	s12 =	simm.s32 @!p1 $0x9080  }
0x83: {  	[tilespmem:s12], [sflag:$0x2] =	stream.indirect.gather @!p1 [hbm4b:s5+s16], $0x80, s4, s16, $0xb8;
	[tilespmem:$0x1F480] =	vst v63  }
0x84: {  	_ =	swait.ge [sflag:s13], $0x4000  }
0x85: {  	[sflag:s13] =	ssyncset.done $0x0  }
.Ltmp3:
0x86: {  	s16 =	sadd.s32 $0x2B80, s10;
	[sflag:s13] =	ssyncadd.s32 $0xFFFFC000;
	(pc) =	sbr.rel @p1 .LBB2_5-.Ltmp3, $4  }
0x87: {  	[spmem:s2] =	stream.indirect.scatter.add.f32 [tilespmem:s30], [sflag:$0x8], $0x80, s16, s22, $0xb8;
	[tilespmem:$0x1F480] =	vst v63  }
0x88: {  	_ =	swait.ge [sflag:s15], $0x4000  }
0x89: {  	[sflag:s15] =	ssyncset.done $0x0  }
0x8a: {  	[sflag:s15] =	ssyncadd.s32 $0xFFFFC000  }
.Ltmp4:
0x8b: {  	(pc) =	sbr.rel .LBB2_3-.Ltmp4, $3  }
0x8c: {  	_ =	sdelay $0x1  }
0x8d: {  	s4 =	sadd.s32 $0x500, s10;
	s1 =	sadd.s32 $0x800, s1  }
0x8e: {  	[tilespmem:s26], [sflag:$0x3] =	stream.indirect.gather [hbm4b:s5+s22], $0x80, s4, s22, $0xb8;
	[tilespmem:$0x1F480] =	vst v63  }
.LBB2_5:
0x8f: {  	_ =	swait.ge [sflag:s25], $0x4000  }
0x90: {  	[sflag:s25] =	ssyncset.done $0x0  }
0x91: {  	s16 =	simm.s32 $0x100;
	[sflag:s25] =	ssyncadd.s32 $0xFFFFC000  }
.LBB2_6:
0x92: {  	[bflag:$0x0] =	sbarrier.arrive $0xFFFF  }
0x93: {  	s1 =	rddreg [dreg:$0x6]  }
0x94: {  	[hbm:s1], [sflag:s20] =	dma.local [spmem:s21], $0x1400  }
0x95: {  	_ =	swait.ge [sflag:s17], $0x1400  }
0x96: {  	[sflag:s17] =	ssyncset.done $0x0  }
0x97: {  	[sflag:s17] =	ssyncadd.s32 $0xFFFFEC00  }
0x98: {  	[bflag:$0x0] =	sbarrier.arrive $0xFFFF  }
0x99: {  	[spmem:s21], [sflag:s20] =	dma.local [hbm:s9], $0x1400  }
.Ltmp5:
0x9a: {  	_ =	swait.ge [sflag:s17], $0x1400;
	(pc) =	sbr.rel @p0 .LBB2_11-.Ltmp5, $3  }
0x9b: {  	[sflag:s17] =	ssyncset.done $0x0  }
0x9c: {  	[sflag:s17] =	ssyncadd.s32 $0xFFFFEC00  }
0x9d: {  	[bflag:$0x0] =	sbarrier.arrive $0xFFFF;
	_ =	sdelay $0x1  }
0x9e: {  	s1 =	simm.s32 $0x0  }
0x9f: {  	[tilespmem:s23], [sflag:$0x1] =	stream.indirect.gather [hbm4b:s6+s22], $0x80, s1, s22, $0xb8;
	[tilespmem:$0x1F480] =	vst v63  }
0xa0: {  	_ = 	snop  }
0xa1: {  	[tilespmem:s24], [sflag:$0x2] =	stream.indirect.gather [hbm4b:s6+s22], $0x80, s22, s22, $0xb8;
	[tilespmem:$0x1F480] =	vst v63  }
0xa2: {  	_ = 	snop  }
0xa3: {  	[tilespmem:s26], [sflag:$0x3] =	stream.indirect.gather [hbm4b:s6+s22], $0x80, s16, s22, $0xb8;
	[tilespmem:$0x1F480] =	vst v63  }
0xa4: {  	_ =	swait.ge [sflag:s28], $0x4000  }
0xa5: {  	[sflag:s28] =	ssyncset.done $0x0  }
0xa6: {  	[sflag:s28] =	ssyncadd.s32 $0xFFFFC000  }
0xa7: {  	[spmem:s2] =	stream.indirect.scatter.add.f32 [tilespmem:s23], [sflag:$0x5], $0x80, s18, s22, $0xb8;
	[tilespmem:$0x1F480] =	vst v63  }
0xa8: {  	s4 =	simm.s32 $0x180  }
0xa9: {  	[tilespmem:s30], [sflag:$0x4] =	stream.indirect.gather [hbm4b:s6+s22], $0x80, s4, s22, $0xb8;
	[tilespmem:$0x1F480] =	vst v63  }
0xaa: {  	_ =	swait.ge [sflag:s31], $0x4000  }
0xab: {  	[sflag:s31] =	ssyncset.done $0x0  }
0xac: {  	s14 =	simm.s32 $0x2880;
	[sflag:s31] =	ssyncadd.s32 $0xFFFFC000  }
0xad: {  	[spmem:s2] =	stream.indirect.scatter.add.f32 [tilespmem:s24], [sflag:$0x6], $0x80, s14, s22, $0xb8;
	[tilespmem:$0x1F480] =	vst v63  }
0xae: {  	_ =	swait.ge [sflag:s3], $0x4000  }
0xaf: {  	[sflag:s3] =	ssyncset.done $0x0  }
0xb0: {  	s16 =	simm.s32 $0x200;
	[sflag:s3] =	ssyncadd.s32 $0xFFFFC000  }
0xb1: {  	[tilespmem:s23], [sflag:$0x1] =	stream.indirect.gather [hbm4b:s6+s22], $0x80, s16, s22, $0xb8;
	[tilespmem:$0x1F480] =	vst v63  }
0xb2: {  	_ =	swait.ge [sflag:s19], $0x4000  }
0xb3: {  	[sflag:s19] =	ssyncset.done $0x0  }
0xb4: {  	s10 =	simm.s32 $0x2900;
	[sflag:s19] =	ssyncadd.s32 $0xFFFFC000  }
0xb5: {  	[spmem:s2] =	stream.indirect.scatter.add.f32 [tilespmem:s26], [sflag:$0x7], $0x80, s10, s22, $0xb8;
	[tilespmem:$0x1F480] =	vst v63  }
0xb6: {  	_ =	swait.ge [sflag:s11], $0x4000  }
0xb7: {  	[sflag:s11] =	ssyncset.done $0x0  }
0xb8: {  	s12 =	simm.s32 $0x280;
	[sflag:s11] =	ssyncadd.s32 $0xFFFFC000  }
0xb9: {  	[tilespmem:s24], [sflag:$0x2] =	stream.indirect.gather [hbm4b:s6+s22], $0x80, s12, s22, $0xb8;
	[tilespmem:$0x1F480] =	vst v63  }
0xba: {  	_ =	swait.ge [sflag:s13], $0x4000  }
0xbb: {  	[sflag:s13] =	ssyncset.done $0x0  }
0xbc: {  	s14 =	simm.s32 $0x2980;
	[sflag:s13] =	ssyncadd.s32 $0xFFFFC000  }
0xbd: {  	[spmem:s2] =	stream.indirect.scatter.add.f32 [tilespmem:s30], [sflag:$0x8], $0x80, s14, s22, $0xb8;
	[tilespmem:$0x1F480] =	vst v63  }
0xbe: {  	_ =	swait.ge [sflag:s15], $0x4000  }
0xbf: {  	[sflag:s15] =	ssyncset.done $0x0  }
0xc0: {  	s16 =	simm.s32 $0x300;
	[sflag:s15] =	ssyncadd.s32 $0xFFFFC000  }
0xc1: {  	[tilespmem:s26], [sflag:$0x3] =	stream.indirect.gather [hbm4b:s6+s22], $0x80, s16, s22, $0xb8;
	[tilespmem:$0x1F480] =	vst v63  }
.LBB2_8:
0xc2: {  	_ =	swait.ge [sflag:s28], $0x4000  }
0xc3: {  	s10 =	sshra.s32 s1, $0x2;
	[sflag:s28] =	ssyncset.done $0x0  }
0xc4: {  	s4 =	sadd.s32 $0x2A00, s10;
	[sflag:s28] =	ssyncadd.s32 $0xFFFFC000  }
0xc5: {  	[spmem:s2] =	stream.indirect.scatter.add.f32 [tilespmem:s23], [sflag:$0x5], $0x80, s4, s22, $0xb8;
	[tilespmem:$0x1F480] =	vst v63  }
0xc6: {  	_ =	swait.ge [sflag:s25], $0x4000  }
0xc7: {  	[sflag:s25] =	ssyncset.done $0x0  }
0xc8: {  	s12 =	sadd.s32 $0x380, s10;
	[sflag:s25] =	ssyncadd.s32 $0xFFFFC000  }
0xc9: {  	[tilespmem:s30], [sflag:$0x4] =	stream.indirect.gather [hbm4b:s6+s22], $0x80, s12, s22, $0xb8;
	[tilespmem:$0x1F480] =	vst v63  }
0xca: {  	_ =	swait.ge [sflag:s31], $0x4000  }
0xcb: {  	[sflag:s31] =	ssyncset.done $0x0  }
0xcc: {  	s14 =	sadd.s32 $0x2A80, s10;
	[sflag:s31] =	ssyncadd.s32 $0xFFFFC000  }
0xcd: {  	[spmem:s2] =	stream.indirect.scatter.add.f32 [tilespmem:s24], [sflag:$0x6], $0x80, s14, s22, $0xb8;
	[tilespmem:$0x1F480] =	vst v63  }
0xce: {  	_ =	swait.ge [sflag:s3], $0x4000  }
0xcf: {  	p0 =	seq.s32 s1, $0x9000;
	[sflag:s3] =	ssyncset.done $0x0  }
0xd0: {  	s4 =	simm.s32 @p0 $0x3;
	[sflag:s3] =	ssyncadd.s32 $0xFFFFC000  }
0xd1: {  	_ =	swait.ge @p0 [sflag:s4], $0x4000  }
0xd2: {  	[sflag:s4] =	ssyncset.done @p0 $0x0  }
0xd3: {  	[sflag:s4] =	ssyncadd.s32 @p0 $0xFFFFC000;
	s4 =	sshra.s32 @p0 s1, $0x2  }
0xd4: {  	s12 =	simm.s32 @p0 $0x80;
	s14 =	simm.s32 @p0 $0xD080;
	s4 =	sadd.s32 @p0 $0x2B00, s4  }
0xd5: {  	[spmem:s2] =	stream.indirect.scatter.add.f32 @p0 [tilespmem:s14], [sflag:$0x7], $0x80, s4, s12, $0xb8;
	[tilespmem:$0x1F480] =	vst v63  }
0xd6: {  	s4 =	simm.s32 @p0 $0x6  }
0xd7: {  	_ =	swait.ge @p0 [sflag:s4], $0x4000  }
0xd8: {  	[sflag:s4] =	ssyncset.done @p0 $0x0  }
0xd9: {  	[sflag:s4] =	ssyncadd.s32 @p0 $0xFFFFC000;
	s4 =	sshra.s32 @!p0 s1, $0x2  }
0xda: {  	s16 =	simm.s32 @!p0 $0x5080;
	s14 =	simm.s32 @!p0 $0x80;
	s12 =	sadd.s32 @!p0 $0x400, s4  }
0xdb: {  	[tilespmem:s16], [sflag:$0x1] =	stream.indirect.gather @!p0 [hbm4b:s6+s14], $0x80, s12, s14, $0xb8;
	[tilespmem:$0x1F480] =	vst v63  }
0xdc: {  	s12 =	simm.s32 @!p0 $0x3  }
0xdd: {  	_ =	swait.ge @!p0 [sflag:s12], $0x4000  }
0xde: {  	[sflag:s12] =	ssyncset.done @!p0 $0x0  }
0xdf: {  	s16 =	simm.s32 @!p0 $0xD080;
	[sflag:s12] =	ssyncadd.s32 @!p0 $0xFFFFC000;
	s12 =	sadd.s32 @!p0 $0x2B00, s4  }
0xe0: {  	[spmem:s2] =	stream.indirect.scatter.add.f32 @!p0 [tilespmem:s16], [sflag:$0x7], $0x80, s12, s14, $0xb8;
	[tilespmem:$0x1F480] =	vst v63  }
0xe1: {  	s12 =	simm.s32 @!p0 $0x6  }
0xe2: {  	_ =	swait.ge @!p0 [sflag:s12], $0x4000  }
0xe3: {  	[sflag:s12] =	ssyncset.done @!p0 $0x0  }
0xe4: {  	s4 =	sadd.s32 @!p0 $0x480, s4;
	[sflag:s12] =	ssyncadd.s32 @!p0 $0xFFFFC000;
	s12 =	simm.s32 @!p0 $0x9080  }
0xe5: {  	[tilespmem:s12], [sflag:$0x2] =	stream.indirect.gather @!p0 [hbm4b:s6+s14], $0x80, s4, s14, $0xb8;
	[tilespmem:$0x1F480] =	vst v63  }
0xe6: {  	_ =	swait.ge [sflag:s13], $0x4000  }
0xe7: {  	[sflag:s13] =	ssyncset.done $0x0  }
.Ltmp6:
0xe8: {  	s16 =	sadd.s32 $0x2B80, s10;
	[sflag:s13] =	ssyncadd.s32 $0xFFFFC000;
	(pc) =	sbr.rel @p0 .LBB2_10-.Ltmp6, $4  }
0xe9: {  	[spmem:s2] =	stream.indirect.scatter.add.f32 [tilespmem:s30], [sflag:$0x8], $0x80, s16, s22, $0xb8;
	[tilespmem:$0x1F480] =	vst v63  }
0xea: {  	_ =	swait.ge [sflag:s15], $0x4000  }
0xeb: {  	[sflag:s15] =	ssyncset.done $0x0  }
0xec: {  	[sflag:s15] =	ssyncadd.s32 $0xFFFFC000  }
.Ltmp7:
0xed: {  	(pc) =	sbr.rel .LBB2_8-.Ltmp7, $3  }
0xee: {  	_ =	sdelay $0x1  }
0xef: {  	s4 =	sadd.s32 $0x500, s10;
	s1 =	sadd.s32 $0x800, s1  }
0xf0: {  	[tilespmem:s26], [sflag:$0x3] =	stream.indirect.gather [hbm4b:s6+s22], $0x80, s4, s22, $0xb8;
	[tilespmem:$0x1F480] =	vst v63  }
.LBB2_10:
0xf1: {  	_ =	swait.ge [sflag:s25], $0x4000  }
0xf2: {  	[sflag:s25] =	ssyncset.done $0x0  }
0xf3: {  	s16 =	simm.s32 $0x100;
	[sflag:s25] =	ssyncadd.s32 $0xFFFFC000  }
.LBB2_11:
0xf4: {  	[bflag:$0x0] =	sbarrier.arrive $0xFFFF  }
0xf5: {  	s1 =	rddreg [dreg:$0x7]  }
0xf6: {  	[hbm:s1], [sflag:s20] =	dma.local [spmem:s21], $0x1400  }
0xf7: {  	_ =	swait.ge [sflag:s17], $0x1400  }
0xf8: {  	[sflag:s17] =	ssyncset.done $0x0  }
0xf9: {  	[sflag:s17] =	ssyncadd.s32 $0xFFFFEC00  }
0xfa: {  	p0 =	slt.s32 s0, $0x1;
	[bflag:$0x0] =	sbarrier.arrive $0xFFFF  }
0xfb: {  	[spmem:s21], [sflag:s20] =	dma.local [hbm:s9], $0x1400  }
.Ltmp8:
0xfc: {  	_ =	swait.ge [sflag:s17], $0x1400;
	(pc) =	sbr.rel @p0 .LBB2_16-.Ltmp8, $3  }
0xfd: {  	[sflag:s17] =	ssyncset.done $0x0  }
0xfe: {  	[sflag:s17] =	ssyncadd.s32 $0xFFFFEC00  }
0xff: {  	[bflag:$0x0] =	sbarrier.arrive $0xFFFF;
	_ =	sdelay $0x1  }
0x100: {  	s0 =	simm.s32 $0x0  }
0x101: {  	[tilespmem:s23], [sflag:$0x1] =	stream.indirect.gather [hbm4b:s7+s22], $0x80, s0, s22, $0xb8;
	[tilespmem:$0x1F480] =	vst v63  }
0x102: {  	_ = 	snop  }
0x103: {  	[tilespmem:s24], [sflag:$0x2] =	stream.indirect.gather [hbm4b:s7+s22], $0x80, s22, s22, $0xb8;
	[tilespmem:$0x1F480] =	vst v63  }
0x104: {  	_ = 	snop  }
0x105: {  	[tilespmem:s26], [sflag:$0x3] =	stream.indirect.gather [hbm4b:s7+s22], $0x80, s16, s22, $0xb8;
	[tilespmem:$0x1F480] =	vst v63  }
0x106: {  	_ =	swait.ge [sflag:s28], $0x4000  }
0x107: {  	[sflag:s28] =	ssyncset.done $0x0  }
0x108: {  	[sflag:s28] =	ssyncadd.s32 $0xFFFFC000  }
0x109: {  	[spmem:s2] =	stream.indirect.scatter.add.f32 [tilespmem:s23], [sflag:$0x5], $0x80, s18, s22, $0xb8;
	[tilespmem:$0x1F480] =	vst v63  }
0x10a: {  	s1 =	simm.s32 $0x180  }
0x10b: {  	[tilespmem:s30], [sflag:$0x4] =	stream.indirect.gather [hbm4b:s7+s22], $0x80, s1, s22, $0xb8;
	[tilespmem:$0x1F480] =	vst v63  }
0x10c: {  	_ =	swait.ge [sflag:s31], $0x4000  }
0x10d: {  	[sflag:s31] =	ssyncset.done $0x0  }
0x10e: {  	s12 =	simm.s32 $0x2880;
	[sflag:s31] =	ssyncadd.s32 $0xFFFFC000  }
0x10f: {  	[spmem:s2] =	stream.indirect.scatter.add.f32 [tilespmem:s24], [sflag:$0x6], $0x80, s12, s22, $0xb8;
	[tilespmem:$0x1F480] =	vst v63  }
0x110: {  	_ =	swait.ge [sflag:s3], $0x4000  }
0x111: {  	[sflag:s3] =	ssyncset.done $0x0  }
0x112: {  	s14 =	simm.s32 $0x200;
	[sflag:s3] =	ssyncadd.s32 $0xFFFFC000  }
0x113: {  	[tilespmem:s23], [sflag:$0x1] =	stream.indirect.gather [hbm4b:s7+s22], $0x80, s14, s22, $0xb8;
	[tilespmem:$0x1F480] =	vst v63  }
0x114: {  	_ =	swait.ge [sflag:s19], $0x4000  }
0x115: {  	[sflag:s19] =	ssyncset.done $0x0  }
0x116: {  	s4 =	simm.s32 $0x2900;
	[sflag:s19] =	ssyncadd.s32 $0xFFFFC000  }
0x117: {  	[spmem:s2] =	stream.indirect.scatter.add.f32 [tilespmem:s26], [sflag:$0x7], $0x80, s4, s22, $0xb8;
	[tilespmem:$0x1F480] =	vst v63  }
0x118: {  	_ =	swait.ge [sflag:s11], $0x4000  }
0x119: {  	[sflag:s11] =	ssyncset.done $0x0  }
0x11a: {  	s10 =	simm.s32 $0x280;
	[sflag:s11] =	ssyncadd.s32 $0xFFFFC000  }
0x11b: {  	[tilespmem:s24], [sflag:$0x2] =	stream.indirect.gather [hbm4b:s7+s22], $0x80, s10, s22, $0xb8;
	[tilespmem:$0x1F480] =	vst v63  }
0x11c: {  	_ =	swait.ge [sflag:s13], $0x4000  }
0x11d: {  	[sflag:s13] =	ssyncset.done $0x0  }
0x11e: {  	s12 =	simm.s32 $0x2980;
	[sflag:s13] =	ssyncadd.s32 $0xFFFFC000  }
0x11f: {  	[spmem:s2] =	stream.indirect.scatter.add.f32 [tilespmem:s30], [sflag:$0x8], $0x80, s12, s22, $0xb8;
	[tilespmem:$0x1F480] =	vst v63  }
0x120: {  	_ =	swait.ge [sflag:s15], $0x4000  }
0x121: {  	[sflag:s15] =	ssyncset.done $0x0  }
0x122: {  	s14 =	simm.s32 $0x300;
	[sflag:s15] =	ssyncadd.s32 $0xFFFFC000  }
0x123: {  	[tilespmem:s26], [sflag:$0x3] =	stream.indirect.gather [hbm4b:s7+s22], $0x80, s14, s22, $0xb8;
	[tilespmem:$0x1F480] =	vst v63  }
.LBB2_13:
0x124: {  	_ =	swait.ge [sflag:s28], $0x4000  }
0x125: {  	s1 =	sshra.s32 s0, $0x2;
	[sflag:s28] =	ssyncset.done $0x0  }
0x126: {  	s4 =	sadd.s32 $0x2A00, s1;
	[sflag:s28] =	ssyncadd.s32 $0xFFFFC000  }
0x127: {  	[spmem:s2] =	stream.indirect.scatter.add.f32 [tilespmem:s23], [sflag:$0x5], $0x80, s4, s22, $0xb8;
	[tilespmem:$0x1F480] =	vst v63  }
0x128: {  	_ =	swait.ge [sflag:s25], $0x4000  }
0x129: {  	[sflag:s25] =	ssyncset.done $0x0  }
0x12a: {  	s10 =	sadd.s32 $0x380, s1;
	[sflag:s25] =	ssyncadd.s32 $0xFFFFC000  }
0x12b: {  	[tilespmem:s30], [sflag:$0x4] =	stream.indirect.gather [hbm4b:s7+s22], $0x80, s10, s22, $0xb8;
	[tilespmem:$0x1F480] =	vst v63  }
0x12c: {  	_ =	swait.ge [sflag:s31], $0x4000  }
0x12d: {  	[sflag:s31] =	ssyncset.done $0x0  }
0x12e: {  	s12 =	sadd.s32 $0x2A80, s1;
	[sflag:s31] =	ssyncadd.s32 $0xFFFFC000  }
0x12f: {  	[spmem:s2] =	stream.indirect.scatter.add.f32 [tilespmem:s24], [sflag:$0x6], $0x80, s12, s22, $0xb8;
	[tilespmem:$0x1F480] =	vst v63  }
0x130: {  	_ =	swait.ge [sflag:s3], $0x4000  }
0x131: {  	p1 =	seq.s32 s0, $0x9000;
	[sflag:s3] =	ssyncset.done $0x0  }
0x132: {  	s4 =	simm.s32 @p1 $0x3;
	[sflag:s3] =	ssyncadd.s32 $0xFFFFC000  }
0x133: {  	_ =	swait.ge @p1 [sflag:s4], $0x4000  }
0x134: {  	[sflag:s4] =	ssyncset.done @p1 $0x0  }
0x135: {  	[sflag:s4] =	ssyncadd.s32 @p1 $0xFFFFC000;
	s4 =	sshra.s32 @p1 s0, $0x2  }
0x136: {  	s10 =	simm.s32 @p1 $0x80;
	s12 =	simm.s32 @p1 $0xD080;
	s4 =	sadd.s32 @p1 $0x2B00, s4  }
0x137: {  	[spmem:s2] =	stream.indirect.scatter.add.f32 @p1 [tilespmem:s12], [sflag:$0x7], $0x80, s4, s10, $0xb8;
	[tilespmem:$0x1F480] =	vst v63  }
0x138: {  	s4 =	simm.s32 @p1 $0x6  }
0x139: {  	_ =	swait.ge @p1 [sflag:s4], $0x4000  }
0x13a: {  	[sflag:s4] =	ssyncset.done @p1 $0x0  }
0x13b: {  	[sflag:s4] =	ssyncadd.s32 @p1 $0xFFFFC000;
	s4 =	sshra.s32 @!p1 s0, $0x2  }
0x13c: {  	s14 =	simm.s32 @!p1 $0x5080;
	s12 =	simm.s32 @!p1 $0x80;
	s10 =	sadd.s32 @!p1 $0x400, s4  }
0x13d: {  	[tilespmem:s14], [sflag:$0x1] =	stream.indirect.gather @!p1 [hbm4b:s7+s12], $0x80, s10, s12, $0xb8;
	[tilespmem:$0x1F480] =	vst v63  }
0x13e: {  	s10 =	simm.s32 @!p1 $0x3  }
0x13f: {  	_ =	swait.ge @!p1 [sflag:s10], $0x4000  }
0x140: {  	[sflag:s10] =	ssyncset.done @!p1 $0x0  }
0x141: {  	s14 =	simm.s32 @!p1 $0xD080;
	[sflag:s10] =	ssyncadd.s32 @!p1 $0xFFFFC000;
	s10 =	sadd.s32 @!p1 $0x2B00, s4  }
0x142: {  	[spmem:s2] =	stream.indirect.scatter.add.f32 @!p1 [tilespmem:s14], [sflag:$0x7], $0x80, s10, s12, $0xb8;
	[tilespmem:$0x1F480] =	vst v63  }
0x143: {  	s10 =	simm.s32 @!p1 $0x6  }
0x144: {  	_ =	swait.ge @!p1 [sflag:s10], $0x4000  }
0x145: {  	[sflag:s10] =	ssyncset.done @!p1 $0x0  }
0x146: {  	s4 =	sadd.s32 @!p1 $0x480, s4;
	[sflag:s10] =	ssyncadd.s32 @!p1 $0xFFFFC000;
	s10 =	simm.s32 @!p1 $0x9080  }
0x147: {  	[tilespmem:s10], [sflag:$0x2] =	stream.indirect.gather @!p1 [hbm4b:s7+s12], $0x80, s4, s12, $0xb8;
	[tilespmem:$0x1F480] =	vst v63  }
0x148: {  	_ =	swait.ge [sflag:s13], $0x4000  }
0x149: {  	[sflag:s13] =	ssyncset.done $0x0  }
.Ltmp9:
0x14a: {  	s14 =	sadd.s32 $0x2B80, s1;
	[sflag:s13] =	ssyncadd.s32 $0xFFFFC000;
	(pc) =	sbr.rel @p1 .LBB2_15-.Ltmp9, $4  }
0x14b: {  	[spmem:s2] =	stream.indirect.scatter.add.f32 [tilespmem:s30], [sflag:$0x8], $0x80, s14, s22, $0xb8;
	[tilespmem:$0x1F480] =	vst v63  }
0x14c: {  	_ =	swait.ge [sflag:s15], $0x4000  }
0x14d: {  	[sflag:s15] =	ssyncset.done $0x0  }
0x14e: {  	[sflag:s15] =	ssyncadd.s32 $0xFFFFC000  }
.Ltmp10:
0x14f: {  	(pc) =	sbr.rel .LBB2_13-.Ltmp10, $3  }
0x150: {  	_ =	sdelay $0x1  }
0x151: {  	s1 =	sadd.s32 $0x500, s1;
	s0 =	sadd.s32 $0x800, s0  }
0x152: {  	[tilespmem:s26], [sflag:$0x3] =	stream.indirect.gather [hbm4b:s7+s22], $0x80, s1, s22, $0xb8;
	[tilespmem:$0x1F480] =	vst v63  }
.LBB2_15:
0x153: {  	_ =	swait.ge [sflag:s25], $0x4000  }
0x154: {  	[sflag:s25] =	ssyncset.done $0x0  }
0x155: {  	[sflag:s25] =	ssyncadd.s32 $0xFFFFC000  }
.LBB2_16:
0x156: {  	[bflag:$0x0] =	sbarrier.arrive $0xFFFF  }
0x157: {  	s0 =	rddreg [dreg:$0x8]  }
0x158: {  	[hbm:s0], [sflag:s20] =	dma.local [spmem:s21], $0x1400  }
0x159: {  	_ =	swait.ge [sflag:s17], $0x1400  }
0x15a: {  	[sflag:s17] =	ssyncset.done $0x0  }
0x15b: {  	[sflag:s17] =	ssyncadd.s32 $0xFFFFEC00  }
0x15c: {  	[bflag:$0x0] =	sbarrier.arrive $0xFFFF  }
0x15d: {  	[spmem:s21], [sflag:s20] =	dma.local [hbm:s9], $0x1400  }
.Ltmp11:
0x15e: {  	_ =	swait.ge [sflag:s17], $0x1400;
	(pc) =	sbr.rel @p0 .LBB2_21-.Ltmp11, $3  }
0x15f: {  	[sflag:s17] =	ssyncset.done $0x0  }
0x160: {  	[sflag:s17] =	ssyncadd.s32 $0xFFFFEC00  }
0x161: {  	[bflag:$0x0] =	sbarrier.arrive $0xFFFF;
	_ =	sdelay $0x1  }
0x162: {  	s0 =	simm.s32 $0x0  }
0x163: {  	[tilespmem:s23], [sflag:$0x1] =	stream.indirect.gather [hbm4b:s8+s22], $0x80, s0, s22, $0xb8;
	[tilespmem:$0x1F480] =	vst v63  }
0x164: {  	_ = 	snop  }
0x165: {  	[tilespmem:s24], [sflag:$0x2] =	stream.indirect.gather [hbm4b:s8+s22], $0x80, s22, s22, $0xb8;
	[tilespmem:$0x1F480] =	vst v63  }
0x166: {  	_ = 	snop  }
0x167: {  	[tilespmem:s26], [sflag:$0x3] =	stream.indirect.gather [hbm4b:s8+s22], $0x80, s16, s22, $0xb8;
	[tilespmem:$0x1F480] =	vst v63  }
0x168: {  	_ =	swait.ge [sflag:s28], $0x4000  }
0x169: {  	[sflag:s28] =	ssyncset.done $0x0  }
0x16a: {  	[sflag:s28] =	ssyncadd.s32 $0xFFFFC000  }
0x16b: {  	[spmem:s2] =	stream.indirect.scatter.add.f32 [tilespmem:s23], [sflag:$0x5], $0x80, s18, s22, $0xb8;
	[tilespmem:$0x1F480] =	vst v63  }
0x16c: {  	s1 =	simm.s32 $0x180  }
0x16d: {  	[tilespmem:s30], [sflag:$0x4] =	stream.indirect.gather [hbm4b:s8+s22], $0x80, s1, s22, $0xb8;
	[tilespmem:$0x1F480] =	vst v63  }
0x16e: {  	_ =	swait.ge [sflag:s31], $0x4000  }
0x16f: {  	[sflag:s31] =	ssyncset.done $0x0  }
0x170: {  	s12 =	simm.s32 $0x2880;
	[sflag:s31] =	ssyncadd.s32 $0xFFFFC000  }
0x171: {  	[spmem:s2] =	stream.indirect.scatter.add.f32 [tilespmem:s24], [sflag:$0x6], $0x80, s12, s22, $0xb8;
	[tilespmem:$0x1F480] =	vst v63  }
0x172: {  	_ =	swait.ge [sflag:s3], $0x4000  }
0x173: {  	[sflag:s3] =	ssyncset.done $0x0  }
0x174: {  	s14 =	simm.s32 $0x200;
	[sflag:s3] =	ssyncadd.s32 $0xFFFFC000  }
0x175: {  	[tilespmem:s23], [sflag:$0x1] =	stream.indirect.gather [hbm4b:s8+s22], $0x80, s14, s22, $0xb8;
	[tilespmem:$0x1F480] =	vst v63  }
0x176: {  	_ =	swait.ge [sflag:s19], $0x4000  }
0x177: {  	[sflag:s19] =	ssyncset.done $0x0  }
0x178: {  	s4 =	simm.s32 $0x2900;
	[sflag:s19] =	ssyncadd.s32 $0xFFFFC000  }
0x179: {  	[spmem:s2] =	stream.indirect.scatter.add.f32 [tilespmem:s26], [sflag:$0x7], $0x80, s4, s22, $0xb8;
	[tilespmem:$0x1F480] =	vst v63  }
0x17a: {  	_ =	swait.ge [sflag:s11], $0x4000  }
0x17b: {  	[sflag:s11] =	ssyncset.done $0x0  }
0x17c: {  	s10 =	simm.s32 $0x280;
	[sflag:s11] =	ssyncadd.s32 $0xFFFFC000  }
0x17d: {  	[tilespmem:s24], [sflag:$0x2] =	stream.indirect.gather [hbm4b:s8+s22], $0x80, s10, s22, $0xb8;
	[tilespmem:$0x1F480] =	vst v63  }
0x17e: {  	_ =	swait.ge [sflag:s13], $0x4000  }
0x17f: {  	[sflag:s13] =	ssyncset.done $0x0  }
0x180: {  	s12 =	simm.s32 $0x2980;
	[sflag:s13] =	ssyncadd.s32 $0xFFFFC000  }
0x181: {  	[spmem:s2] =	stream.indirect.scatter.add.f32 [tilespmem:s30], [sflag:$0x8], $0x80, s12, s22, $0xb8;
	[tilespmem:$0x1F480] =	vst v63  }
0x182: {  	_ =	swait.ge [sflag:s15], $0x4000  }
0x183: {  	[sflag:s15] =	ssyncset.done $0x0  }
0x184: {  	s14 =	simm.s32 $0x300;
	[sflag:s15] =	ssyncadd.s32 $0xFFFFC000  }
0x185: {  	[tilespmem:s26], [sflag:$0x3] =	stream.indirect.gather [hbm4b:s8+s22], $0x80, s14, s22, $0xb8;
	[tilespmem:$0x1F480] =	vst v63  }
.LBB2_18:
0x186: {  	_ =	swait.ge [sflag:s28], $0x4000  }
0x187: {  	s1 =	sshra.s32 s0, $0x2;
	[sflag:s28] =	ssyncset.done $0x0  }
0x188: {  	s4 =	sadd.s32 $0x2A00, s1;
	[sflag:s28] =	ssyncadd.s32 $0xFFFFC000  }
0x189: {  	[spmem:s2] =	stream.indirect.scatter.add.f32 [tilespmem:s23], [sflag:$0x5], $0x80, s4, s22, $0xb8;
	[tilespmem:$0x1F480] =	vst v63  }
0x18a: {  	_ =	swait.ge [sflag:s25], $0x4000  }
0x18b: {  	[sflag:s25] =	ssyncset.done $0x0  }
0x18c: {  	s10 =	sadd.s32 $0x380, s1;
	[sflag:s25] =	ssyncadd.s32 $0xFFFFC000  }
0x18d: {  	[tilespmem:s30], [sflag:$0x4] =	stream.indirect.gather [hbm4b:s8+s22], $0x80, s10, s22, $0xb8;
	[tilespmem:$0x1F480] =	vst v63  }
0x18e: {  	_ =	swait.ge [sflag:s31], $0x4000  }
0x18f: {  	[sflag:s31] =	ssyncset.done $0x0  }
0x190: {  	s12 =	sadd.s32 $0x2A80, s1;
	[sflag:s31] =	ssyncadd.s32 $0xFFFFC000  }
0x191: {  	[spmem:s2] =	stream.indirect.scatter.add.f32 [tilespmem:s24], [sflag:$0x6], $0x80, s12, s22, $0xb8;
	[tilespmem:$0x1F480] =	vst v63  }
0x192: {  	_ =	swait.ge [sflag:s3], $0x4000  }
0x193: {  	p0 =	seq.s32 s0, $0x9000;
	[sflag:s3] =	ssyncset.done $0x0  }
0x194: {  	s4 =	simm.s32 @p0 $0x3;
	[sflag:s3] =	ssyncadd.s32 $0xFFFFC000  }
0x195: {  	_ =	swait.ge @p0 [sflag:s4], $0x4000  }
0x196: {  	[sflag:s4] =	ssyncset.done @p0 $0x0  }
0x197: {  	[sflag:s4] =	ssyncadd.s32 @p0 $0xFFFFC000;
	s4 =	sshra.s32 @p0 s0, $0x2  }
0x198: {  	s10 =	simm.s32 @p0 $0x80;
	s12 =	simm.s32 @p0 $0xD080;
	s4 =	sadd.s32 @p0 $0x2B00, s4  }
0x199: {  	[spmem:s2] =	stream.indirect.scatter.add.f32 @p0 [tilespmem:s12], [sflag:$0x7], $0x80, s4, s10, $0xb8;
	[tilespmem:$0x1F480] =	vst v63  }
0x19a: {  	s4 =	simm.s32 @p0 $0x6  }
0x19b: {  	_ =	swait.ge @p0 [sflag:s4], $0x4000  }
0x19c: {  	[sflag:s4] =	ssyncset.done @p0 $0x0  }
0x19d: {  	[sflag:s4] =	ssyncadd.s32 @p0 $0xFFFFC000;
	s4 =	sshra.s32 @!p0 s0, $0x2  }
0x19e: {  	s14 =	simm.s32 @!p0 $0x5080;
	s12 =	simm.s32 @!p0 $0x80;
	s10 =	sadd.s32 @!p0 $0x400, s4  }
0x19f: {  	[tilespmem:s14], [sflag:$0x1] =	stream.indirect.gather @!p0 [hbm4b:s8+s12], $0x80, s10, s12, $0xb8;
	[tilespmem:$0x1F480] =	vst v63  }
0x1a0: {  	s10 =	simm.s32 @!p0 $0x3  }
0x1a1: {  	_ =	swait.ge @!p0 [sflag:s10], $0x4000  }
0x1a2: {  	[sflag:s10] =	ssyncset.done @!p0 $0x0  }
0x1a3: {  	s14 =	simm.s32 @!p0 $0xD080;
	[sflag:s10] =	ssyncadd.s32 @!p0 $0xFFFFC000;
	s10 =	sadd.s32 @!p0 $0x2B00, s4  }
0x1a4: {  	[spmem:s2] =	stream.indirect.scatter.add.f32 @!p0 [tilespmem:s14], [sflag:$0x7], $0x80, s10, s12, $0xb8;
	[tilespmem:$0x1F480] =	vst v63  }
0x1a5: {  	s10 =	simm.s32 @!p0 $0x6  }
0x1a6: {  	_ =	swait.ge @!p0 [sflag:s10], $0x4000  }
0x1a7: {  	[sflag:s10] =	ssyncset.done @!p0 $0x0  }
0x1a8: {  	s4 =	sadd.s32 @!p0 $0x480, s4;
	[sflag:s10] =	ssyncadd.s32 @!p0 $0xFFFFC000;
	s10 =	simm.s32 @!p0 $0x9080  }
0x1a9: {  	[tilespmem:s10], [sflag:$0x2] =	stream.indirect.gather @!p0 [hbm4b:s8+s12], $0x80, s4, s12, $0xb8;
	[tilespmem:$0x1F480] =	vst v63  }
0x1aa: {  	_ =	swait.ge [sflag:s13], $0x4000  }
0x1ab: {  	[sflag:s13] =	ssyncset.done $0x0  }
.Ltmp12:
0x1ac: {  	s14 =	sadd.s32 $0x2B80, s1;
	[sflag:s13] =	ssyncadd.s32 $0xFFFFC000;
	(pc) =	sbr.rel @p0 .LBB2_20-.Ltmp12, $4  }
0x1ad: {  	[spmem:s2] =	stream.indirect.scatter.add.f32 [tilespmem:s30], [sflag:$0x8], $0x80, s14, s22, $0xb8;
	[tilespmem:$0x1F480] =	vst v63  }
0x1ae: {  	_ =	swait.ge [sflag:s15], $0x4000  }
0x1af: {  	[sflag:s15] =	ssyncset.done $0x0  }
0x1b0: {  	[sflag:s15] =	ssyncadd.s32 $0xFFFFC000  }
.Ltmp13:
0x1b1: {  	(pc) =	sbr.rel .LBB2_18-.Ltmp13, $3  }
0x1b2: {  	_ =	sdelay $0x1  }
0x1b3: {  	s1 =	sadd.s32 $0x500, s1;
	s0 =	sadd.s32 $0x800, s0  }
0x1b4: {  	[tilespmem:s26], [sflag:$0x3] =	stream.indirect.gather [hbm4b:s8+s22], $0x80, s1, s22, $0xb8;
	[tilespmem:$0x1F480] =	vst v63  }
.LBB2_22:
0x1b5: {  	_ =	sfence.sel $0x180000  }
0x1b6: {  	[bflag:$0x0] =	sbarrier.arrive $0xFFFF  }
0x1b7: {  	_ =	strace $0x9000004A  }
0x1b8: {  	s0 =	stileid.u32;
	[bflag:$0x2] =	sbarrier.arrive $0xFFFF  }
0x1b9: {  	p0 =	sne.s32 s0, $0x0;
	s0 =	rddreg [dreg:$0x3]  }
0x1ba: {  	s0 =	sadd.s32 @!p0 $0x100000, s0  }
0x1bb: {  	[sflag:s0] =	ssyncadd.tile.s32 @!p0 $0x1;
	_ =	shalt  }
.Lfunc_end2:
_tile_overlayer_lowered:
.L_overlay_start_2:
0x1bc: {  	(tag) =	ssettag $0x2  }
0x1bd: {  	s0 =	rddreg [dreg:$0x0];
	s2 =	stileid.u32  }
0x1be: {  	s1 =	rddreg [dreg:$0x1];
	p0 =	sne.s32 s2, $0x0  }
0x1bf: {  	s3 =	rddreg [dreg:$0x2];
	[bflag:$0x3] =	sbarrier.arrive $0xFFFF;
	s2 =	simm.s32 @!p0 $0x1C09  }
0x1c0: {  	[timem:s3], [sflag:s2] =	dma.local @!p0 [hbm:s0], s1  }
0x1c1: {  	s0 =	simm.s32 @!p0 $0x9  }
0x1c2: {  	_ =	swait.ge @!p0 [sflag:s0], s1  }
0x1c3: {  	s1 =	ssub.s32 @!p0 $0x0, s1;
	[sflag:s0] =	ssyncset.done @!p0 $0x0  }
0x1c4: {  	[sflag:s0] =	ssyncadd.s32 @!p0 s1  }
0x1c5: {  	[bflag:$0x3] =	sbarrier.arrive $0xFFFF  }
0x1c6: {  	_ =	shalt  }

// kernel: kernel.5.cloned.1.call-start
scs
__scs_entry_jumppad:
0x0: {  	(pc) =	sbr.rel $0x88, $3  }
0x1: {  	(tag) =	ssettag $0x0;
	lr =	simm.s32 $0x1  }
0x2: {  	[smem:$0x3F98] =	sst lr;
	_ =	strace $0xD0000000  }
0x3: {  	_ = 	snop  }
0x4: {  	_ = 	snop  }
0x5: {  	_ = 	snop  }
0x6: {  	_ = 	snop  }
0x7: {  	_ = 	snop  }
__scs_overlays_trampoline_lowered:
0x8: {  	[smem:$0x3FA7] =	sst s0  }
0x9: {  	[smem:$0x3FA8] =	sst s1  }
0xa: {  	[smem:$0x3FA9] =	sst s2  }
0xb: {  	[smem:$0x3FAA] =	sst s3  }
0xc: {  	[smem:$0x3FAB] =	sst s4  }
0xd: {  	[smem:$0x3FAC] =	sst s5  }
0xe: {  	[smem:$0x3FAD] =	sst s6  }
0xf: {  	[smem:$0x3FAE] =	sst s7  }
0x10: {  	[smem:$0x3FAF] =	sst s8  }
0x11: {  	[smem:$0x3FB0] =	sst s9;
	s0 =	simm.s32 @!p0 $0x0  }
0x12: {  	s1 =	sld [smem:$0x3F96];
	s0 =	simm.s32 @p0 $0x1  }
0x13: {  	[smem:$0x3FB1] =	sst s0;
	s0 =	simm.s32 @!p1 $0x0  }
0x14: {  	s2 =	sld [smem:$0x3F95];
	s0 =	simm.s32 @p1 $0x1  }
0x15: {  	[smem:$0x3FB2] =	sst s0;
	s0 =	simm.s32 @!p2 $0x0  }
0x16: {  	s3 =	sld [smem:$0x3FDB];
	s0 =	simm.s32 @p2 $0x1  }
0x17: {  	s4 =	simm.s32 $0x1BF5;
	[smem:$0x3FB4] =	sst s0  }
0x18: {  	s0 =	sld [smem:$0x3F97];
	_ =	swait.ge [sflag:s4], $0x0  }
0x19: {  	s7 =	sld [smem:$0x3F98]  }
0x1a: {  	s8 =	sadd.s32 $0xFFFFE003, lr  }
0x1b: {  	s9 =	sadd.s32 $0xFFFFFEF7, lr;
	s5 =	simm.s32 $0xFFFFFFFF;
	p2 =	slt.u32 s8, $0xFFFFF086  }
0x1c: {  	p1 =	slt.u32 s9, $0xF7A;
	s5 =	simm.s32 @!p2 $0x0  }
0x1d: {  	s5 =	simm.s32 @p1 $0x1;
	p0 =	seq.s32 s7, s2  }
0x1e: {  	s7 =	smul.u32 @!p0 $0xF7A, s2;
	p2 =	seq.s32 @!p0 s5, $0x0  }
0x1f: {  	s9 =	smul.u32 $0xF7A, s1;
	s8 =	simm.s32 @!p0 $0x1BF5;
	p2 =	por !p2, p0  }
0x20: {  	[sflag:s8] =	ssyncset.s32 @!p0 $0xFFFFF086;
	s6 =	sadd.s32 @!p0 s3, s7;
	s7 =	simm.s32 @!p0 $0x108  }
0x21: {  	s3 =	sadd.s32 s3, s9;
	s6 =	sadd.s32 @!p0 $0x88, s6;
	s7 =	simm.s32 @p2 $0x1082  }
0x22: {  	[simem:s7], [sflag:s8] =	dma.local @!p0 [hbm:s6], $0xF7A  }
0x23: {  	s9 =	sor.u32 $0xD0000000, s2;
	s6 =	simm.s32 $0x108;
	_ =	swait.ge @!p0 [sflag:s8], $0x0  }
0x24: {  	s3 =	sadd.s32 $0x88, s3;
	s6 =	simm.s32 @!p1 $0x1082;
	[sflag:s4] =	ssyncset.s32 $0xFFFFF086  }
0x25: {  	[simem:s6], [sflag:s4] =	dma.local [hbm:s3], $0xF7A  }
0x26: {  	[smem:$0x3F98] =	sst s1;
	(tag) =	ssettag s2;
	_ =	strace s9  }
0x27: {  	s1 =	sld [smem:$0x3FA8]  }
0x28: {  	s2 =	sld [smem:$0x3FA9]  }
0x29: {  	s4 =	sld [smem:$0x3FAB]  }
0x2a: {  	p0 =	seq.s32 s5, $0x0;
	s5 =	sld [smem:$0x3FAC]  }
0x2b: {  	s6 =	sld [smem:$0x3FAD]  }
0x2c: {  	s7 =	sld [smem:$0x3FAE]  }
0x2d: {  	s3 =	simm.s32 $0x108;
	s8 =	sld [smem:$0x3FAF]  }
0x2e: {  	s3 =	simm.s32 @!p0 $0x1082;
	s9 =	sld [smem:$0x3FB0]  }
0x2f: {  	lr =	sadd.s32 s0, s3;
	s0 =	sld [smem:$0x3FA7]  }
0x30: {  	s3 =	sld [smem:$0x3FAA]  }
0x31: {  	[smem:$0x3FB3] =	sst s10  }
0x32: {  	s10 =	sld [smem:$0x3FB1];
	_ =	sdelay $0x3  }
0x33: {  	p0 =	seq.s32 s10, $0x1;
	s10 =	sld [smem:$0x3FB3];
	_ =	sdelay $0x3  }
0x34: {  	[smem:$0x3FB3] =	sst s10  }
0x35: {  	s10 =	sld [smem:$0x3FB2];
	_ =	sdelay $0x3  }
0x36: {  	p1 =	seq.s32 s10, $0x1;
	s10 =	sld [smem:$0x3FB3];
	_ =	sdelay $0x3  }
0x37: {  	[smem:$0x3FB3] =	sst s10  }
0x38: {  	s10 =	sld [smem:$0x3FB4]  }
0x39: {  	_ = 	snop;
	(pc) =	sbr.ind lr, $3  }
0x3a: {  	_ = 	snop  }
0x3b: {  	_ = 	snop  }
0x3c: {  	p2 =	seq.s32 s10, $0x1;
	s10 =	sld [smem:$0x3FB3]  }
0x3d: {  	_ =	shalt  }
0x3e: {  	_ =	shalt  }
0x3f: {  	_ =	shalt  }
0x40: {  	_ =	shalt  }
0x41: {  	_ =	shalt  }
0x42: {  	_ =	shalt  }
0x43: {  	_ =	shalt  }
0x44: {  	_ =	shalt  }
0x45: {  	_ =	shalt  }
0x46: {  	_ =	shalt  }
0x47: {  	_ =	shalt  }
0x48: {  	_ =	shalt  }
0x49: {  	_ =	shalt  }
0x4a: {  	_ =	shalt  }
0x4b: {  	_ =	shalt  }
0x4c: {  	_ =	shalt  }
0x4d: {  	_ =	shalt  }
0x4e: {  	_ =	shalt  }
0x4f: {  	_ =	shalt  }
0x50: {  	_ =	shalt  }
0x51: {  	_ =	shalt  }
0x52: {  	_ =	shalt  }
0x53: {  	_ =	shalt  }
0x54: {  	_ =	shalt  }
0x55: {  	_ =	shalt  }
0x56: {  	_ =	shalt  }
0x57: {  	_ =	shalt  }
0x58: {  	_ =	shalt  }
0x59: {  	_ =	shalt  }
0x5a: {  	_ =	shalt  }
0x5b: {  	_ =	shalt  }
0x5c: {  	_ =	shalt  }
0x5d: {  	_ =	shalt  }
0x5e: {  	_ =	shalt  }
0x5f: {  	_ =	shalt  }
0x60: {  	_ =	shalt  }
0x61: {  	_ =	shalt  }
0x62: {  	_ =	shalt  }
0x63: {  	_ =	shalt  }
0x64: {  	_ =	shalt  }
0x65: {  	_ =	shalt  }
0x66: {  	_ =	shalt  }
0x67: {  	_ =	shalt  }
0x68: {  	_ =	shalt  }
0x69: {  	_ =	shalt  }
0x6a: {  	_ =	shalt  }
0x6b: {  	_ =	shalt  }
0x6c: {  	_ =	shalt  }
0x6d: {  	_ =	shalt  }
0x6e: {  	_ =	shalt  }
0x6f: {  	_ =	shalt  }
0x70: {  	_ =	shalt  }
0x71: {  	_ =	shalt  }
0x72: {  	_ =	shalt  }
0x73: {  	_ =	shalt  }
0x74: {  	_ =	shalt  }
0x75: {  	_ =	shalt  }
0x76: {  	_ =	shalt  }
0x77: {  	_ =	shalt  }
0x78: {  	_ =	shalt  }
0x79: {  	_ =	shalt  }
0x7a: {  	_ =	shalt  }
0x7b: {  	_ =	shalt  }
0x7c: {  	_ =	shalt  }
0x7d: {  	_ =	shalt  }
0x7e: {  	_ =	shalt  }
0x7f: {  	_ =	shalt  }
0x80: {  	_ =	shalt  }
0x81: {  	_ =	shalt  }
0x82: {  	_ =	shalt  }
0x83: {  	_ =	shalt  }
0x84: {  	_ =	shalt  }
0x85: {  	_ =	shalt  }
0x86: {  	_ =	shalt  }
0x87: {  	_ =	shalt  }
.Lfunc_end0:
.L_simem_size_0:
called_computation.1_lowered:
.L_overlay_start_0:
0x88: {  	s2 =	sld [smem:$0x3FD9]  }
0x89: {  	s3 =	sld [smem:$0x3FFE];
	_ =	sdelay $0x1  }
0x8a: {  	s1 =	srdreg.scid  }
0x8b: {  	s0 =	sand.u32 $0x1, s1  }
0x8c: {  	s17 =	sshll.u32 s0, $0xA;
	s2 =	sadd.s32 s3, s2  }
0x8d: {  	s2 =	sadd.s32 s2, s17  }
0x8e: {  	[smem:$0x3FBF] =	sst s2  }
0x8f: {  	_ = 	snop  }
0x90: {  	s2 =	sld [smem:$0x3FD0];
	(tm) =	ssettm $0x1  }
0x91: {  	s18 =	sld [smem:$0x3FFB];
	_ =	sdelay $0x3  }
0x92: {  	_ =	strace s18  }
0x93: {  	s3 =	sld [smem:$0x3FFC];
	_ =	sdelay $0x3  }
0x94: {  	_ =	strace s3  }
0x95: {  	s3 =	sld [smem:$0x3FFD];
	_ =	sdelay $0x3  }
0x96: {  	_ =	strace s3  }
0x97: {  	_ =	strace $0x8FFFFFFF  }
0x98: {  	s19 =	sld [smem:$0x3FDB];
	_ =	sdelay $0x1  }
0x99: {  	s4 =	simm.s32 $_scs_section_size  }
0x9a: {  	s5 =	simm.s32 $_size__tile_overlayer_lowered;
	s6 =	simm.s32 $_tile_overlayer_lowered  }
0x9b: {  	s22 =	simm.s32 $0x1BFF;
	s21 =	sshll.u32 s6, $0x1;
	s3 =	sadd.s32 s4, s19  }
0x9c: {  	s7 =	simm.s32 $0x0;
	s20 =	sshll.u32 s5, $0x1;
	s5 =	sadd.s32 s21, s3  }
0x9d: {  	[timem:s7], [sflag:s22] =	dma.local [hbm:s5], s20  }
0x9e: {  	_ =	swait.ge [sflag:s22], s20  }
0x9f: {  	s4 =	ssub.s32 $0x0, s20;
	[sflag:s22] =	ssyncset.done $0x0  }
0xa0: {  	[sflag:s22] =	ssyncadd.s32 s4;
	_ =	sdelay $0x1  }
0xa1: {  	s23 =	simm.s32 $0x1B8B  }
0xa2: {  	_ =	swait.ge [sflag:s23], $0x1  }
0xa3: {  	[sflag:s23] =	ssyncset.done $0x0  }
0xa4: {  	s25 =	simm.s32 $0x1B8E;
	s24 =	sld [smem:$0x3FFE];
	[sflag:s23] =	ssyncadd.s32 $0xFFFFFFFF  }
0xa5: {  	s26 =	simm.s32 $execute0_lowered;
	[smem:$0x3FD2] =	sst s25  }
0xa6: {  	s5 =	sshll.u32 s26, $0x1;
	_ =	strace $0x80000046;
	[dreg:$0x1] =	wrdreg $0xFFFFFFFF  }
0xa7: {  	s28 =	simm.s32 $_size_execute0_lowered;
	s3 =	sadd.s32 s3, s5;
	[dreg:$0x0] =	wrdreg $0x0  }
0xa8: {  	s5 =	sshll.u32 s28, $0x1;
	[dreg:$0x2] =	wrdreg s3  }
0xa9: {  	[dreg:$0x3] =	wrdreg s5  }
0xaa: {  	[dreg:$0x4] =	wrdreg $0xC0  }
0xab: {  	_ =	task [dreg:s7], $0x5FFFF  }
0xac: {  	[dreg:$0x1] =	wrdreg $0xFFFFFFFF  }
0xad: {  	[dreg:$0x0] =	wrdreg $0x60  }
0xae: {  	[dreg:$0x2] =	wrdreg s24  }
0xaf: {  	[dreg:$0x3] =	wrdreg s2  }
0xb0: {  	[dreg:$0x4] =	wrdreg $0x14800  }
0xb1: {  	[dreg:$0x5] =	wrdreg $0x9  }
0xb2: {  	_ =	task.clear_ibuf [dreg:s7], $0x6FFFF;
	_ =	strace $0x90000046  }
0xb3: {  	s29 =	simm.s32 $0x9;
	_ =	strace $0x80000048  }
0xb4: {  	_ =	swait.ge [sflag:s29], $0x1  }
0xb5: {  	[sflag:s29] =	ssyncadd.s32 $0xFFFFFFFF  }
0xb6: {  	_ =	strace $0x90000048  }
0xb7: {  	_ =	sfence  }
0xb8: {  	s30 =	sld [smem:$0x0];
	_ =	sdelay $0x2  }
0xb9: {  	s31 =	sshll.u32 s1, $0xD;
	s1 =	sshrl.u32 s1, $0x2  }
0xba: {  	s3 =	sand.u32 $0x4000, s31;
	s1 =	sadd.s32 s1, s30  }
0xbb: {  	s0 =	sor.u32 s3, s0;
	s1 =	sshll.u32 s1, $0x11  }
0xbc: {  	s0 =	sor.u32 s1, s0  }
0xbd: {  	s0 =	sadd.s32 $0x8F2B, s0  }
0xbe: {  	[sflag:s0] =	ssyncadd.remote.s32 $0x1  }
0xbf: {  	_ =	sfence.sel $0xFFFF  }
0xc0: {  	[dreg:$0x0] =	wrdreg $0xFFFFFFFF;
	(pc) =	sbr.abs _section_cstart, $3  }
0xc1: {  	[dreg:$0x1] =	wrdreg $0xFFFFFFFF  }
0xc2: {  	_ =	task.clear_ibuf [dreg:s7], $0x2FFFF;
	_ =	strace $0x9FFFFFFF  }
0xc3: {  	(tm) =	ssettm $0x7FFFFFFF  }
tec
execute0_lowered:
.L_overlay_start_1:
0x0: {  	(tag) =	ssettag $0x1  }
0x1: {  	s4 =	rddreg [dreg:$0x0]  }
0x2: {  	s0 =	rddreg [dreg:$0x1]  }
0x3: {  	s2 =	rddreg [dreg:$0x2]  }
0x4: {  	s3 =	simm.s32 $0x0;
	[dreg:$0x4] =	wrdreg s0  }
0x5: {  	s14 =	simm.s32 $0x100;
	[smem:$0x7FF] =	sst s3  }
0x6: {  	s15 =	simm.s32 $0x180;
	_ =	strace $0x80000047;
	[dreg:$0x7] =	wrdreg s14  }
0x7: {  	s16 =	simm.s32 $0x200;
	[dreg:$0x8] =	wrdreg s15  }
0x8: {  	s17 =	simm.s32 $0x280;
	[dreg:$0x9] =	wrdreg s16  }
0x9: {  	s18 =	simm.s32 $0x300;
	[dreg:$0xa] =	wrdreg s17  }
0xa: {  	s19 =	simm.s32 $0x380;
	[dreg:$0xb] =	wrdreg s18  }
0xb: {  	s1 =	srdreg.scid;
	s20 =	simm.s32 $0x400;
	[dreg:$0xc] =	wrdreg s19  }
0xc: {  	s13 =	stileid.u32;
	s21 =	simm.s32 $0x480;
	[dreg:$0xd] =	wrdreg s20  }
0xd: {  	s7 =	simm.s32 $0x9200;
	s22 =	simm.s32 $0x500;
	[dreg:$0xe] =	wrdreg s21  }
0xe: {  	s23 =	simm.s32 $0x580;
	s24 =	simm.s32 $0x600;
	[dreg:$0xf] =	wrdreg s22  }
0xf: {  	s25 =	simm.s32 $0x680;
	s0 =	sand.u32 $0x1, s1;
	[dreg:$0x10] =	wrdreg s23  }
0x10: {  	s26 =	simm.s32 $0x700;
	s5 =	sshll.u32 s0, $0x4;
	[dreg:$0x11] =	wrdreg s24  }
0x11: {  	s9 =	simm.s32 $0x900;
	[dreg:$0x12] =	wrdreg s25;
	s5 =	sor.u32 s13, s5  }
0x12: {  	p0 =	seq.s32 s0, $0x1;
	[dreg:$0x13] =	wrdreg s26;
	s5 =	smul.u32 $0x280, s5  }
0x13: {  	s6 =	smul.u32 $0x280, s13;
	[dreg:$0x17] =	wrdreg s9;
	s7 =	simm.s32 @!p0 $0x8C00  }
0x14: {  	s5 =	sadd.s32 s5, s4;
	s4 =	sadd.s32 s7, s4;
	s7 =	simm.s32 $0x800  }
0x15: {  	s8 =	sshrl.u32 s6, $0x3;
	s5 =	sadd.s32 $0x3C00, s5;
	[dreg:$0x15] =	wrdreg s7  }
0x16: {  	s4 =	sadd.s32 s4, s8;
	[dreg:$0x5] =	wrdreg s5  }
0x17: {  	s8 =	simm.s32 $0x880;
	[dreg:$0x6] =	wrdreg s4  }
0x18: {  	s5 =	simm.s32 $0x780;
	[dreg:$0x16] =	wrdreg s8  }
0x19: {  	[dreg:$0x14] =	wrdreg s5  }
0x1a: {  	s4 =	simm.s32 $0x2;
	s5 =	rddreg [dreg:$0x5]  }
0x1b: {  	[tilespmem:s3], [sflag:$0x2] =	stream.linear.gather [hbm4b:s5+s3], $0x1400, $0x38;
	[tilespmem:$0x1700] =	vst v63  }
0x1c: {  	_ =	swait.ge [sflag:s4], $0x1400  }
0x1d: {  	[sflag:s4] =	ssyncset.done $0x0  }
0x1e: {  	v0 =	vimm.f32 $1.000000000e+00;
	[sflag:s4] =	ssyncadd.s32 $0xFFFFEC00  }
0x1f: {  	[tilespmem:$0x1470] =	vst v0  }
0x20: {  	[tilespmem:$0x1460] =	vst v0  }
0x21: {  	[tilespmem:$0x1450] =	vst v0  }
0x22: {  	[tilespmem:$0x1440] =	vst v0  }
0x23: {  	[tilespmem:$0x1430] =	vst v0  }
0x24: {  	[tilespmem:$0x1420] =	vst v0  }
0x25: {  	s11 =	sshll.u32 s13, $0x6;
	s6 =	sadd.s32 s6, s2;
	[tilespmem:$0x1400] =	vst v0  }
0x26: {  	s6 =	sshrl.u32 s6, $0x3;
	s5 =	sor.u32 $0x1C02, s11;
	s10 =	rddreg [dreg:$0x4];
	[tilespmem:$0x1410] =	vst v0  }
0x27: {  	[spmem:s6], [sflag:s5] =	dma.local [hbm:s10], $0x50  }
0x28: {  	_ =	swait.ge [sflag:s4], $0x50  }
0x29: {  	[sflag:s4] =	ssyncset.done $0x0  }
0x2a: {  	[sflag:s4] =	ssyncadd.s32 $0xFFFFFFB0  }
0x2b: {  	s7 =	simm.s32 $0x80;
	s8 =	simm.s32 $0x1400;
	[bflag:$0x0] =	sbarrier.arrive $0xFFFF  }
0x2c: {  	[spmem:s2] =	stream.indirect.scatter.add.f32 [tilespmem:s8], [sflag:$0x1], $0x1, s3, s7, $0xb8;
	[tilespmem:$0x1700] =	vst v63  }
0x2d: {  	_ = 	snop  }
0x2e: {  	[spmem:s2] =	stream.indirect.scatter.add.f32 [tilespmem:s8], [sflag:$0x1], $0x1, s7, s7, $0xb8;
	[tilespmem:$0x1700] =	vst v63  }
0x2f: {  	s9 =	rddreg [dreg:$0x7]  }
0x30: {  	[spmem:s2] =	stream.indirect.scatter.add.f32 [tilespmem:s8], [sflag:$0x1], $0x1, s9, s7, $0xb8;
	[tilespmem:$0x1700] =	vst v63  }
0x31: {  	s10 =	rddreg [dreg:$0x8]  }
0x32: {  	[spmem:s2] =	stream.indirect.scatter.add.f32 [tilespmem:s8], [sflag:$0x1], $0x1, s10, s7, $0xb8;
	[tilespmem:$0x1700] =	vst v63  }
0x33: {  	s12 =	rddreg [dreg:$0x9]  }
0x34: {  	[spmem:s2] =	stream.indirect.scatter.add.f32 [tilespmem:s8], [sflag:$0x1], $0x1, s12, s7, $0xb8;
	[tilespmem:$0x1700] =	vst v63  }
0x35: {  	s13 =	rddreg [dreg:$0xa]  }
0x36: {  	[spmem:s2] =	stream.indirect.scatter.add.f32 [tilespmem:s8], [sflag:$0x1], $0x1, s13, s7, $0xb8;
	[tilespmem:$0x1700] =	vst v63  }
0x37: {  	s14 =	rddreg [dreg:$0xb]  }
0x38: {  	[spmem:s2] =	stream.indirect.scatter.add.f32 [tilespmem:s8], [sflag:$0x1], $0x1, s14, s7, $0xb8;
	[tilespmem:$0x1700] =	vst v63  }
0x39: {  	s15 =	rddreg [dreg:$0xc];
	s9 =	simm.s32 $0x1  }
0x3a: {  	[spmem:s2] =	stream.indirect.scatter.add.f32 [tilespmem:s8], [sflag:$0x1], $0x1, s15, s7, $0xb8;
	[tilespmem:$0x1700] =	vst v63  }
0x3b: {  	_ =	swait.ge [sflag:s9], $0x80  }
0x3c: {  	[sflag:s9] =	ssyncset.done $0x0  }
0x3d: {  	[sflag:s9] =	ssyncadd.s32 $0xFFFFFF80  }
0x3e: {  	_ =	swait.ge [sflag:s9], $0x80  }
0x3f: {  	[sflag:s9] =	ssyncset.done $0x0  }
0x40: {  	[sflag:s9] =	ssyncadd.s32 $0xFFFFFF80  }
0x41: {  	_ =	swait.ge [sflag:s9], $0x80  }
0x42: {  	[sflag:s9] =	ssyncset.done $0x0  }
0x43: {  	[sflag:s9] =	ssyncadd.s32 $0xFFFFFF80  }
0x44: {  	_ =	swait.ge [sflag:s9], $0x80  }
0x45: {  	[sflag:s9] =	ssyncset.done $0x0  }
0x46: {  	[sflag:s9] =	ssyncadd.s32 $0xFFFFFF80  }
0x47: {  	_ =	swait.ge [sflag:s9], $0x80  }
0x48: {  	[sflag:s9] =	ssyncset.done $0x0  }
0x49: {  	[sflag:s9] =	ssyncadd.s32 $0xFFFFFF80  }
0x4a: {  	_ =	swait.ge [sflag:s9], $0x80  }
0x4b: {  	[sflag:s9] =	ssyncset.done $0x0  }
0x4c: {  	[sflag:s9] =	ssyncadd.s32 $0xFFFFFF80  }
0x4d: {  	_ =	swait.ge [sflag:s9], $0x80  }
0x4e: {  	[sflag:s9] =	ssyncset.done $0x0  }
0x4f: {  	[sflag:s9] =	ssyncadd.s32 $0xFFFFFF80  }
0x50: {  	_ =	swait.ge [sflag:s9], $0x80  }
0x51: {  	[sflag:s9] =	ssyncset.done $0x0  }
0x52: {  	s16 =	rddreg [dreg:$0xd];
	[sflag:s9] =	ssyncadd.s32 $0xFFFFFF80  }
0x53: {  	[spmem:s2] =	stream.indirect.scatter.add.f32 [tilespmem:s8], [sflag:$0x1], $0x1, s16, s7, $0xb8;
	[tilespmem:$0x1700] =	vst v63  }
0x54: {  	s11 =	rddreg [dreg:$0xe]  }
0x55: {  	[spmem:s2] =	stream.indirect.scatter.add.f32 [tilespmem:s8], [sflag:$0x1], $0x1, s11, s7, $0xb8;
	[tilespmem:$0x1700] =	vst v63  }
0x56: {  	s17 =	rddreg [dreg:$0xf]  }
0x57: {  	[spmem:s2] =	stream.indirect.scatter.add.f32 [tilespmem:s8], [sflag:$0x1], $0x1, s17, s7, $0xb8;
	[tilespmem:$0x1700] =	vst v63  }
0x58: {  	s18 =	rddreg [dreg:$0x10]  }
0x59: {  	[spmem:s2] =	stream.indirect.scatter.add.f32 [tilespmem:s8], [sflag:$0x1], $0x1, s18, s7, $0xb8;
	[tilespmem:$0x1700] =	vst v63  }
0x5a: {  	s19 =	rddreg [dreg:$0x11]  }
0x5b: {  	[spmem:s2] =	stream.indirect.scatter.add.f32 [tilespmem:s8], [sflag:$0x1], $0x1, s19, s7, $0xb8;
	[tilespmem:$0x1700] =	vst v63  }
0x5c: {  	s20 =	rddreg [dreg:$0x12]  }
0x5d: {  	[spmem:s2] =	stream.indirect.scatter.add.f32 [tilespmem:s8], [sflag:$0x1], $0x1, s20, s7, $0xb8;
	[tilespmem:$0x1700] =	vst v63  }
0x5e: {  	s21 =	rddreg [dreg:$0x13]  }
0x5f: {  	[spmem:s2] =	stream.indirect.scatter.add.f32 [tilespmem:s8], [sflag:$0x1], $0x1, s21, s7, $0xb8;
	[tilespmem:$0x1700] =	vst v63  }
0x60: {  	s22 =	rddreg [dreg:$0x14]  }
0x61: {  	[spmem:s2] =	stream.indirect.scatter.add.f32 [tilespmem:s8], [sflag:$0x1], $0x1, s22, s7, $0xb8;
	[tilespmem:$0x1700] =	vst v63  }
0x62: {  	_ =	swait.ge [sflag:s9], $0x80  }
0x63: {  	[sflag:s9] =	ssyncset.done $0x0  }
0x64: {  	[sflag:s9] =	ssyncadd.s32 $0xFFFFFF80  }
0x65: {  	_ =	swait.ge [sflag:s9], $0x80  }
0x66: {  	[sflag:s9] =	ssyncset.done $0x0  }
0x67: {  	[sflag:s9] =	ssyncadd.s32 $0xFFFFFF80  }
0x68: {  	_ =	swait.ge [sflag:s9], $0x80  }
0x69: {  	[sflag:s9] =	ssyncset.done $0x0  }
0x6a: {  	[sflag:s9] =	ssyncadd.s32 $0xFFFFFF80  }
0x6b: {  	_ =	swait.ge [sflag:s9], $0x80  }
0x6c: {  	[sflag:s9] =	ssyncset.done $0x0  }
0x6d: {  	[sflag:s9] =	ssyncadd.s32 $0xFFFFFF80  }
0x6e: {  	_ =	swait.ge [sflag:s9], $0x80  }
0x6f: {  	[sflag:s9] =	ssyncset.done $0x0  }
0x70: {  	[sflag:s9] =	ssyncadd.s32 $0xFFFFFF80  }
0x71: {  	_ =	swait.ge [sflag:s9], $0x80  }
0x72: {  	[sflag:s9] =	ssyncset.done $0x0  }
0x73: {  	[sflag:s9] =	ssyncadd.s32 $0xFFFFFF80  }
0x74: {  	_ =	swait.ge [sflag:s9], $0x80  }
0x75: {  	[sflag:s9] =	ssyncset.done $0x0  }
0x76: {  	[sflag:s9] =	ssyncadd.s32 $0xFFFFFF80  }
0x77: {  	_ =	swait.ge [sflag:s9], $0x80  }
0x78: {  	[sflag:s9] =	ssyncset.done $0x0  }
0x79: {  	s23 =	rddreg [dreg:$0x15];
	[sflag:s9] =	ssyncadd.s32 $0xFFFFFF80  }
0x7a: {  	[spmem:s2] =	stream.indirect.scatter.add.f32 [tilespmem:s8], [sflag:$0x1], $0x1, s23, s7, $0xb8;
	[tilespmem:$0x1700] =	vst v63  }
0x7b: {  	s24 =	rddreg [dreg:$0x16]  }
0x7c: {  	[spmem:s2] =	stream.indirect.scatter.add.f32 [tilespmem:s8], [sflag:$0x1], $0x1, s24, s7, $0xb8;
	[tilespmem:$0x1700] =	vst v63  }
0x7d: {  	s25 =	rddreg [dreg:$0x17]  }
0x7e: {  	[spmem:s2] =	stream.indirect.scatter.add.f32 [tilespmem:s8], [sflag:$0x1], $0x1, s25, s7, $0xb8;
	[tilespmem:$0x1700] =	vst v63  }
0x7f: {  	s26 =	simm.s32 $0x980  }
0x80: {  	[spmem:s2] =	stream.indirect.scatter.add.f32 [tilespmem:s8], [sflag:$0x1], $0x1, s26, s7, $0xb8;
	[tilespmem:$0x1700] =	vst v63  }
0x81: {  	s11 =	simm.s32 $0xA00  }
0x82: {  	[spmem:s2] =	stream.indirect.scatter.add.f32 [tilespmem:s8], [sflag:$0x1], $0x1, s11, s7, $0xb8;
	[tilespmem:$0x1700] =	vst v63  }
0x83: {  	s12 =	simm.s32 $0xA80  }
0x84: {  	[spmem:s2] =	stream.indirect.scatter.add.f32 [tilespmem:s8], [sflag:$0x1], $0x1, s12, s7, $0xb8;
	[tilespmem:$0x1700] =	vst v63  }
0x85: {  	s13 =	simm.s32 $0xB00  }
0x86: {  	[spmem:s2] =	stream.indirect.scatter.add.f32 [tilespmem:s8], [sflag:$0x1], $0x1, s13, s7, $0xb8;
	[tilespmem:$0x1700] =	vst v63  }
0x87: {  	s14 =	simm.s32 $0xB80  }
0x88: {  	[spmem:s2] =	stream.indirect.scatter.add.f32 [tilespmem:s8], [sflag:$0x1], $0x1, s14, s7, $0xb8;
	[tilespmem:$0x1700] =	vst v63  }
0x89: {  	_ =	swait.ge [sflag:s9], $0x80  }
0x8a: {  	[sflag:s9] =	ssyncset.done $0x0  }
0x8b: {  	[sflag:s9] =	ssyncadd.s32 $0xFFFFFF80  }
0x8c: {  	_ =	swait.ge [sflag:s9], $0x80  }
0x8d: {  	[sflag:s9] =	ssyncset.done $0x0  }
0x8e: {  	[sflag:s9] =	ssyncadd.s32 $0xFFFFFF80  }
0x8f: {  	_ =	swait.ge [sflag:s9], $0x80  }
0x90: {  	[sflag:s9] =	ssyncset.done $0x0  }
0x91: {  	[sflag:s9] =	ssyncadd.s32 $0xFFFFFF80  }
0x92: {  	_ =	swait.ge [sflag:s9], $0x80  }
0x93: {  	[sflag:s9] =	ssyncset.done $0x0  }
0x94: {  	[sflag:s9] =	ssyncadd.s32 $0xFFFFFF80  }
0x95: {  	_ =	swait.ge [sflag:s9], $0x80  }
0x96: {  	[sflag:s9] =	ssyncset.done $0x0  }
0x97: {  	[sflag:s9] =	ssyncadd.s32 $0xFFFFFF80  }
0x98: {  	_ =	swait.ge [sflag:s9], $0x80  }
0x99: {  	[sflag:s9] =	ssyncset.done $0x0  }
0x9a: {  	[sflag:s9] =	ssyncadd.s32 $0xFFFFFF80  }
0x9b: {  	_ =	swait.ge [sflag:s9], $0x80  }
0x9c: {  	[sflag:s9] =	ssyncset.done $0x0  }
0x9d: {  	[sflag:s9] =	ssyncadd.s32 $0xFFFFFF80  }
0x9e: {  	_ =	swait.ge [sflag:s9], $0x80  }
0x9f: {  	[sflag:s9] =	ssyncset.done $0x0  }
0xa0: {  	s15 =	simm.s32 $0xC00;
	[sflag:s9] =	ssyncadd.s32 $0xFFFFFF80  }
0xa1: {  	[spmem:s2] =	stream.indirect.scatter.add.f32 [tilespmem:s8], [sflag:$0x1], $0x1, s15, s7, $0xb8;
	[tilespmem:$0x1700] =	vst v63  }
0xa2: {  	s16 =	simm.s32 $0xC80  }
0xa3: {  	[spmem:s2] =	stream.indirect.scatter.add.f32 [tilespmem:s8], [sflag:$0x1], $0x1, s16, s7, $0xb8;
	[tilespmem:$0x1700] =	vst v63  }
0xa4: {  	s17 =	simm.s32 $0xD00  }
0xa5: {  	[spmem:s2] =	stream.indirect.scatter.add.f32 [tilespmem:s8], [sflag:$0x1], $0x1, s17, s7, $0xb8;
	[tilespmem:$0x1700] =	vst v63  }
0xa6: {  	s18 =	simm.s32 $0xD80  }
0xa7: {  	[spmem:s2] =	stream.indirect.scatter.add.f32 [tilespmem:s8], [sflag:$0x1], $0x1, s18, s7, $0xb8;
	[tilespmem:$0x1700] =	vst v63  }
0xa8: {  	s19 =	simm.s32 $0xE00  }
0xa9: {  	[spmem:s2] =	stream.indirect.scatter.add.f32 [tilespmem:s8], [sflag:$0x1], $0x1, s19, s7, $0xb8;
	[tilespmem:$0x1700] =	vst v63  }
0xaa: {  	s20 =	simm.s32 $0xE80  }
0xab: {  	[spmem:s2] =	stream.indirect.scatter.add.f32 [tilespmem:s8], [sflag:$0x1], $0x1, s20, s7, $0xb8;
	[tilespmem:$0x1700] =	vst v63  }
0xac: {  	s21 =	simm.s32 $0xF00  }
0xad: {  	[spmem:s2] =	stream.indirect.scatter.add.f32 [tilespmem:s8], [sflag:$0x1], $0x1, s21, s7, $0xb8;
	[tilespmem:$0x1700] =	vst v63  }
0xae: {  	s22 =	simm.s32 $0xF80  }
0xaf: {  	[spmem:s2] =	stream.indirect.scatter.add.f32 [tilespmem:s8], [sflag:$0x1], $0x1, s22, s7, $0xb8;
	[tilespmem:$0x1700] =	vst v63  }
0xb0: {  	_ =	swait.ge [sflag:s9], $0x80  }
0xb1: {  	[sflag:s9] =	ssyncset.done $0x0  }
0xb2: {  	[sflag:s9] =	ssyncadd.s32 $0xFFFFFF80  }
0xb3: {  	_ =	swait.ge [sflag:s9], $0x80  }
0xb4: {  	[sflag:s9] =	ssyncset.done $0x0  }
0xb5: {  	[sflag:s9] =	ssyncadd.s32 $0xFFFFFF80  }
0xb6: {  	_ =	swait.ge [sflag:s9], $0x80  }
0xb7: {  	[sflag:s9] =	ssyncset.done $0x0  }
0xb8: {  	[sflag:s9] =	ssyncadd.s32 $0xFFFFFF80  }
0xb9: {  	_ =	swait.ge [sflag:s9], $0x80  }
0xba: {  	[sflag:s9] =	ssyncset.done $0x0  }
0xbb: {  	[sflag:s9] =	ssyncadd.s32 $0xFFFFFF80  }
0xbc: {  	_ =	swait.ge [sflag:s9], $0x80  }
0xbd: {  	[sflag:s9] =	ssyncset.done $0x0  }
0xbe: {  	[sflag:s9] =	ssyncadd.s32 $0xFFFFFF80  }
0xbf: {  	_ =	swait.ge [sflag:s9], $0x80  }
0xc0: {  	[sflag:s9] =	ssyncset.done $0x0  }
0xc1: {  	[sflag:s9] =	ssyncadd.s32 $0xFFFFFF80  }
0xc2: {  	_ =	swait.ge [sflag:s9], $0x80  }
0xc3: {  	[sflag:s9] =	ssyncset.done $0x0  }
0xc4: {  	[sflag:s9] =	ssyncadd.s32 $0xFFFFFF80  }
0xc5: {  	_ =	swait.ge [sflag:s9], $0x80  }
0xc6: {  	[sflag:s9] =	ssyncset.done $0x0  }
0xc7: {  	s23 =	simm.s32 $0x1000;
	[sflag:s9] =	ssyncadd.s32 $0xFFFFFF80  }
0xc8: {  	[spmem:s2] =	stream.indirect.scatter.add.f32 [tilespmem:s8], [sflag:$0x1], $0x1, s23, s7, $0xb8;
	[tilespmem:$0x1700] =	vst v63  }
0xc9: {  	s24 =	simm.s32 $0x1080  }
0xca: {  	[spmem:s2] =	stream.indirect.scatter.add.f32 [tilespmem:s8], [sflag:$0x1], $0x1, s24, s7, $0xb8;
	[tilespmem:$0x1700] =	vst v63  }
0xcb: {  	s25 =	simm.s32 $0x1100  }
0xcc: {  	[spmem:s2] =	stream.indirect.scatter.add.f32 [tilespmem:s8], [sflag:$0x1], $0x1, s25, s7, $0xb8;
	[tilespmem:$0x1700] =	vst v63  }
0xcd: {  	s26 =	simm.s32 $0x1180  }
0xce: {  	[spmem:s2] =	stream.indirect.scatter.add.f32 [tilespmem:s8], [sflag:$0x1], $0x1, s26, s7, $0xb8;
	[tilespmem:$0x1700] =	vst v63  }
0xcf: {  	s28 =	simm.s32 $0x1200  }
0xd0: {  	[spmem:s2] =	stream.indirect.scatter.add.f32 [tilespmem:s8], [sflag:$0x1], $0x1, s28, s7, $0xb8;
	[tilespmem:$0x1700] =	vst v63  }
0xd1: {  	s29 =	simm.s32 $0x1280  }
0xd2: {  	[spmem:s2] =	stream.indirect.scatter.add.f32 [tilespmem:s8], [sflag:$0x1], $0x1, s29, s7, $0xb8;
	[tilespmem:$0x1700] =	vst v63  }
0xd3: {  	s30 =	simm.s32 $0x1300  }
0xd4: {  	[spmem:s2] =	stream.indirect.scatter.add.f32 [tilespmem:s8], [sflag:$0x1], $0x1, s30, s7, $0xb8;
	[tilespmem:$0x1700] =	vst v63  }
0xd5: {  	s31 =	simm.s32 $0x1380  }
0xd6: {  	[spmem:s2] =	stream.indirect.scatter.add.f32 [tilespmem:s8], [sflag:$0x1], $0x1, s31, s7, $0xb8;
	[tilespmem:$0x1700] =	vst v63  }
0xd7: {  	_ =	swait.ge [sflag:s9], $0x80  }
0xd8: {  	[sflag:s9] =	ssyncset.done $0x0  }
0xd9: {  	[sflag:s9] =	ssyncadd.s32 $0xFFFFFF80  }
0xda: {  	_ =	swait.ge [sflag:s9], $0x80  }
0xdb: {  	[sflag:s9] =	ssyncset.done $0x0  }
0xdc: {  	[sflag:s9] =	ssyncadd.s32 $0xFFFFFF80  }
0xdd: {  	_ =	swait.ge [sflag:s9], $0x80  }
0xde: {  	[sflag:s9] =	ssyncset.done $0x0  }
0xdf: {  	[sflag:s9] =	ssyncadd.s32 $0xFFFFFF80  }
0xe0: {  	_ =	swait.ge [sflag:s9], $0x80  }
0xe1: {  	[sflag:s9] =	ssyncset.done $0x0  }
0xe2: {  	[sflag:s9] =	ssyncadd.s32 $0xFFFFFF80  }
0xe3: {  	_ =	swait.ge [sflag:s9], $0x80  }
0xe4: {  	s0 =	ssub.s32 $0x2, s0;
	[sflag:s9] =	ssyncset.done $0x0  }
0xe5: {  	s10 =	sshrl.u32 s0, $0x1;
	[sflag:s9] =	ssyncadd.s32 $0xFFFFFF80  }
0xe6: {  	s0 =	ssub.s32 s0, s10;
	_ =	swait.ge [sflag:s9], $0x80  }
0xe7: {  	s0 =	smax.u32 s0, $0x1;
	[sflag:s9] =	ssyncset.done $0x0  }
0xe8: {  	p0 =	sne.s32 s0, $0x1;
	[sflag:s9] =	ssyncadd.s32 $0xFFFFFF80  }
.Ltmp0:
0xe9: {  	_ =	swait.ge [sflag:s9], $0x80;
	(pc) =	sbr.rel @!p0 .LBB2_2-.Ltmp0, $4  }
0xea: {  	[sflag:s9] =	ssyncset.done $0x0  }
0xeb: {  	[sflag:s9] =	ssyncadd.s32 $0xFFFFFF80  }
0xec: {  	_ =	swait.ge [sflag:s9], $0x80  }
0xed: {  	s0 =	sadd.s32 $0xFFFFFFFF, s0;
	[sflag:s9] =	ssyncset.done $0x0  }
.LBB2_1:
0xee: {  	[sflag:s9] =	ssyncadd.s32 $0xFFFFFF80  }
0xef: {  	[bflag:$0x0] =	sbarrier.arrive $0xFFFF  }
0xf0: {  	s1 =	rddreg [dreg:$0x6]  }
0xf1: {  	[hbm:s1], [sflag:s5] =	dma.local [spmem:s6], $0x50  }
0xf2: {  	_ =	swait.ge [sflag:s4], $0x50  }
0xf3: {  	[sflag:s4] =	ssyncset.done $0x0  }
0xf4: {  	s10 =	rddreg [dreg:$0x5];
	[sflag:s4] =	ssyncadd.s32 $0xFFFFFFB0  }
0xf5: {  	[tilespmem:s3], [sflag:$0x2] =	stream.linear.gather [hbm4b:s10+s3], $0x1400, $0x38;
	[tilespmem:$0x1700] =	vst v63  }
0xf6: {  	_ =	swait.ge [sflag:s4], $0x1400  }
0xf7: {  	[sflag:s4] =	ssyncset.done $0x0  }
0xf8: {  	[sflag:s4] =	ssyncadd.s32 $0xFFFFEC00  }
0xf9: {  	[tilespmem:$0x1470] =	vst v0  }
0xfa: {  	[tilespmem:$0x1460] =	vst v0  }
0xfb: {  	[tilespmem:$0x1450] =	vst v0  }
0xfc: {  	[tilespmem:$0x1440] =	vst v0  }
0xfd: {  	[tilespmem:$0x1430] =	vst v0  }
0xfe: {  	[tilespmem:$0x1420] =	vst v0  }
0xff: {  	[tilespmem:$0x1400] =	vst v0  }
0x100: {  	s10 =	rddreg [dreg:$0x4];
	[tilespmem:$0x1410] =	vst v0  }
0x101: {  	[spmem:s6], [sflag:s5] =	dma.local [hbm:s10], $0x50  }
0x102: {  	_ =	swait.ge [sflag:s4], $0x50  }
0x103: {  	[sflag:s4] =	ssyncset.done $0x0  }
0x104: {  	[sflag:s4] =	ssyncadd.s32 $0xFFFFFFB0  }
0x105: {  	[bflag:$0x0] =	sbarrier.arrive $0xFFFF  }
0x106: {  	[spmem:s2] =	stream.indirect.scatter.add.f32 [tilespmem:s8], [sflag:$0x1], $0x1, s3, s7, $0xb8;
	[tilespmem:$0x1700] =	vst v63  }
0x107: {  	_ = 	snop  }
0x108: {  	[spmem:s2] =	stream.indirect.scatter.add.f32 [tilespmem:s8], [sflag:$0x1], $0x1, s7, s7, $0xb8;
	[tilespmem:$0x1700] =	vst v63  }
0x109: {  	s1 =	rddreg [dreg:$0x7]  }
0x10a: {  	[spmem:s2] =	stream.indirect.scatter.add.f32 [tilespmem:s8], [sflag:$0x1], $0x1, s1, s7, $0xb8;
	[tilespmem:$0x1700] =	vst v63  }
0x10b: {  	s10 =	rddreg [dreg:$0x8]  }
0x10c: {  	[spmem:s2] =	stream.indirect.scatter.add.f32 [tilespmem:s8], [sflag:$0x1], $0x1, s10, s7, $0xb8;
	[tilespmem:$0x1700] =	vst v63  }
0x10d: {  	s1 =	rddreg [dreg:$0x9]  }
0x10e: {  	[spmem:s2] =	stream.indirect.scatter.add.f32 [tilespmem:s8], [sflag:$0x1], $0x1, s1, s7, $0xb8;
	[tilespmem:$0x1700] =	vst v63  }
0x10f: {  	s10 =	rddreg [dreg:$0xa]  }
0x110: {  	[spmem:s2] =	stream.indirect.scatter.add.f32 [tilespmem:s8], [sflag:$0x1], $0x1, s10, s7, $0xb8;
	[tilespmem:$0x1700] =	vst v63  }
0x111: {  	s1 =	rddreg [dreg:$0xb]  }
0x112: {  	[spmem:s2] =	stream.indirect.scatter.add.f32 [tilespmem:s8], [sflag:$0x1], $0x1, s1, s7, $0xb8;
	[tilespmem:$0x1700] =	vst v63  }
0x113: {  	s10 =	rddreg [dreg:$0xc]  }
0x114: {  	[spmem:s2] =	stream.indirect.scatter.add.f32 [tilespmem:s8], [sflag:$0x1], $0x1, s10, s7, $0xb8;
	[tilespmem:$0x1700] =	vst v63  }
0x115: {  	_ =	swait.ge [sflag:s9], $0x80  }
0x116: {  	[sflag:s9] =	ssyncset.done $0x0  }
0x117: {  	[sflag:s9] =	ssyncadd.s32 $0xFFFFFF80  }
0x118: {  	_ =	swait.ge [sflag:s9], $0x80  }
0x119: {  	[sflag:s9] =	ssyncset.done $0x0  }
0x11a: {  	[sflag:s9] =	ssyncadd.s32 $0xFFFFFF80  }
0x11b: {  	_ =	swait.ge [sflag:s9], $0x80  }
0x11c: {  	[sflag:s9] =	ssyncset.done $0x0  }
0x11d: {  	[sflag:s9] =	ssyncadd.s32 $0xFFFFFF80  }
0x11e: {  	_ =	swait.ge [sflag:s9], $0x80  }
0x11f: {  	[sflag:s9] =	ssyncset.done $0x0  }
0x120: {  	[sflag:s9] =	ssyncadd.s32 $0xFFFFFF80  }
0x121: {  	_ =	swait.ge [sflag:s9], $0x80  }
0x122: {  	[sflag:s9] =	ssyncset.done $0x0  }
0x123: {  	[sflag:s9] =	ssyncadd.s32 $0xFFFFFF80  }
0x124: {  	_ =	swait.ge [sflag:s9], $0x80  }
0x125: {  	[sflag:s9] =	ssyncset.done $0x0  }
0x126: {  	[sflag:s9] =	ssyncadd.s32 $0xFFFFFF80  }
0x127: {  	_ =	swait.ge [sflag:s9], $0x80  }
0x128: {  	[sflag:s9] =	ssyncset.done $0x0  }
0x129: {  	[sflag:s9] =	ssyncadd.s32 $0xFFFFFF80  }
0x12a: {  	_ =	swait.ge [sflag:s9], $0x80  }
0x12b: {  	[sflag:s9] =	ssyncset.done $0x0  }
0x12c: {  	s1 =	rddreg [dreg:$0xd];
	[sflag:s9] =	ssyncadd.s32 $0xFFFFFF80  }
0x12d: {  	[spmem:s2] =	stream.indirect.scatter.add.f32 [tilespmem:s8], [sflag:$0x1], $0x1, s1, s7, $0xb8;
	[tilespmem:$0x1700] =	vst v63  }
0x12e: {  	s10 =	rddreg [dreg:$0xe]  }
0x12f: {  	[spmem:s2] =	stream.indirect.scatter.add.f32 [tilespmem:s8], [sflag:$0x1], $0x1, s10, s7, $0xb8;
	[tilespmem:$0x1700] =	vst v63  }
0x130: {  	s1 =	rddreg [dreg:$0xf]  }
0x131: {  	[spmem:s2] =	stream.indirect.scatter.add.f32 [tilespmem:s8], [sflag:$0x1], $0x1, s1, s7, $0xb8;
	[tilespmem:$0x1700] =	vst v63  }
0x132: {  	s10 =	rddreg [dreg:$0x10]  }
0x133: {  	[spmem:s2] =	stream.indirect.scatter.add.f32 [tilespmem:s8], [sflag:$0x1], $0x1, s10, s7, $0xb8;
	[tilespmem:$0x1700] =	vst v63  }
0x134: {  	s1 =	rddreg [dreg:$0x11]  }
0x135: {  	[spmem:s2] =	stream.indirect.scatter.add.f32 [tilespmem:s8], [sflag:$0x1], $0x1, s1, s7, $0xb8;
	[tilespmem:$0x1700] =	vst v63  }
0x136: {  	s10 =	rddreg [dreg:$0x12]  }
0x137: {  	[spmem:s2] =	stream.indirect.scatter.add.f32 [tilespmem:s8], [sflag:$0x1], $0x1, s10, s7, $0xb8;
	[tilespmem:$0x1700] =	vst v63  }
0x138: {  	s1 =	rddreg [dreg:$0x13]  }
0x139: {  	[spmem:s2] =	stream.indirect.scatter.add.f32 [tilespmem:s8], [sflag:$0x1], $0x1, s1, s7, $0xb8;
	[tilespmem:$0x1700] =	vst v63  }
0x13a: {  	s10 =	rddreg [dreg:$0x14]  }
0x13b: {  	[spmem:s2] =	stream.indirect.scatter.add.f32 [tilespmem:s8], [sflag:$0x1], $0x1, s10, s7, $0xb8;
	[tilespmem:$0x1700] =	vst v63  }
0x13c: {  	_ =	swait.ge [sflag:s9], $0x80  }
0x13d: {  	[sflag:s9] =	ssyncset.done $0x0  }
0x13e: {  	[sflag:s9] =	ssyncadd.s32 $0xFFFFFF80  }
0x13f: {  	_ =	swait.ge [sflag:s9], $0x80  }
0x140: {  	[sflag:s9] =	ssyncset.done $0x0  }
0x141: {  	[sflag:s9] =	ssyncadd.s32 $0xFFFFFF80  }
0x142: {  	_ =	swait.ge [sflag:s9], $0x80  }
0x143: {  	[sflag:s9] =	ssyncset.done $0x0  }
0x144: {  	[sflag:s9] =	ssyncadd.s32 $0xFFFFFF80  }
0x145: {  	_ =	swait.ge [sflag:s9], $0x80  }
0x146: {  	[sflag:s9] =	ssyncset.done $0x0  }
0x147: {  	[sflag:s9] =	ssyncadd.s32 $0xFFFFFF80  }
0x148: {  	_ =	swait.ge [sflag:s9], $0x80  }
0x149: {  	[sflag:s9] =	ssyncset.done $0x0  }
0x14a: {  	[sflag:s9] =	ssyncadd.s32 $0xFFFFFF80  }
0x14b: {  	_ =	swait.ge [sflag:s9], $0x80  }
0x14c: {  	[sflag:s9] =	ssyncset.done $0x0  }
0x14d: {  	[sflag:s9] =	ssyncadd.s32 $0xFFFFFF80  }
0x14e: {  	_ =	swait.ge [sflag:s9], $0x80  }
0x14f: {  	[sflag:s9] =	ssyncset.done $0x0  }
0x150: {  	[sflag:s9] =	ssyncadd.s32 $0xFFFFFF80  }
0x151: {  	_ =	swait.ge [sflag:s9], $0x80  }
0x152: {  	[sflag:s9] =	ssyncset.done $0x0  }
0x153: {  	s1 =	rddreg [dreg:$0x15];
	[sflag:s9] =	ssyncadd.s32 $0xFFFFFF80  }
0x154: {  	[spmem:s2] =	stream.indirect.scatter.add.f32 [tilespmem:s8], [sflag:$0x1], $0x1, s1, s7, $0xb8;
	[tilespmem:$0x1700] =	vst v63  }
0x155: {  	s10 =	rddreg [dreg:$0x16]  }
0x156: {  	[spmem:s2] =	stream.indirect.scatter.add.f32 [tilespmem:s8], [sflag:$0x1], $0x1, s10, s7, $0xb8;
	[tilespmem:$0x1700] =	vst v63  }
0x157: {  	s1 =	rddreg [dreg:$0x17]  }
0x158: {  	[spmem:s2] =	stream.indirect.scatter.add.f32 [tilespmem:s8], [sflag:$0x1], $0x1, s1, s7, $0xb8;
	[tilespmem:$0x1700] =	vst v63  }
0x159: {  	s10 =	simm.s32 $0x980  }
0x15a: {  	[spmem:s2] =	stream.indirect.scatter.add.f32 [tilespmem:s8], [sflag:$0x1], $0x1, s10, s7, $0xb8;
	[tilespmem:$0x1700] =	vst v63  }
0x15b: {  	_ = 	snop  }
0x15c: {  	[spmem:s2] =	stream.indirect.scatter.add.f32 [tilespmem:s8], [sflag:$0x1], $0x1, s11, s7, $0xb8;
	[tilespmem:$0x1700] =	vst v63  }
0x15d: {  	_ = 	snop  }
0x15e: {  	[spmem:s2] =	stream.indirect.scatter.add.f32 [tilespmem:s8], [sflag:$0x1], $0x1, s12, s7, $0xb8;
	[tilespmem:$0x1700] =	vst v63  }
0x15f: {  	_ = 	snop  }
0x160: {  	[spmem:s2] =	stream.indirect.scatter.add.f32 [tilespmem:s8], [sflag:$0x1], $0x1, s13, s7, $0xb8;
	[tilespmem:$0x1700] =	vst v63  }
0x161: {  	_ = 	snop  }
0x162: {  	[spmem:s2] =	stream.indirect.scatter.add.f32 [tilespmem:s8], [sflag:$0x1], $0x1, s14, s7, $0xb8;
	[tilespmem:$0x1700] =	vst v63  }
0x163: {  	_ =	swait.ge [sflag:s9], $0x80  }
0x164: {  	[sflag:s9] =	ssyncset.done $0x0  }
0x165: {  	[sflag:s9] =	ssyncadd.s32 $0xFFFFFF80  }
0x166: {  	_ =	swait.ge [sflag:s9], $0x80  }
0x167: {  	[sflag:s9] =	ssyncset.done $0x0  }
0x168: {  	[sflag:s9] =	ssyncadd.s32 $0xFFFFFF80  }
0x169: {  	_ =	swait.ge [sflag:s9], $0x80  }
0x16a: {  	[sflag:s9] =	ssyncset.done $0x0  }
0x16b: {  	[sflag:s9] =	ssyncadd.s32 $0xFFFFFF80  }
0x16c: {  	_ =	swait.ge [sflag:s9], $0x80  }
0x16d: {  	[sflag:s9] =	ssyncset.done $0x0  }
0x16e: {  	[sflag:s9] =	ssyncadd.s32 $0xFFFFFF80  }
0x16f: {  	_ =	swait.ge [sflag:s9], $0x80  }
0x170: {  	[sflag:s9] =	ssyncset.done $0x0  }
0x171: {  	[sflag:s9] =	ssyncadd.s32 $0xFFFFFF80  }
0x172: {  	_ =	swait.ge [sflag:s9], $0x80  }
0x173: {  	[sflag:s9] =	ssyncset.done $0x0  }
0x174: {  	[sflag:s9] =	ssyncadd.s32 $0xFFFFFF80  }
0x175: {  	_ =	swait.ge [sflag:s9], $0x80  }
0x176: {  	[sflag:s9] =	ssyncset.done $0x0  }
0x177: {  	[sflag:s9] =	ssyncadd.s32 $0xFFFFFF80  }
0x178: {  	_ =	swait.ge [sflag:s9], $0x80  }
0x179: {  	[sflag:s9] =	ssyncset.done $0x0  }
0x17a: {  	[sflag:s9] =	ssyncadd.s32 $0xFFFFFF80  }
0x17b: {  	[spmem:s2] =	stream.indirect.scatter.add.f32 [tilespmem:s8], [sflag:$0x1], $0x1, s15, s7, $0xb8;
	[tilespmem:$0x1700] =	vst v63  }
0x17c: {  	_ = 	snop  }
0x17d: {  	[spmem:s2] =	stream.indirect.scatter.add.f32 [tilespmem:s8], [sflag:$0x1], $0x1, s16, s7, $0xb8;
	[tilespmem:$0x1700] =	vst v63  }
0x17e: {  	_ = 	snop  }
0x17f: {  	[spmem:s2] =	stream.indirect.scatter.add.f32 [tilespmem:s8], [sflag:$0x1], $0x1, s17, s7, $0xb8;
	[tilespmem:$0x1700] =	vst v63  }
0x180: {  	_ = 	snop  }
0x181: {  	[spmem:s2] =	stream.indirect.scatter.add.f32 [tilespmem:s8], [sflag:$0x1], $0x1, s18, s7, $0xb8;
	[tilespmem:$0x1700] =	vst v63  }
0x182: {  	_ = 	snop  }
0x183: {  	[spmem:s2] =	stream.indirect.scatter.add.f32 [tilespmem:s8], [sflag:$0x1], $0x1, s19, s7, $0xb8;
	[tilespmem:$0x1700] =	vst v63  }
0x184: {  	_ = 	snop  }
0x185: {  	[spmem:s2] =	stream.indirect.scatter.add.f32 [tilespmem:s8], [sflag:$0x1], $0x1, s20, s7, $0xb8;
	[tilespmem:$0x1700] =	vst v63  }
0x186: {  	_ = 	snop  }
0x187: {  	[spmem:s2] =	stream.indirect.scatter.add.f32 [tilespmem:s8], [sflag:$0x1], $0x1, s21, s7, $0xb8;
	[tilespmem:$0x1700] =	vst v63  }
0x188: {  	_ = 	snop  }
0x189: {  	[spmem:s2] =	stream.indirect.scatter.add.f32 [tilespmem:s8], [sflag:$0x1], $0x1, s22, s7, $0xb8;
	[tilespmem:$0x1700] =	vst v63  }
0x18a: {  	_ =	swait.ge [sflag:s9], $0x80  }
0x18b: {  	[sflag:s9] =	ssyncset.done $0x0  }
0x18c: {  	[sflag:s9] =	ssyncadd.s32 $0xFFFFFF80  }
0x18d: {  	_ =	swait.ge [sflag:s9], $0x80  }
0x18e: {  	[sflag:s9] =	ssyncset.done $0x0  }
0x18f: {  	[sflag:s9] =	ssyncadd.s32 $0xFFFFFF80  }
0x190: {  	_ =	swait.ge [sflag:s9], $0x80  }
0x191: {  	[sflag:s9] =	ssyncset.done $0x0  }
0x192: {  	[sflag:s9] =	ssyncadd.s32 $0xFFFFFF80  }
0x193: {  	_ =	swait.ge [sflag:s9], $0x80  }
0x194: {  	[sflag:s9] =	ssyncset.done $0x0  }
0x195: {  	[sflag:s9] =	ssyncadd.s32 $0xFFFFFF80  }
0x196: {  	_ =	swait.ge [sflag:s9], $0x80  }
0x197: {  	[sflag:s9] =	ssyncset.done $0x0  }
0x198: {  	[sflag:s9] =	ssyncadd.s32 $0xFFFFFF80  }
0x199: {  	_ =	swait.ge [sflag:s9], $0x80  }
0x19a: {  	[sflag:s9] =	ssyncset.done $0x0  }
0x19b: {  	[sflag:s9] =	ssyncadd.s32 $0xFFFFFF80  }
0x19c: {  	_ =	swait.ge [sflag:s9], $0x80  }
0x19d: {  	[sflag:s9] =	ssyncset.done $0x0  }
0x19e: {  	[sflag:s9] =	ssyncadd.s32 $0xFFFFFF80  }
0x19f: {  	_ =	swait.ge [sflag:s9], $0x80  }
0x1a0: {  	[sflag:s9] =	ssyncset.done $0x0  }
0x1a1: {  	[sflag:s9] =	ssyncadd.s32 $0xFFFFFF80  }
0x1a2: {  	[spmem:s2] =	stream.indirect.scatter.add.f32 [tilespmem:s8], [sflag:$0x1], $0x1, s23, s7, $0xb8;
	[tilespmem:$0x1700] =	vst v63  }
0x1a3: {  	_ = 	snop  }
0x1a4: {  	[spmem:s2] =	stream.indirect.scatter.add.f32 [tilespmem:s8], [sflag:$0x1], $0x1, s24, s7, $0xb8;
	[tilespmem:$0x1700] =	vst v63  }
0x1a5: {  	_ = 	snop  }
0x1a6: {  	[spmem:s2] =	stream.indirect.scatter.add.f32 [tilespmem:s8], [sflag:$0x1], $0x1, s25, s7, $0xb8;
	[tilespmem:$0x1700] =	vst v63  }
0x1a7: {  	_ = 	snop  }
0x1a8: {  	[spmem:s2] =	stream.indirect.scatter.add.f32 [tilespmem:s8], [sflag:$0x1], $0x1, s26, s7, $0xb8;
	[tilespmem:$0x1700] =	vst v63  }
0x1a9: {  	_ = 	snop  }
0x1aa: {  	[spmem:s2] =	stream.indirect.scatter.add.f32 [tilespmem:s8], [sflag:$0x1], $0x1, s28, s7, $0xb8;
	[tilespmem:$0x1700] =	vst v63  }
0x1ab: {  	_ = 	snop  }
0x1ac: {  	[spmem:s2] =	stream.indirect.scatter.add.f32 [tilespmem:s8], [sflag:$0x1], $0x1, s29, s7, $0xb8;
	[tilespmem:$0x1700] =	vst v63  }
0x1ad: {  	_ = 	snop  }
0x1ae: {  	[spmem:s2] =	stream.indirect.scatter.add.f32 [tilespmem:s8], [sflag:$0x1], $0x1, s30, s7, $0xb8;
	[tilespmem:$0x1700] =	vst v63  }
0x1af: {  	_ = 	snop  }
0x1b0: {  	[spmem:s2] =	stream.indirect.scatter.add.f32 [tilespmem:s8], [sflag:$0x1], $0x1, s31, s7, $0xb8;
	[tilespmem:$0x1700] =	vst v63  }
0x1b1: {  	_ =	swait.ge [sflag:s9], $0x80  }
0x1b2: {  	[sflag:s9] =	ssyncset.done $0x0  }
0x1b3: {  	[sflag:s9] =	ssyncadd.s32 $0xFFFFFF80  }
0x1b4: {  	_ =	swait.ge [sflag:s9], $0x80  }
0x1b5: {  	[sflag:s9] =	ssyncset.done $0x0  }
0x1b6: {  	[sflag:s9] =	ssyncadd.s32 $0xFFFFFF80  }
0x1b7: {  	_ =	swait.ge [sflag:s9], $0x80  }
0x1b8: {  	[sflag:s9] =	ssyncset.done $0x0  }
0x1b9: {  	[sflag:s9] =	ssyncadd.s32 $0xFFFFFF80  }
0x1ba: {  	_ =	swait.ge [sflag:s9], $0x80  }
0x1bb: {  	[sflag:s9] =	ssyncset.done $0x0  }
0x1bc: {  	[sflag:s9] =	ssyncadd.s32 $0xFFFFFF80  }
0x1bd: {  	_ =	swait.ge [sflag:s9], $0x80  }
0x1be: {  	[sflag:s9] =	ssyncset.done $0x0  }
0x1bf: {  	[sflag:s9] =	ssyncadd.s32 $0xFFFFFF80  }
0x1c0: {  	_ =	swait.ge [sflag:s9], $0x80  }
0x1c1: {  	[sflag:s9] =	ssyncset.done $0x0  }
0x1c2: {  	p0 =	sne.s32 s0, $0x1;
	[sflag:s9] =	ssyncadd.s32 $0xFFFFFF80  }
.Ltmp1:
0x1c3: {  	_ =	swait.ge [sflag:s9], $0x80;
	(pc) =	sbr.rel @p0 .LBB2_1-.Ltmp1, $4  }
0x1c4: {  	[sflag:s9] =	ssyncset.done $0x0  }
0x1c5: {  	[sflag:s9] =	ssyncadd.s32 $0xFFFFFF80  }
0x1c6: {  	_ =	swait.ge [sflag:s9], $0x80  }
0x1c7: {  	s0 =	sadd.s32 $0xFFFFFFFF, s0;
	[sflag:s9] =	ssyncset.done $0x0  }
.LBB2_2:
0x1c8: {  	[sflag:s9] =	ssyncadd.s32 $0xFFFFFF80  }
0x1c9: {  	[bflag:$0x0] =	sbarrier.arrive $0xFFFF  }
0x1ca: {  	s0 =	rddreg [dreg:$0x6]  }
0x1cb: {  	[hbm:s0], [sflag:s5] =	dma.local [spmem:s6], $0x50  }
0x1cc: {  	_ =	swait.ge [sflag:s4], $0x50  }
0x1cd: {  	[sflag:s4] =	ssyncset.done $0x0  }
0x1ce: {  	[sflag:s4] =	ssyncadd.s32 $0xFFFFFFB0  }
0x1cf: {  	_ =	sfence.sel $0x180000  }
0x1d0: {  	[bflag:$0x0] =	sbarrier.arrive $0xFFFF  }
0x1d1: {  	_ =	strace $0x90000047  }
0x1d2: {  	s31 =	stileid.u32;
	[bflag:$0x2] =	sbarrier.arrive $0xFFFF  }
0x1d3: {  	p0 =	sne.s32 s31, $0x0;
	s0 =	rddreg [dreg:$0x3]  }
0x1d4: {  	s0 =	sadd.s32 @!p0 $0x100000, s0  }
0x1d5: {  	[sflag:s0] =	ssyncadd.tile.s32 @!p0 $0x1;
	_ =	shalt  }
.Lfunc_end2:
_tile_overlayer_lowered:
.L_overlay_start_2:
0x1d6: {  	(tag) =	ssettag $0x2  }
0x1d7: {  	s0 =	rddreg [dreg:$0x0];
	s2 =	stileid.u32  }
0x1d8: {  	s1 =	rddreg [dreg:$0x1];
	p0 =	sne.s32 s2, $0x0  }
0x1d9: {  	s3 =	rddreg [dreg:$0x2];
	[bflag:$0x3] =	sbarrier.arrive $0xFFFF;
	s2 =	simm.s32 @!p0 $0x1C02  }
0x1da: {  	[timem:s3], [sflag:s2] =	dma.local @!p0 [hbm:s0], s1  }
0x1db: {  	s0 =	simm.s32 @!p0 $0x2  }
0x1dc: {  	_ =	swait.ge @!p0 [sflag:s0], s1  }
0x1dd: {  	s1 =	ssub.s32 @!p0 $0x0, s1;
	[sflag:s0] =	ssyncset.done @!p0 $0x0  }
0x1de: {  	[sflag:s0] =	ssyncadd.s32 @!p0 s1  }
0x1df: {  	[bflag:$0x3] =	sbarrier.arrive $0xFFFF  }
0x1e0: {  	_ =	shalt  }

</sc_bundles>
